<compile_context>
chip_gen: v7x
topology: tpu7x:2x2x1
jax: 0.10.2.dev20260603
libtpu: 0.0.44.dev20260713+nightly
codegen_flags: <defaults>
</compile_context>

<pallas_src>
import functools

import jax
import jax.numpy as jnp
from jax import lax
from jax.experimental import pallas as pl
from jax.experimental.pallas import tpu as pltpu
from jax.experimental.pallas import tpu_sc as plsc

N = 10000
E = 320000
IN_CH = 128
HEADS = 8
HID = 16
F = HEADS * HID
OUT_CH = 64
AW = 16

NC = 2
NS = 16
NW = NC * NS
CHUNK = 80
TOTCH = E // CHUNK
NPAD = 10240
RPT = NPAD // NS
ZR = 128

TCB = 1000


def _proj_body(x_ref, w_ref, as_ref, ad_ref, h_ref, s_ref, d_ref):
    h = jnp.dot(x_ref[...], w_ref[...], preferred_element_type=jnp.float32)
    h_ref[...] = h
    s_ref[...] = jnp.dot(h, as_ref[...], preferred_element_type=jnp.float32)
    d_ref[...] = jnp.dot(h, ad_ref[...], preferred_element_type=jnp.float32)


def _proj(x, W, a_s, a_d):
    return pl.pallas_call(
        _proj_body,
        grid=(N // TCB,),
        in_specs=[
            pl.BlockSpec((TCB, IN_CH), lambda i: (i, 0)),
            pl.BlockSpec((IN_CH, F), lambda i: (0, 0)),
            pl.BlockSpec((F, AW), lambda i: (0, 0)),
            pl.BlockSpec((F, AW), lambda i: (0, 0)),
        ],
        out_specs=[
            pl.BlockSpec((TCB, F), lambda i: (i, 0)),
            pl.BlockSpec((TCB, AW), lambda i: (i, 0)),
            pl.BlockSpec((TCB, AW), lambda i: (i, 0)),
        ],
        out_shape=[
            jax.ShapeDtypeStruct((N, F), jnp.float32),
            jax.ShapeDtypeStruct((N, AW), jnp.float32),
            jax.ShapeDtypeStruct((N, AW), jnp.float32),
        ],
    )(x, W, a_s, a_d)


def _edge_body(h_hbm, asrc_hbm, adst_hbm, src_hbm, dst_hbm,
               acc_out, den_out,
               sidx0, didx0, asb0, adb0, exb0, hb0,
               sidx1, didx1, asb1, adb1, exb1, hb1,
               acc_s, den_s, sem0, sem1):
    cid = lax.axis_index("c")
    sid = lax.axis_index("s")
    wid = cid * NS + sid

    A = (sidx0, didx0, asb0, adb0, exb0, hb0, sem0)
    B = (sidx1, didx1, asb1, adb1, exb1, hb1, sem1)

    def _zero(i, _):
        for j in range(F // 16):
            hb0[i, pl.ds(j * 16, 16)] = jnp.zeros((16,), jnp.float32)
        exb0[i] = jnp.zeros((16,), jnp.float32)
        return _
    lax.fori_loop(0, CHUNK, _zero, None)
    for k in range(RPT // CHUNK):
        pltpu.sync_copy(hb0, acc_s.at[pl.ds(sid * RPT + k * CHUNK, CHUNK)])
        pltpu.sync_copy(exb0, den_s.at[pl.ds(sid * RPT + k * CHUNK, CHUNK)])
    plsc.subcore_barrier()

    def _issue(c, bufs):
        sidx, didx, asb, adb, exb, hb, sem = bufs
        base = (wid + NW * c) * CHUNK
        pltpu.sync_copy(src_hbm.at[pl.ds(base, CHUNK)], sidx)
        pltpu.sync_copy(dst_hbm.at[pl.ds(base, CHUNK)], didx)
        pltpu.async_copy(asrc_hbm.at[sidx], asb, sem)
        pltpu.async_copy(adst_hbm.at[didx], adb, sem)
        pltpu.async_copy(h_hbm.at[sidx], hb, sem)

    def _process(bufs):
        sidx, didx, asb, adb, exb, hb, sem = bufs
        pltpu.make_async_copy(asrc_hbm.at[sidx], asb, sem).wait()
        pltpu.make_async_copy(adst_hbm.at[didx], adb, sem).wait()
        pltpu.make_async_copy(h_hbm.at[sidx], hb, sem).wait()

        def _ex(e, _):
            v = asb[e] + adb[e]
            v = jnp.maximum(v, 0.2 * v)
            exb[e] = jnp.exp(v)
            return _
        lax.fori_loop(0, CHUNK, _ex, None, unroll=8)
        pltpu.sync_copy(exb, den_s.at[didx], add=True)

        def _scale(e, _):
            exrow = exb[e]
            for hh in range(HEADS):
                s = exrow[hh]
                hb[e, pl.ds(hh * HID, HID)] = hb[e, pl.ds(hh * HID, HID)] * s
            return _
        lax.fori_loop(0, CHUNK, _scale, None, unroll=2)
        pltpu.sync_copy(hb, acc_s.at[didx], add=True)

    _issue(0, A)

    def _pair(i, _):
        _issue(2 * i + 1, B)
        _process(A)
        _issue(2 * i + 2, A)
        _process(B)
        return _
    lax.fori_loop(0, (TOTCH // NW - 1) // 2, _pair, None)
    _process(A)

    plsc.subcore_barrier()

    r0 = sid * RPT
    pltpu.sync_copy(acc_s.at[pl.ds(r0, RPT)], acc_out.at[cid, pl.ds(r0, RPT)])
    pltpu.sync_copy(den_s.at[pl.ds(r0, RPT)], den_out.at[cid, pl.ds(r0, RPT)])


def _edge(h, asrc_t, adst_t, src, dst):
    mesh = plsc.VectorSubcoreMesh(core_axis_name="c", subcore_axis_name="s")
    f = pl.kernel(
        _edge_body,
        out_type=[
            jax.ShapeDtypeStruct((NC, NPAD, F), jnp.float32),
            jax.ShapeDtypeStruct((NC, NPAD, AW), jnp.float32),
        ],
        mesh=mesh,
        scratch_types=(
            [pltpu.VMEM((CHUNK,), jnp.int32),
             pltpu.VMEM((CHUNK,), jnp.int32),
             pltpu.VMEM((CHUNK, AW), jnp.float32),
             pltpu.VMEM((CHUNK, AW), jnp.float32),
             pltpu.VMEM((CHUNK, AW), jnp.float32),
             pltpu.VMEM((CHUNK, F), jnp.float32)] * 2
            + [pltpu.VMEM_SHARED((NPAD, F), jnp.float32),
               pltpu.VMEM_SHARED((NPAD, AW), jnp.float32),
               pltpu.SemaphoreType.DMA,
               pltpu.SemaphoreType.DMA]
        ),
        compiler_params=pltpu.CompilerParams(use_tc_tiling_on_sc=False),
    )
    return f(h, asrc_t, adst_t, src, dst)


def _final_body(acc0_ref, acc1_ref, den0_ref, den1_ref, r_ref, bias_ref,
                wl_ref, bl_ref, out_ref):
    acc = acc0_ref[...] + acc1_ref[...]
    den = den0_ref[...] + den1_ref[...]
    rec = 1.0 / (den + 1e-16)
    rec_b = jnp.dot(rec, r_ref[...], preferred_element_type=jnp.float32)
    pre = jnp.maximum(acc * rec_b + bias_ref[...], 0.0)
    out_ref[...] = (
        jnp.dot(pre, wl_ref[...], preferred_element_type=jnp.float32)
        + bl_ref[...]
    )


def _final(acc0, acc1, den0, den1, rmat, bias2, W_lin, bl2):
    return pl.pallas_call(
        _final_body,
        grid=(N // TCB,),
        in_specs=[
            pl.BlockSpec((TCB, F), lambda i: (i, 0)),
            pl.BlockSpec((TCB, F), lambda i: (i, 0)),
            pl.BlockSpec((TCB, AW), lambda i: (i, 0)),
            pl.BlockSpec((TCB, AW), lambda i: (i, 0)),
            pl.BlockSpec((AW, F), lambda i: (0, 0)),
            pl.BlockSpec((1, F), lambda i: (0, 0)),
            pl.BlockSpec((F, OUT_CH), lambda i: (0, 0)),
            pl.BlockSpec((1, OUT_CH), lambda i: (0, 0)),
        ],
        out_specs=pl.BlockSpec((TCB, OUT_CH), lambda i: (i, 0)),
        out_shape=jax.ShapeDtypeStruct((N, OUT_CH), jnp.float32),
    )(acc0, acc1, den0, den1, rmat, bias2, W_lin, bl2)


def kernel(x, edge_index, W, att_src, att_dst, bias, W_lin, b_lin):
    src = edge_index[0].astype(jnp.int32)
    dst = edge_index[1].astype(jnp.int32)

    eye8 = jnp.eye(HEADS, dtype=jnp.float32)
    a_s = (att_src.reshape(HEADS, HID)[:, :, None]
           * eye8[:, None, :]).reshape(F, HEADS)
    a_d = (att_dst.reshape(HEADS, HID)[:, :, None]
           * eye8[:, None, :]).reshape(F, HEADS)
    a_s = jnp.pad(a_s, ((0, 0), (0, AW - HEADS)))
    a_d = jnp.pad(a_d, ((0, 0), (0, AW - HEADS)))

    h, asrc_t, adst_t = _proj(x, W, a_s, a_d)

    acc_c, den_c = _edge(h, asrc_t, adst_t, src, dst)

    rmat = (eye8[:, :, None]
            * jnp.ones((1, 1, HID), jnp.float32)).reshape(HEADS, F)
    rmat = jnp.pad(rmat, ((0, AW - HEADS), (0, 0)))

    return _final(acc_c[0, :N], acc_c[1, :N], den_c[0, :N], den_c[1, :N], rmat,
                  bias.reshape(1, F), W_lin, bl2=b_lin.reshape(1, OUT_CH))

# --- scband reference (transcript-rebuilt; emitter-appended) ---
"""Pipeline reference for scband-gat-9586367005317 (READ-ONLY COPY).

The authoritative reference and input builder live on the scoring server;
editing this copy changes nothing except your own understanding.
"""

import jax, jax.numpy as jnp
import numpy as np

N = 10000
E = 320000
IN_CH = 128
HEADS = 8
HID = 16
OUT_CH = 64

def setup_inputs(seed: int = 0):
    key = jax.random.key(seed)
    ks = jax.random.split(key, 8)
    x = jax.random.normal(ks[0], (N, IN_CH), dtype=jnp.float32)
    edge_index = jax.random.randint(ks[1], (2, E), 0, N)
    W = jax.random.normal(ks[2], (IN_CH, HEADS * HID), dtype=jnp.float32) / np.sqrt(IN_CH)
    att_src = jax.random.normal(ks[3], (1, HEADS, HID), dtype=jnp.float32) / np.sqrt(HID)
    att_dst = jax.random.normal(ks[4], (1, HEADS, HID), dtype=jnp.float32) / np.sqrt(HID)
    bias = jnp.zeros((HEADS * HID,), dtype=jnp.float32)
    W_lin = jax.random.normal(ks[5], (HEADS * HID, OUT_CH), dtype=jnp.float32) / np.sqrt(HEADS * HID)
    b_lin = jnp.zeros((OUT_CH,), dtype=jnp.float32)
    return {"x": x, "edge_index": edge_index, "W": W, "att_src": att_src, "att_dst": att_dst, "bias": bias, "W_lin": W_lin, "b_lin": b_lin}

def _gat_forward(x, edge_index, W, att_src, att_dst, bias, W_lin, b_lin):
    src = edge_index[0]
    dst = edge_index[1]
    # GATConv: linear transform then per-head attention
    h = (x @ W).reshape(N, HEADS, HID)
    a_src = jnp.sum(h * att_src, axis=-1)  # [N, H]
    a_dst = jnp.sum(h * att_dst, axis=-1)  # [N, H]
    alpha = a_src[src] + a_dst[dst]  # [E, H]
    alpha = jax.nn.leaky_relu(alpha, negative_slope=0.2)
    # softmax over edges grouped by destination node
    amax = jax.ops.segment_max(alpha, dst, num_segments=N)
    amax = jax.lax.stop_gradient(amax)
    amax = jnp.where(jnp.isfinite(amax), amax, 0.0)
    ex = jnp.exp(alpha - amax[dst])
    denom = jax.ops.segment_sum(ex, dst, num_segments=N)
    coef = ex / (denom[dst] + 1e-16)  # [E, H]
    # attention dropout skipped (eval mode)
    msg = h[src] * coef[:, :, None]  # [E, H, HID]
    out = jax.ops.segment_sum(msg, dst, num_segments=N)  # [N, H, HID]
    out = out.reshape(N, HEADS * HID) + bias  # concat=True
    out = jax.nn.relu(out)
    # feature dropout skipped (eval mode)
    return out @ W_lin + b_lin

def reference(x, edge_index, W, att_src, att_dst, bias, W_lin, b_lin):
    return _gat_forward(x, edge_index, W, att_src, att_dst, bias, W_lin, b_lin)

if __name__ == "__main__":
    import jax
    _d = setup_inputs()
    print(jax.jit(kernel)(*tuple(_d.values())))

</pallas_src>

<mosaic_0001>
#map = affine_map<(d0, d1) -> (0, 0)>
#map1 = affine_map<(d0, d1) -> (0)>
#map2 = affine_map<(d0, d1) -> (0, 0, 0)>
module attributes {stable_mosaic.version = 14 : i64} {
  func.func @_edge_body(%arg0: i32, %arg1: i32, %arg2: memref<10000x128xf32, #tpu.memory_space<hbm>>, %arg3: memref<10000x16xf32, #tpu.memory_space<hbm>>, %arg4: memref<10000x16xf32, #tpu.memory_space<hbm>>, %arg5: memref<320000xi32, #tpu.memory_space<hbm>>, %arg6: memref<320000xi32, #tpu.memory_space<hbm>>, %arg7: memref<2x10240x128xf32, #tpu.memory_space<hbm>>, %arg8: memref<2x10240x16xf32, #tpu.memory_space<hbm>>, %arg9: memref<80xi32, #tpu.memory_space<vmem>>, %arg10: memref<80xi32, #tpu.memory_space<vmem>>, %arg11: memref<80x16xf32, #tpu.memory_space<vmem>>, %arg12: memref<80x16xf32, #tpu.memory_space<vmem>>, %arg13: memref<80x16xf32, #tpu.memory_space<vmem>>, %arg14: memref<80x128xf32, #tpu.memory_space<vmem>>, %arg15: memref<80xi32, #tpu.memory_space<vmem>>, %arg16: memref<80xi32, #tpu.memory_space<vmem>>, %arg17: memref<80x16xf32, #tpu.memory_space<vmem>>, %arg18: memref<80x16xf32, #tpu.memory_space<vmem>>, %arg19: memref<80x16xf32, #tpu.memory_space<vmem>>, %arg20: memref<80x128xf32, #tpu.memory_space<vmem>>, %arg21: memref<10240x128xf32, #tpu.memory_space<vmem_shared>>, %arg22: memref<10240x16xf32, #tpu.memory_space<vmem_shared>>, %arg23: memref<!tpu.dma_semaphore, #tpu.memory_space<semaphore_mem>>, %arg24: memref<!tpu.dma_semaphore, #tpu.memory_space<semaphore_mem>>) attributes {dimension_semantics = [#tpu.dimension_semantics<core_parallel>, #tpu.dimension_semantics<subcore_parallel>], iteration_bounds = array<i64: 2, 16>, scalar_prefetch = 0 : i64, scratch_operands = 16 : i64, tpu.core_type = #tpu.core_type<sc_vector_subcore>, window_params = [{transform_indices = #map}, {transform_indices = #map}, {transform_indices = #map}, {transform_indices = #map1}, {transform_indices = #map1}, {transform_indices = #map2}, {transform_indices = #map2}]} {
    %mul3A = arith.constant 16 : i32
    %mul3A_0 = arith.muli %arg0, %mul3A : i32
    %add3A = arith.addi %mul3A_0, %arg1 : i32
    %scan3A = arith.constant 0 : i32
    %scan3A_1 = arith.constant 80 : i32
    %scan3A_2 = arith.addi %scan3A, %scan3A_1 : i32
    %scan3A_3 = arith.constant 1 : i32
    scf.for %scan3A_107 = %scan3A to %scan3A_2 step %scan3A_3  : i32 {
      %broadcast_in_dim3A = arith.constant 0.000000e+00 : f32
      %broadcast_in_dim3A_108 = vector.broadcast %broadcast_in_dim3A : f32 to vector<16xf32>
      %swap3A = arith.index_cast %scan3A_107 : i32 to index
      %swap3A_109 = arith.constant 0 : index
      %swap3A_110 = tpu.vector_load %arg14[%swap3A, %swap3A_109] {strides = array<i32>} : memref<80x128xf32, #tpu.memory_space<vmem>>, vector<1x16xf32>,
      %swap3A_111 = vector.shape_cast %swap3A_110 : vector<1x16xf32> to vector<16xf32>
      %swap3A_112 = vector.shape_cast %broadcast_in_dim3A_108 : vector<16xf32> to vector<1x16xf32>
      tpu.vector_store %arg14[%swap3A, %swap3A_109], %swap3A_112 {strides = array<i32>} : memref<80x128xf32, #tpu.memory_space<vmem>>, vector<1x16xf32>,
      %broadcast_in_dim3A_113 = arith.constant 0.000000e+00 : f32
      %broadcast_in_dim3A_114 = vector.broadcast %broadcast_in_dim3A_113 : f32 to vector<16xf32>
      %swap3A_115 = arith.index_cast %scan3A_107 : i32 to index
      %swap3A_116 = arith.constant 16 : index
      %swap3A_117 = tpu.vector_load %arg14[%swap3A_115, %swap3A_116] {strides = array<i32>} : memref<80x128xf32, #tpu.memory_space<vmem>>, vector<1x16xf32>,
      %swap3A_118 = vector.shape_cast %swap3A_117 : vector<1x16xf32> to vector<16xf32>
      %swap3A_119 = vector.shape_cast %broadcast_in_dim3A_114 : vector<16xf32> to vector<1x16xf32>
      tpu.vector_store %arg14[%swap3A_115, %swap3A_116], %swap3A_119 {strides = array<i32>} : memref<80x128xf32, #tpu.memory_space<vmem>>, vector<1x16xf32>,
      %broadcast_in_dim3A_120 = arith.constant 0.000000e+00 : f32
      %broadcast_in_dim3A_121 = vector.broadcast %broadcast_in_dim3A_120 : f32 to vector<16xf32>
      %swap3A_122 = arith.index_cast %scan3A_107 : i32 to index
      %swap3A_123 = arith.constant 32 : index
      %swap3A_124 = tpu.vector_load %arg14[%swap3A_122, %swap3A_123] {strides = array<i32>} : memref<80x128xf32, #tpu.memory_space<vmem>>, vector<1x16xf32>,
      %swap3A_125 = vector.shape_cast %swap3A_124 : vector<1x16xf32> to vector<16xf32>
      %swap3A_126 = vector.shape_cast %broadcast_in_dim3A_121 : vector<16xf32> to vector<1x16xf32>
      tpu.vector_store %arg14[%swap3A_122, %swap3A_123], %swap3A_126 {strides = array<i32>} : memref<80x128xf32, #tpu.memory_space<vmem>>, vector<1x16xf32>,
      %broadcast_in_dim3A_127 = arith.constant 0.000000e+00 : f32
      %broadcast_in_dim3A_128 = vector.broadcast %broadcast_in_dim3A_127 : f32 to vector<16xf32>
      %swap3A_129 = arith.index_cast %scan3A_107 : i32 to index
      %swap3A_130 = arith.constant 48 : index
      %swap3A_131 = tpu.vector_load %arg14[%swap3A_129, %swap3A_130] {strides = array<i32>} : memref<80x128xf32, #tpu.memory_space<vmem>>, vector<1x16xf32>,
      %swap3A_132 = vector.shape_cast %swap3A_131 : vector<1x16xf32> to vector<16xf32>
      %swap3A_133 = vector.shape_cast %broadcast_in_dim3A_128 : vector<16xf32> to vector<1x16xf32>
      tpu.vector_store %arg14[%swap3A_129, %swap3A_130], %swap3A_133 {strides = array<i32>} : memref<80x128xf32, #tpu.memory_space<vmem>>, vector<1x16xf32>,
      %broadcast_in_dim3A_134 = arith.constant 0.000000e+00 : f32
      %broadcast_in_dim3A_135 = vector.broadcast %broadcast_in_dim3A_134 : f32 to vector<16xf32>
      %swap3A_136 = arith.index_cast %scan3A_107 : i32 to index
      %swap3A_137 = arith.constant 64 : index
      %swap3A_138 = tpu.vector_load %arg14[%swap3A_136, %swap3A_137] {strides = array<i32>} : memref<80x128xf32, #tpu.memory_space<vmem>>, vector<1x16xf32>,
      %swap3A_139 = vector.shape_cast %swap3A_138 : vector<1x16xf32> to vector<16xf32>
      %swap3A_140 = vector.shape_cast %broadcast_in_dim3A_135 : vector<16xf32> to vector<1x16xf32>
      tpu.vector_store %arg14[%swap3A_136, %swap3A_137], %swap3A_140 {strides = array<i32>} : memref<80x128xf32, #tpu.memory_space<vmem>>, vector<1x16xf32>,
      %broadcast_in_dim3A_141 = arith.constant 0.000000e+00 : f32
      %broadcast_in_dim3A_142 = vector.broadcast %broadcast_in_dim3A_141 : f32 to vector<16xf32>
      %swap3A_143 = arith.index_cast %scan3A_107 : i32 to index
      %swap3A_144 = arith.constant 80 : index
      %swap3A_145 = tpu.vector_load %arg14[%swap3A_143, %swap3A_144] {strides = array<i32>} : memref<80x128xf32, #tpu.memory_space<vmem>>, vector<1x16xf32>,
      %swap3A_146 = vector.shape_cast %swap3A_145 : vector<1x16xf32> to vector<16xf32>
      %swap3A_147 = vector.shape_cast %broadcast_in_dim3A_142 : vector<16xf32> to vector<1x16xf32>
      tpu.vector_store %arg14[%swap3A_143, %swap3A_144], %swap3A_147 {strides = array<i32>} : memref<80x128xf32, #tpu.memory_space<vmem>>, vector<1x16xf32>,
      %broadcast_in_dim3A_148 = arith.constant 0.000000e+00 : f32
      %broadcast_in_dim3A_149 = vector.broadcast %broadcast_in_dim3A_148 : f32 to vector<16xf32>
      %swap3A_150 = arith.index_cast %scan3A_107 : i32 to index
      %swap3A_151 = arith.constant 96 : index
      %swap3A_152 = tpu.vector_load %arg14[%swap3A_150, %swap3A_151] {strides = array<i32>} : memref<80x128xf32, #tpu.memory_space<vmem>>, vector<1x16xf32>,
      %swap3A_153 = vector.shape_cast %swap3A_152 : vector<1x16xf32> to vector<16xf32>
      %swap3A_154 = vector.shape_cast %broadcast_in_dim3A_149 : vector<16xf32> to vector<1x16xf32>
      tpu.vector_store %arg14[%swap3A_150, %swap3A_151], %swap3A_154 {strides = array<i32>} : memref<80x128xf32, #tpu.memory_space<vmem>>, vector<1x16xf32>,
      %broadcast_in_dim3A_155 = arith.constant 0.000000e+00 : f32
      %broadcast_in_dim3A_156 = vector.broadcast %broadcast_in_dim3A_155 : f32 to vector<16xf32>
      %swap3A_157 = arith.index_cast %scan3A_107 : i32 to index
      %swap3A_158 = arith.constant 112 : index
      %swap3A_159 = tpu.vector_load %arg14[%swap3A_157, %swap3A_158] {strides = array<i32>} : memref<80x128xf32, #tpu.memory_space<vmem>>, vector<1x16xf32>,
      %swap3A_160 = vector.shape_cast %swap3A_159 : vector<1x16xf32> to vector<16xf32>
      %swap3A_161 = vector.shape_cast %broadcast_in_dim3A_156 : vector<16xf32> to vector<1x16xf32>
      tpu.vector_store %arg14[%swap3A_157, %swap3A_158], %swap3A_161 {strides = array<i32>} : memref<80x128xf32, #tpu.memory_space<vmem>>, vector<1x16xf32>,
      %broadcast_in_dim3A_162 = arith.constant 0.000000e+00 : f32
      %broadcast_in_dim3A_163 = vector.broadcast %broadcast_in_dim3A_162 : f32 to vector<16xf32>
      %swap3A_164 = arith.index_cast %scan3A_107 : i32 to index
      %swap3A_165 = arith.constant 0 : index
      %swap3A_166 = tpu.vector_load %arg13[%swap3A_164, %swap3A_165] {strides = array<i32>} : memref<80x16xf32, #tpu.memory_space<vmem>>, vector<1x16xf32>,
      %swap3A_167 = vector.shape_cast %swap3A_166 : vector<1x16xf32> to vector<16xf32>
      %swap3A_168 = vector.shape_cast %broadcast_in_dim3A_163 : vector<16xf32> to vector<1x16xf32>
      tpu.vector_store %arg13[%swap3A_164, %swap3A_165], %swap3A_168 {strides = array<i32>} : memref<80x16xf32, #tpu.memory_space<vmem>>, vector<1x16xf32>,
    }
    %scan3A_4 = arith.constant 80 : i32
    %mul3A_5 = arith.constant 640 : i32
    %mul3A_6 = arith.muli %arg1, %mul3A_5 : i32
    %add3A_7 = arith.constant 0 : i32
    %add3A_8 = arith.addi %mul3A_6, %add3A_7 : i32
    "tpu.region"() ({
      %run_scoped3A = tpu.sem_alloc : memref<!tpu.dma_semaphore, #tpu.memory_space<semaphore_mem>>
      %dma_start3A_107 = arith.constant 0 : i32
      %dma_start3A_108 = tpu.memref_slice %arg21[%add3A_8, %dma_start3A_107] : memref<10240x128xf32, #tpu.memory_space<vmem_shared>> -> memref<80x128xf32, #tpu.memory_space<vmem_shared>>
      %dma_start3A_109 = arith.constant 0 : i32
      %dma_start3A_110 = tpu.memref_slice %arg21[%add3A_8, %dma_start3A_109] : memref<10240x128xf32, #tpu.memory_space<vmem_shared>> -> memref<80x128xf32, #tpu.memory_space<vmem_shared>>
      tpu.enqueue_dma source(%arg14 : memref<80x128xf32, #tpu.memory_space<vmem>>) target(%dma_start3A_110 : memref<80x128xf32, #tpu.memory_space<vmem_shared>>) target_semaphore(%run_scoped3A : memref<!tpu.dma_semaphore, #tpu.memory_space<semaphore_mem>>)
      %dma_wait3A_111 = arith.constant 0 : i32
      %dma_wait3A_112 = tpu.memref_slice %arg21[%add3A_8, %dma_wait3A_111] : memref<10240x128xf32, #tpu.memory_space<vmem_shared>> -> memref<80x128xf32, #tpu.memory_space<vmem_shared>>
      %dma_wait3A_113 = arith.constant 0 : i32
      %dma_wait3A_114 = tpu.memref_slice %arg21[%add3A_8, %dma_wait3A_113] : memref<10240x128xf32, #tpu.memory_space<vmem_shared>> -> memref<80x128xf32, #tpu.memory_space<vmem_shared>>
      tpu.wait_dma2 semaphore(%run_scoped3A : memref<!tpu.dma_semaphore, #tpu.memory_space<semaphore_mem>>) src(%arg14 : memref<80x128xf32, #tpu.memory_space<vmem>>) dst(%dma_wait3A_114 : memref<80x128xf32, #tpu.memory_space<vmem_shared>>)
      tpu.yield
    }) : () -> ()
    %mul3A_9 = arith.constant 640 : i32
    %mul3A_10 = arith.muli %arg1, %mul3A_9 : i32
    %add3A_11 = arith.constant 0 : i32
    %add3A_12 = arith.addi %mul3A_10, %add3A_11 : i32
    "tpu.region"() ({
      %run_scoped3A = tpu.sem_alloc : memref<!tpu.dma_semaphore, #tpu.memory_space<semaphore_mem>>
      %dma_start3A_107 = arith.constant 0 : i32
      %dma_start3A_108 = tpu.memref_slice %arg22[%add3A_12, %dma_start3A_107] : memref<10240x16xf32, #tpu.memory_space<vmem_shared>> -> memref<80x16xf32, #tpu.memory_space<vmem_shared>>
      %dma_start3A_109 = arith.constant 0 : i32
      %dma_start3A_110 = tpu.memref_slice %arg22[%add3A_12, %dma_start3A_109] : memref<10240x16xf32, #tpu.memory_space<vmem_shared>> -> memref<80x16xf32, #tpu.memory_space<vmem_shared>>
      tpu.enqueue_dma source(%arg13 : memref<80x16xf32, #tpu.memory_space<vmem>>) target(%dma_start3A_110 : memref<80x16xf32, #tpu.memory_space<vmem_shared>>) target_semaphore(%run_scoped3A : memref<!tpu.dma_semaphore, #tpu.memory_space<semaphore_mem>>)
      %dma_wait3A_111 = arith.constant 0 : i32
      %dma_wait3A_112 = tpu.memref_slice %arg22[%add3A_12, %dma_wait3A_111] : memref<10240x16xf32, #tpu.memory_space<vmem_shared>> -> memref<80x16xf32, #tpu.memory_space<vmem_shared>>
      %dma_wait3A_113 = arith.constant 0 : i32
      %dma_wait3A_114 = tpu.memref_slice %arg22[%add3A_12, %dma_wait3A_113] : memref<10240x16xf32, #tpu.memory_space<vmem_shared>> -> memref<80x16xf32, #tpu.memory_space<vmem_shared>>
      tpu.wait_dma2 semaphore(%run_scoped3A : memref<!tpu.dma_semaphore, #tpu.memory_space<semaphore_mem>>) src(%arg13 : memref<80x16xf32, #tpu.memory_space<vmem>>) dst(%dma_wait3A_114 : memref<80x16xf32, #tpu.memory_space<vmem_shared>>)
      tpu.yield
    }) : () -> ()
    %mul3A_13 = arith.constant 640 : i32
    %mul3A_14 = arith.muli %arg1, %mul3A_13 : i32
    %add3A_15 = arith.constant 80 : i32
    %add3A_16 = arith.addi %mul3A_14, %add3A_15 : i32
    "tpu.region"() ({
      %run_scoped3A = tpu.sem_alloc : memref<!tpu.dma_semaphore, #tpu.memory_space<semaphore_mem>>
      %dma_start3A_107 = arith.constant 0 : i32
      %dma_start3A_108 = tpu.memref_slice %arg21[%add3A_16, %dma_start3A_107] : memref<10240x128xf32, #tpu.memory_space<vmem_shared>> -> memref<80x128xf32, #tpu.memory_space<vmem_shared>>
      %dma_start3A_109 = arith.constant 0 : i32
      %dma_start3A_110 = tpu.memref_slice %arg21[%add3A_16, %dma_start3A_109] : memref<10240x128xf32, #tpu.memory_space<vmem_shared>> -> memref<80x128xf32, #tpu.memory_space<vmem_shared>>
      tpu.enqueue_dma source(%arg14 : memref<80x128xf32, #tpu.memory_space<vmem>>) target(%dma_start3A_110 : memref<80x128xf32, #tpu.memory_space<vmem_shared>>) target_semaphore(%run_scoped3A : memref<!tpu.dma_semaphore, #tpu.memory_space<semaphore_mem>>)
      %dma_wait3A_111 = arith.constant 0 : i32
      %dma_wait3A_112 = tpu.memref_slice %arg21[%add3A_16, %dma_wait3A_111] : memref<10240x128xf32, #tpu.memory_space<vmem_shared>> -> memref<80x128xf32, #tpu.memory_space<vmem_shared>>
      %dma_wait3A_113 = arith.constant 0 : i32
      %dma_wait3A_114 = tpu.memref_slice %arg21[%add3A_16, %dma_wait3A_113] : memref<10240x128xf32, #tpu.memory_space<vmem_shared>> -> memref<80x128xf32, #tpu.memory_space<vmem_shared>>
      tpu.wait_dma2 semaphore(%run_scoped3A : memref<!tpu.dma_semaphore, #tpu.memory_space<semaphore_mem>>) src(%arg14 : memref<80x128xf32, #tpu.memory_space<vmem>>) dst(%dma_wait3A_114 : memref<80x128xf32, #tpu.memory_space<vmem_shared>>)
      tpu.yield
    }) : () -> ()
    %mul3A_17 = arith.constant 640 : i32
    %mul3A_18 = arith.muli %arg1, %mul3A_17 : i32
    %add3A_19 = arith.constant 80 : i32
    %add3A_20 = arith.addi %mul3A_18, %add3A_19 : i32
    "tpu.region"() ({
      %run_scoped3A = tpu.sem_alloc : memref<!tpu.dma_semaphore, #tpu.memory_space<semaphore_mem>>
      %dma_start3A_107 = arith.constant 0 : i32
      %dma_start3A_108 = tpu.memref_slice %arg22[%add3A_20, %dma_start3A_107] : memref<10240x16xf32, #tpu.memory_space<vmem_shared>> -> memref<80x16xf32, #tpu.memory_space<vmem_shared>>
      %dma_start3A_109 = arith.constant 0 : i32
      %dma_start3A_110 = tpu.memref_slice %arg22[%add3A_20, %dma_start3A_109] : memref<10240x16xf32, #tpu.memory_space<vmem_shared>> -> memref<80x16xf32, #tpu.memory_space<vmem_shared>>
      tpu.enqueue_dma source(%arg13 : memref<80x16xf32, #tpu.memory_space<vmem>>) target(%dma_start3A_110 : memref<80x16xf32, #tpu.memory_space<vmem_shared>>) target_semaphore(%run_scoped3A : memref<!tpu.dma_semaphore, #tpu.memory_space<semaphore_mem>>)
      %dma_wait3A_111 = arith.constant 0 : i32
      %dma_wait3A_112 = tpu.memref_slice %arg22[%add3A_20, %dma_wait3A_111] : memref<10240x16xf32, #tpu.memory_space<vmem_shared>> -> memref<80x16xf32, #tpu.memory_space<vmem_shared>>
      %dma_wait3A_113 = arith.constant 0 : i32
      %dma_wait3A_114 = tpu.memref_slice %arg22[%add3A_20, %dma_wait3A_113] : memref<10240x16xf32, #tpu.memory_space<vmem_shared>> -> memref<80x16xf32, #tpu.memory_space<vmem_shared>>
      tpu.wait_dma2 semaphore(%run_scoped3A : memref<!tpu.dma_semaphore, #tpu.memory_space<semaphore_mem>>) src(%arg13 : memref<80x16xf32, #tpu.memory_space<vmem>>) dst(%dma_wait3A_114 : memref<80x16xf32, #tpu.memory_space<vmem_shared>>)
      tpu.yield
    }) : () -> ()
    %mul3A_21 = arith.constant 640 : i32
    %mul3A_22 = arith.muli %arg1, %mul3A_21 : i32
    %add3A_23 = arith.constant 160 : i32
    %add3A_24 = arith.addi %mul3A_22, %add3A_23 : i32
    "tpu.region"() ({
      %run_scoped3A = tpu.sem_alloc : memref<!tpu.dma_semaphore, #tpu.memory_space<semaphore_mem>>
      %dma_start3A_107 = arith.constant 0 : i32
      %dma_start3A_108 = tpu.memref_slice %arg21[%add3A_24, %dma_start3A_107] : memref<10240x128xf32, #tpu.memory_space<vmem_shared>> -> memref<80x128xf32, #tpu.memory_space<vmem_shared>>
      %dma_start3A_109 = arith.constant 0 : i32
      %dma_start3A_110 = tpu.memref_slice %arg21[%add3A_24, %dma_start3A_109] : memref<10240x128xf32, #tpu.memory_space<vmem_shared>> -> memref<80x128xf32, #tpu.memory_space<vmem_shared>>
      tpu.enqueue_dma source(%arg14 : memref<80x128xf32, #tpu.memory_space<vmem>>) target(%dma_start3A_110 : memref<80x128xf32, #tpu.memory_space<vmem_shared>>) target_semaphore(%run_scoped3A : memref<!tpu.dma_semaphore, #tpu.memory_space<semaphore_mem>>)
      %dma_wait3A_111 = arith.constant 0 : i32
      %dma_wait3A_112 = tpu.memref_slice %arg21[%add3A_24, %dma_wait3A_111] : memref<10240x128xf32, #tpu.memory_space<vmem_shared>> -> memref<80x128xf32, #tpu.memory_space<vmem_shared>>
      %dma_wait3A_113 = arith.constant 0 : i32
      %dma_wait3A_114 = tpu.memref_slice %arg21[%add3A_24, %dma_wait3A_113] : memref<10240x128xf32, #tpu.memory_space<vmem_shared>> -> memref<80x128xf32, #tpu.memory_space<vmem_shared>>
      tpu.wait_dma2 semaphore(%run_scoped3A : memref<!tpu.dma_semaphore, #tpu.memory_space<semaphore_mem>>) src(%arg14 : memref<80x128xf32, #tpu.memory_space<vmem>>) dst(%dma_wait3A_114 : memref<80x128xf32, #tpu.memory_space<vmem_shared>>)
      tpu.yield
    }) : () -> ()
    %mul3A_25 = arith.constant 640 : i32
    %mul3A_26 = arith.muli %arg1, %mul3A_25 : i32
    %add3A_27 = arith.constant 160 : i32
    %add3A_28 = arith.addi %mul3A_26, %add3A_27 : i32
    "tpu.region"() ({
      %run_scoped3A = tpu.sem_alloc : memref<!tpu.dma_semaphore, #tpu.memory_space<semaphore_mem>>
      %dma_start3A_107 = arith.constant 0 : i32
      %dma_start3A_108 = tpu.memref_slice %arg22[%add3A_28, %dma_start3A_107] : memref<10240x16xf32, #tpu.memory_space<vmem_shared>> -> memref<80x16xf32, #tpu.memory_space<vmem_shared>>
      %dma_start3A_109 = arith.constant 0 : i32
      %dma_start3A_110 = tpu.memref_slice %arg22[%add3A_28, %dma_start3A_109] : memref<10240x16xf32, #tpu.memory_space<vmem_shared>> -> memref<80x16xf32, #tpu.memory_space<vmem_shared>>
      tpu.enqueue_dma source(%arg13 : memref<80x16xf32, #tpu.memory_space<vmem>>) target(%dma_start3A_110 : memref<80x16xf32, #tpu.memory_space<vmem_shared>>) target_semaphore(%run_scoped3A : memref<!tpu.dma_semaphore, #tpu.memory_space<semaphore_mem>>)
      %dma_wait3A_111 = arith.constant 0 : i32
      %dma_wait3A_112 = tpu.memref_slice %arg22[%add3A_28, %dma_wait3A_111] : memref<10240x16xf32, #tpu.memory_space<vmem_shared>> -> memref<80x16xf32, #tpu.memory_space<vmem_shared>>
      %dma_wait3A_113 = arith.constant 0 : i32
      %dma_wait3A_114 = tpu.memref_slice %arg22[%add3A_28, %dma_wait3A_113] : memref<10240x16xf32, #tpu.memory_space<vmem_shared>> -> memref<80x16xf32, #tpu.memory_space<vmem_shared>>
      tpu.wait_dma2 semaphore(%run_scoped3A : memref<!tpu.dma_semaphore, #tpu.memory_space<semaphore_mem>>) src(%arg13 : memref<80x16xf32, #tpu.memory_space<vmem>>) dst(%dma_wait3A_114 : memref<80x16xf32, #tpu.memory_space<vmem_shared>>)
      tpu.yield
    }) : () -> ()
    %mul3A_29 = arith.constant 640 : i32
    %mul3A_30 = arith.muli %arg1, %mul3A_29 : i32
    %add3A_31 = arith.constant 240 : i32
    %add3A_32 = arith.addi %mul3A_30, %add3A_31 : i32
    "tpu.region"() ({
      %run_scoped3A = tpu.sem_alloc : memref<!tpu.dma_semaphore, #tpu.memory_space<semaphore_mem>>
      %dma_start3A_107 = arith.constant 0 : i32
      %dma_start3A_108 = tpu.memref_slice %arg21[%add3A_32, %dma_start3A_107] : memref<10240x128xf32, #tpu.memory_space<vmem_shared>> -> memref<80x128xf32, #tpu.memory_space<vmem_shared>>
      %dma_start3A_109 = arith.constant 0 : i32
      %dma_start3A_110 = tpu.memref_slice %arg21[%add3A_32, %dma_start3A_109] : memref<10240x128xf32, #tpu.memory_space<vmem_shared>> -> memref<80x128xf32, #tpu.memory_space<vmem_shared>>
      tpu.enqueue_dma source(%arg14 : memref<80x128xf32, #tpu.memory_space<vmem>>) target(%dma_start3A_110 : memref<80x128xf32, #tpu.memory_space<vmem_shared>>) target_semaphore(%run_scoped3A : memref<!tpu.dma_semaphore, #tpu.memory_space<semaphore_mem>>)
      %dma_wait3A_111 = arith.constant 0 : i32
      %dma_wait3A_112 = tpu.memref_slice %arg21[%add3A_32, %dma_wait3A_111] : memref<10240x128xf32, #tpu.memory_space<vmem_shared>> -> memref<80x128xf32, #tpu.memory_space<vmem_shared>>
      %dma_wait3A_113 = arith.constant 0 : i32
      %dma_wait3A_114 = tpu.memref_slice %arg21[%add3A_32, %dma_wait3A_113] : memref<10240x128xf32, #tpu.memory_space<vmem_shared>> -> memref<80x128xf32, #tpu.memory_space<vmem_shared>>
      tpu.wait_dma2 semaphore(%run_scoped3A : memref<!tpu.dma_semaphore, #tpu.memory_space<semaphore_mem>>) src(%arg14 : memref<80x128xf32, #tpu.memory_space<vmem>>) dst(%dma_wait3A_114 : memref<80x128xf32, #tpu.memory_space<vmem_shared>>)
      tpu.yield
    }) : () -> ()
    %mul3A_33 = arith.constant 640 : i32
    %mul3A_34 = arith.muli %arg1, %mul3A_33 : i32
    %add3A_35 = arith.constant 240 : i32
    %add3A_36 = arith.addi %mul3A_34, %add3A_35 : i32
    "tpu.region"() ({
      %run_scoped3A = tpu.sem_alloc : memref<!tpu.dma_semaphore, #tpu.memory_space<semaphore_mem>>
      %dma_start3A_107 = arith.constant 0 : i32
      %dma_start3A_108 = tpu.memref_slice %arg22[%add3A_36, %dma_start3A_107] : memref<10240x16xf32, #tpu.memory_space<vmem_shared>> -> memref<80x16xf32, #tpu.memory_space<vmem_shared>>
      %dma_start3A_109 = arith.constant 0 : i32
      %dma_start3A_110 = tpu.memref_slice %arg22[%add3A_36, %dma_start3A_109] : memref<10240x16xf32, #tpu.memory_space<vmem_shared>> -> memref<80x16xf32, #tpu.memory_space<vmem_shared>>
      tpu.enqueue_dma source(%arg13 : memref<80x16xf32, #tpu.memory_space<vmem>>) target(%dma_start3A_110 : memref<80x16xf32, #tpu.memory_space<vmem_shared>>) target_semaphore(%run_scoped3A : memref<!tpu.dma_semaphore, #tpu.memory_space<semaphore_mem>>)
      %dma_wait3A_111 = arith.constant 0 : i32
      %dma_wait3A_112 = tpu.memref_slice %arg22[%add3A_36, %dma_wait3A_111] : memref<10240x16xf32, #tpu.memory_space<vmem_shared>> -> memref<80x16xf32, #tpu.memory_space<vmem_shared>>
      %dma_wait3A_113 = arith.constant 0 : i32
      %dma_wait3A_114 = tpu.memref_slice %arg22[%add3A_36, %dma_wait3A_113] : memref<10240x16xf32, #tpu.memory_space<vmem_shared>> -> memref<80x16xf32, #tpu.memory_space<vmem_shared>>
      tpu.wait_dma2 semaphore(%run_scoped3A : memref<!tpu.dma_semaphore, #tpu.memory_space<semaphore_mem>>) src(%arg13 : memref<80x16xf32, #tpu.memory_space<vmem>>) dst(%dma_wait3A_114 : memref<80x16xf32, #tpu.memory_space<vmem_shared>>)
      tpu.yield
    }) : () -> ()
    %mul3A_37 = arith.constant 640 : i32
    %mul3A_38 = arith.muli %arg1, %mul3A_37 : i32
    %add3A_39 = arith.constant 320 : i32
    %add3A_40 = arith.addi %mul3A_38, %add3A_39 : i32
    "tpu.region"() ({
      %run_scoped3A = tpu.sem_alloc : memref<!tpu.dma_semaphore, #tpu.memory_space<semaphore_mem>>
      %dma_start3A_107 = arith.constant 0 : i32
      %dma_start3A_108 = tpu.memref_slice %arg21[%add3A_40, %dma_start3A_107] : memref<10240x128xf32, #tpu.memory_space<vmem_shared>> -> memref<80x128xf32, #tpu.memory_space<vmem_shared>>
      %dma_start3A_109 = arith.constant 0 : i32
      %dma_start3A_110 = tpu.memref_slice %arg21[%add3A_40, %dma_start3A_109] : memref<10240x128xf32, #tpu.memory_space<vmem_shared>> -> memref<80x128xf32, #tpu.memory_space<vmem_shared>>
      tpu.enqueue_dma source(%arg14 : memref<80x128xf32, #tpu.memory_space<vmem>>) target(%dma_start3A_110 : memref<80x128xf32, #tpu.memory_space<vmem_shared>>) target_semaphore(%run_scoped3A : memref<!tpu.dma_semaphore, #tpu.memory_space<semaphore_mem>>)
      %dma_wait3A_111 = arith.constant 0 : i32
      %dma_wait3A_112 = tpu.memref_slice %arg21[%add3A_40, %dma_wait3A_111] : memref<10240x128xf32, #tpu.memory_space<vmem_shared>> -> memref<80x128xf32, #tpu.memory_space<vmem_shared>>
      %dma_wait3A_113 = arith.constant 0 : i32
      %dma_wait3A_114 = tpu.memref_slice %arg21[%add3A_40, %dma_wait3A_113] : memref<10240x128xf32, #tpu.memory_space<vmem_shared>> -> memref<80x128xf32, #tpu.memory_space<vmem_shared>>
      tpu.wait_dma2 semaphore(%run_scoped3A : memref<!tpu.dma_semaphore, #tpu.memory_space<semaphore_mem>>) src(%arg14 : memref<80x128xf32, #tpu.memory_space<vmem>>) dst(%dma_wait3A_114 : memref<80x128xf32, #tpu.memory_space<vmem_shared>>)
      tpu.yield
    }) : () -> ()
    %mul3A_41 = arith.constant 640 : i32
    %mul3A_42 = arith.muli %arg1, %mul3A_41 : i32
    %add3A_43 = arith.constant 320 : i32
    %add3A_44 = arith.addi %mul3A_42, %add3A_43 : i32
    "tpu.region"() ({
      %run_scoped3A = tpu.sem_alloc : memref<!tpu.dma_semaphore, #tpu.memory_space<semaphore_mem>>
      %dma_start3A_107 = arith.constant 0 : i32
      %dma_start3A_108 = tpu.memref_slice %arg22[%add3A_44, %dma_start3A_107] : memref<10240x16xf32, #tpu.memory_space<vmem_shared>> -> memref<80x16xf32, #tpu.memory_space<vmem_shared>>
      %dma_start3A_109 = arith.constant 0 : i32
      %dma_start3A_110 = tpu.memref_slice %arg22[%add3A_44, %dma_start3A_109] : memref<10240x16xf32, #tpu.memory_space<vmem_shared>> -> memref<80x16xf32, #tpu.memory_space<vmem_shared>>
      tpu.enqueue_dma source(%arg13 : memref<80x16xf32, #tpu.memory_space<vmem>>) target(%dma_start3A_110 : memref<80x16xf32, #tpu.memory_space<vmem_shared>>) target_semaphore(%run_scoped3A : memref<!tpu.dma_semaphore, #tpu.memory_space<semaphore_mem>>)
      %dma_wait3A_111 = arith.constant 0 : i32
      %dma_wait3A_112 = tpu.memref_slice %arg22[%add3A_44, %dma_wait3A_111] : memref<10240x16xf32, #tpu.memory_space<vmem_shared>> -> memref<80x16xf32, #tpu.memory_space<vmem_shared>>
      %dma_wait3A_113 = arith.constant 0 : i32
      %dma_wait3A_114 = tpu.memref_slice %arg22[%add3A_44, %dma_wait3A_113] : memref<10240x16xf32, #tpu.memory_space<vmem_shared>> -> memref<80x16xf32, #tpu.memory_space<vmem_shared>>
      tpu.wait_dma2 semaphore(%run_scoped3A : memref<!tpu.dma_semaphore, #tpu.memory_space<semaphore_mem>>) src(%arg13 : memref<80x16xf32, #tpu.memory_space<vmem>>) dst(%dma_wait3A_114 : memref<80x16xf32, #tpu.memory_space<vmem_shared>>)
      tpu.yield
    }) : () -> ()
    %mul3A_45 = arith.constant 640 : i32
    %mul3A_46 = arith.muli %arg1, %mul3A_45 : i32
    %add3A_47 = arith.constant 400 : i32
    %add3A_48 = arith.addi %mul3A_46, %add3A_47 : i32
    "tpu.region"() ({
      %run_scoped3A = tpu.sem_alloc : memref<!tpu.dma_semaphore, #tpu.memory_space<semaphore_mem>>
      %dma_start3A_107 = arith.constant 0 : i32
      %dma_start3A_108 = tpu.memref_slice %arg21[%add3A_48, %dma_start3A_107] : memref<10240x128xf32, #tpu.memory_space<vmem_shared>> -> memref<80x128xf32, #tpu.memory_space<vmem_shared>>
      %dma_start3A_109 = arith.constant 0 : i32
      %dma_start3A_110 = tpu.memref_slice %arg21[%add3A_48, %dma_start3A_109] : memref<10240x128xf32, #tpu.memory_space<vmem_shared>> -> memref<80x128xf32, #tpu.memory_space<vmem_shared>>
      tpu.enqueue_dma source(%arg14 : memref<80x128xf32, #tpu.memory_space<vmem>>) target(%dma_start3A_110 : memref<80x128xf32, #tpu.memory_space<vmem_shared>>) target_semaphore(%run_scoped3A : memref<!tpu.dma_semaphore, #tpu.memory_space<semaphore_mem>>)
      %dma_wait3A_111 = arith.constant 0 : i32
      %dma_wait3A_112 = tpu.memref_slice %arg21[%add3A_48, %dma_wait3A_111] : memref<10240x128xf32, #tpu.memory_space<vmem_shared>> -> memref<80x128xf32, #tpu.memory_space<vmem_shared>>
      %dma_wait3A_113 = arith.constant 0 : i32
      %dma_wait3A_114 = tpu.memref_slice %arg21[%add3A_48, %dma_wait3A_113] : memref<10240x128xf32, #tpu.memory_space<vmem_shared>> -> memref<80x128xf32, #tpu.memory_space<vmem_shared>>
      tpu.wait_dma2 semaphore(%run_scoped3A : memref<!tpu.dma_semaphore, #tpu.memory_space<semaphore_mem>>) src(%arg14 : memref<80x128xf32, #tpu.memory_space<vmem>>) dst(%dma_wait3A_114 : memref<80x128xf32, #tpu.memory_space<vmem_shared>>)
      tpu.yield
    }) : () -> ()
    %mul3A_49 = arith.constant 640 : i32
    %mul3A_50 = arith.muli %arg1, %mul3A_49 : i32
    %add3A_51 = arith.constant 400 : i32
    %add3A_52 = arith.addi %mul3A_50, %add3A_51 : i32
    "tpu.region"() ({
      %run_scoped3A = tpu.sem_alloc : memref<!tpu.dma_semaphore, #tpu.memory_space<semaphore_mem>>
      %dma_start3A_107 = arith.constant 0 : i32
      %dma_start3A_108 = tpu.memref_slice %arg22[%add3A_52, %dma_start3A_107] : memref<10240x16xf32, #tpu.memory_space<vmem_shared>> -> memref<80x16xf32, #tpu.memory_space<vmem_shared>>
      %dma_start3A_109 = arith.constant 0 : i32
      %dma_start3A_110 = tpu.memref_slice %arg22[%add3A_52, %dma_start3A_109] : memref<10240x16xf32, #tpu.memory_space<vmem_shared>> -> memref<80x16xf32, #tpu.memory_space<vmem_shared>>
      tpu.enqueue_dma source(%arg13 : memref<80x16xf32, #tpu.memory_space<vmem>>) target(%dma_start3A_110 : memref<80x16xf32, #tpu.memory_space<vmem_shared>>) target_semaphore(%run_scoped3A : memref<!tpu.dma_semaphore, #tpu.memory_space<semaphore_mem>>)
      %dma_wait3A_111 = arith.constant 0 : i32
      %dma_wait3A_112 = tpu.memref_slice %arg22[%add3A_52, %dma_wait3A_111] : memref<10240x16xf32, #tpu.memory_space<vmem_shared>> -> memref<80x16xf32, #tpu.memory_space<vmem_shared>>
      %dma_wait3A_113 = arith.constant 0 : i32
      %dma_wait3A_114 = tpu.memref_slice %arg22[%add3A_52, %dma_wait3A_113] : memref<10240x16xf32, #tpu.memory_space<vmem_shared>> -> memref<80x16xf32, #tpu.memory_space<vmem_shared>>
      tpu.wait_dma2 semaphore(%run_scoped3A : memref<!tpu.dma_semaphore, #tpu.memory_space<semaphore_mem>>) src(%arg13 : memref<80x16xf32, #tpu.memory_space<vmem>>) dst(%dma_wait3A_114 : memref<80x16xf32, #tpu.memory_space<vmem_shared>>)
      tpu.yield
    }) : () -> ()
    %mul3A_53 = arith.constant 640 : i32
    %mul3A_54 = arith.muli %arg1, %mul3A_53 : i32
    %add3A_55 = arith.constant 480 : i32
    %add3A_56 = arith.addi %mul3A_54, %add3A_55 : i32
    "tpu.region"() ({
      %run_scoped3A = tpu.sem_alloc : memref<!tpu.dma_semaphore, #tpu.memory_space<semaphore_mem>>
      %dma_start3A_107 = arith.constant 0 : i32
      %dma_start3A_108 = tpu.memref_slice %arg21[%add3A_56, %dma_start3A_107] : memref<10240x128xf32, #tpu.memory_space<vmem_shared>> -> memref<80x128xf32, #tpu.memory_space<vmem_shared>>
      %dma_start3A_109 = arith.constant 0 : i32
      %dma_start3A_110 = tpu.memref_slice %arg21[%add3A_56, %dma_start3A_109] : memref<10240x128xf32, #tpu.memory_space<vmem_shared>> -> memref<80x128xf32, #tpu.memory_space<vmem_shared>>
      tpu.enqueue_dma source(%arg14 : memref<80x128xf32, #tpu.memory_space<vmem>>) target(%dma_start3A_110 : memref<80x128xf32, #tpu.memory_space<vmem_shared>>) target_semaphore(%run_scoped3A : memref<!tpu.dma_semaphore, #tpu.memory_space<semaphore_mem>>)
      %dma_wait3A_111 = arith.constant 0 : i32
      %dma_wait3A_112 = tpu.memref_slice %arg21[%add3A_56, %dma_wait3A_111] : memref<10240x128xf32, #tpu.memory_space<vmem_shared>> -> memref<80x128xf32, #tpu.memory_space<vmem_shared>>
      %dma_wait3A_113 = arith.constant 0 : i32
      %dma_wait3A_114 = tpu.memref_slice %arg21[%add3A_56, %dma_wait3A_113] : memref<10240x128xf32, #tpu.memory_space<vmem_shared>> -> memref<80x128xf32, #tpu.memory_space<vmem_shared>>
      tpu.wait_dma2 semaphore(%run_scoped3A : memref<!tpu.dma_semaphore, #tpu.memory_space<semaphore_mem>>) src(%arg14 : memref<80x128xf32, #tpu.memory_space<vmem>>) dst(%dma_wait3A_114 : memref<80x128xf32, #tpu.memory_space<vmem_shared>>)
      tpu.yield
    }) : () -> ()
    %mul3A_57 = arith.constant 640 : i32
    %mul3A_58 = arith.muli %arg1, %mul3A_57 : i32
    %add3A_59 = arith.constant 480 : i32
    %add3A_60 = arith.addi %mul3A_58, %add3A_59 : i32
    "tpu.region"() ({
      %run_scoped3A = tpu.sem_alloc : memref<!tpu.dma_semaphore, #tpu.memory_space<semaphore_mem>>
      %dma_start3A_107 = arith.constant 0 : i32
      %dma_start3A_108 = tpu.memref_slice %arg22[%add3A_60, %dma_start3A_107] : memref<10240x16xf32, #tpu.memory_space<vmem_shared>> -> memref<80x16xf32, #tpu.memory_space<vmem_shared>>
      %dma_start3A_109 = arith.constant 0 : i32
      %dma_start3A_110 = tpu.memref_slice %arg22[%add3A_60, %dma_start3A_109] : memref<10240x16xf32, #tpu.memory_space<vmem_shared>> -> memref<80x16xf32, #tpu.memory_space<vmem_shared>>
      tpu.enqueue_dma source(%arg13 : memref<80x16xf32, #tpu.memory_space<vmem>>) target(%dma_start3A_110 : memref<80x16xf32, #tpu.memory_space<vmem_shared>>) target_semaphore(%run_scoped3A : memref<!tpu.dma_semaphore, #tpu.memory_space<semaphore_mem>>)
      %dma_wait3A_111 = arith.constant 0 : i32
      %dma_wait3A_112 = tpu.memref_slice %arg22[%add3A_60, %dma_wait3A_111] : memref<10240x16xf32, #tpu.memory_space<vmem_shared>> -> memref<80x16xf32, #tpu.memory_space<vmem_shared>>
      %dma_wait3A_113 = arith.constant 0 : i32
      %dma_wait3A_114 = tpu.memref_slice %arg22[%add3A_60, %dma_wait3A_113] : memref<10240x16xf32, #tpu.memory_space<vmem_shared>> -> memref<80x16xf32, #tpu.memory_space<vmem_shared>>
      tpu.wait_dma2 semaphore(%run_scoped3A : memref<!tpu.dma_semaphore, #tpu.memory_space<semaphore_mem>>) src(%arg13 : memref<80x16xf32, #tpu.memory_space<vmem>>) dst(%dma_wait3A_114 : memref<80x16xf32, #tpu.memory_space<vmem_shared>>)
      tpu.yield
    }) : () -> ()
    %mul3A_61 = arith.constant 640 : i32
    %mul3A_62 = arith.muli %arg1, %mul3A_61 : i32
    %add3A_63 = arith.constant 560 : i32
    %add3A_64 = arith.addi %mul3A_62, %add3A_63 : i32
    "tpu.region"() ({
      %run_scoped3A = tpu.sem_alloc : memref<!tpu.dma_semaphore, #tpu.memory_space<semaphore_mem>>
      %dma_start3A_107 = arith.constant 0 : i32
      %dma_start3A_108 = tpu.memref_slice %arg21[%add3A_64, %dma_start3A_107] : memref<10240x128xf32, #tpu.memory_space<vmem_shared>> -> memref<80x128xf32, #tpu.memory_space<vmem_shared>>
      %dma_start3A_109 = arith.constant 0 : i32
      %dma_start3A_110 = tpu.memref_slice %arg21[%add3A_64, %dma_start3A_109] : memref<10240x128xf32, #tpu.memory_space<vmem_shared>> -> memref<80x128xf32, #tpu.memory_space<vmem_shared>>
      tpu.enqueue_dma source(%arg14 : memref<80x128xf32, #tpu.memory_space<vmem>>) target(%dma_start3A_110 : memref<80x128xf32, #tpu.memory_space<vmem_shared>>) target_semaphore(%run_scoped3A : memref<!tpu.dma_semaphore, #tpu.memory_space<semaphore_mem>>)
      %dma_wait3A_111 = arith.constant 0 : i32
      %dma_wait3A_112 = tpu.memref_slice %arg21[%add3A_64, %dma_wait3A_111] : memref<10240x128xf32, #tpu.memory_space<vmem_shared>> -> memref<80x128xf32, #tpu.memory_space<vmem_shared>>
      %dma_wait3A_113 = arith.constant 0 : i32
      %dma_wait3A_114 = tpu.memref_slice %arg21[%add3A_64, %dma_wait3A_113] : memref<10240x128xf32, #tpu.memory_space<vmem_shared>> -> memref<80x128xf32, #tpu.memory_space<vmem_shared>>
      tpu.wait_dma2 semaphore(%run_scoped3A : memref<!tpu.dma_semaphore, #tpu.memory_space<semaphore_mem>>) src(%arg14 : memref<80x128xf32, #tpu.memory_space<vmem>>) dst(%dma_wait3A_114 : memref<80x128xf32, #tpu.memory_space<vmem_shared>>)
      tpu.yield
    }) : () -> ()
    %mul3A_65 = arith.constant 640 : i32
    %mul3A_66 = arith.muli %arg1, %mul3A_65 : i32
    %add3A_67 = arith.constant 560 : i32
    %add3A_68 = arith.addi %mul3A_66, %add3A_67 : i32
    "tpu.region"() ({
      %run_scoped3A = tpu.sem_alloc : memref<!tpu.dma_semaphore, #tpu.memory_space<semaphore_mem>>
      %dma_start3A_107 = arith.constant 0 : i32
      %dma_start3A_108 = tpu.memref_slice %arg22[%add3A_68, %dma_start3A_107] : memref<10240x16xf32, #tpu.memory_space<vmem_shared>> -> memref<80x16xf32, #tpu.memory_space<vmem_shared>>
      %dma_start3A_109 = arith.constant 0 : i32
      %dma_start3A_110 = tpu.memref_slice %arg22[%add3A_68, %dma_start3A_109] : memref<10240x16xf32, #tpu.memory_space<vmem_shared>> -> memref<80x16xf32, #tpu.memory_space<vmem_shared>>
      tpu.enqueue_dma source(%arg13 : memref<80x16xf32, #tpu.memory_space<vmem>>) target(%dma_start3A_110 : memref<80x16xf32, #tpu.memory_space<vmem_shared>>) target_semaphore(%run_scoped3A : memref<!tpu.dma_semaphore, #tpu.memory_space<semaphore_mem>>)
      %dma_wait3A_111 = arith.constant 0 : i32
      %dma_wait3A_112 = tpu.memref_slice %arg22[%add3A_68, %dma_wait3A_111] : memref<10240x16xf32, #tpu.memory_space<vmem_shared>> -> memref<80x16xf32, #tpu.memory_space<vmem_shared>>
      %dma_wait3A_113 = arith.constant 0 : i32
      %dma_wait3A_114 = tpu.memref_slice %arg22[%add3A_68, %dma_wait3A_113] : memref<10240x16xf32, #tpu.memory_space<vmem_shared>> -> memref<80x16xf32, #tpu.memory_space<vmem_shared>>
      tpu.wait_dma2 semaphore(%run_scoped3A : memref<!tpu.dma_semaphore, #tpu.memory_space<semaphore_mem>>) src(%arg13 : memref<80x16xf32, #tpu.memory_space<vmem>>) dst(%dma_wait3A_114 : memref<80x16xf32, #tpu.memory_space<vmem_shared>>)
      tpu.yield
    }) : () -> ()
    %barrier3A = arith.constant 0 : index
    tpu.barrier barrier_id(%barrier3A)
    %add3A_69 = arith.constant 0 : i32
    %add3A_70 = arith.addi %add3A, %add3A_69 : i32
    %mul3A_71 = arith.constant 80 : i32
    %mul3A_72 = arith.muli %add3A_70, %mul3A_71 : i32
    "tpu.region"() ({
      %run_scoped3A = tpu.sem_alloc : memref<!tpu.dma_semaphore, #tpu.memory_space<semaphore_mem>>
      %dma_start3A_107 = tpu.memref_slice %arg5[%mul3A_72] : memref<320000xi32, #tpu.memory_space<hbm>> -> memref<80xi32, #tpu.memory_space<hbm>>
      %dma_start3A_108 = tpu.memref_slice %arg5[%mul3A_72] : memref<320000xi32, #tpu.memory_space<hbm>> -> memref<80xi32, #tpu.memory_space<hbm>>
      tpu.enqueue_dma source(%dma_start3A_108 : memref<80xi32, #tpu.memory_space<hbm>>) target(%arg9 : memref<80xi32, #tpu.memory_space<vmem>>) target_semaphore(%run_scoped3A : memref<!tpu.dma_semaphore, #tpu.memory_space<semaphore_mem>>)
      %dma_wait3A_109 = tpu.memref_slice %arg5[%mul3A_72] : memref<320000xi32, #tpu.memory_space<hbm>> -> memref<80xi32, #tpu.memory_space<hbm>>
      %dma_wait3A_110 = tpu.memref_slice %arg5[%mul3A_72] : memref<320000xi32, #tpu.memory_space<hbm>> -> memref<80xi32, #tpu.memory_space<hbm>>
      tpu.wait_dma2 semaphore(%run_scoped3A : memref<!tpu.dma_semaphore, #tpu.memory_space<semaphore_mem>>) src(%dma_wait3A_110 : memref<80xi32, #tpu.memory_space<hbm>>) dst(%arg9 : memref<80xi32, #tpu.memory_space<vmem>>)
      tpu.yield
    }) : () -> ()
    "tpu.region"() ({
      %run_scoped3A = tpu.sem_alloc : memref<!tpu.dma_semaphore, #tpu.memory_space<semaphore_mem>>
      %dma_start3A_107 = tpu.memref_slice %arg6[%mul3A_72] : memref<320000xi32, #tpu.memory_space<hbm>> -> memref<80xi32, #tpu.memory_space<hbm>>
      %dma_start3A_108 = tpu.memref_slice %arg6[%mul3A_72] : memref<320000xi32, #tpu.memory_space<hbm>> -> memref<80xi32, #tpu.memory_space<hbm>>
      tpu.enqueue_dma source(%dma_start3A_108 : memref<80xi32, #tpu.memory_space<hbm>>) target(%arg10 : memref<80xi32, #tpu.memory_space<vmem>>) target_semaphore(%run_scoped3A : memref<!tpu.dma_semaphore, #tpu.memory_space<semaphore_mem>>)
      %dma_wait3A_109 = tpu.memref_slice %arg6[%mul3A_72] : memref<320000xi32, #tpu.memory_space<hbm>> -> memref<80xi32, #tpu.memory_space<hbm>>
      %dma_wait3A_110 = tpu.memref_slice %arg6[%mul3A_72] : memref<320000xi32, #tpu.memory_space<hbm>> -> memref<80xi32, #tpu.memory_space<hbm>>
      tpu.wait_dma2 semaphore(%run_scoped3A : memref<!tpu.dma_semaphore, #tpu.memory_space<semaphore_mem>>) src(%dma_wait3A_110 : memref<80xi32, #tpu.memory_space<hbm>>) dst(%arg10 : memref<80xi32, #tpu.memory_space<vmem>>)
      tpu.yield
    }) : () -> ()
    %dma_start3A = arith.constant 0 : i32
    %dma_start3A_73 = arith.constant 0 : i32
    %dma_start3A_74 = tpu.memref_slice %arg3[%dma_start3A, %dma_start3A_73] : memref<10000x16xf32, #tpu.memory_space<hbm>> -> memref<10000x16xf32, #tpu.memory_space<hbm>>
    tpu.enqueue_indirect_dma source(%dma_start3A_74 : memref<10000x16xf32, #tpu.memory_space<hbm>>) target(%arg11 : memref<80x16xf32, #tpu.memory_space<vmem>>) offsets(%arg9 : memref<80xi32, #tpu.memory_space<vmem>>) semaphore(%arg23 : memref<!tpu.dma_semaphore, #tpu.memory_space<semaphore_mem>>)
    %dma_start3A_75 = arith.constant 0 : i32
    %dma_start3A_76 = arith.constant 0 : i32
    %dma_start3A_77 = tpu.memref_slice %arg4[%dma_start3A_75, %dma_start3A_76] : memref<10000x16xf32, #tpu.memory_space<hbm>> -> memref<10000x16xf32, #tpu.memory_space<hbm>>
    tpu.enqueue_indirect_dma source(%dma_start3A_77 : memref<10000x16xf32, #tpu.memory_space<hbm>>) target(%arg12 : memref<80x16xf32, #tpu.memory_space<vmem>>) offsets(%arg10 : memref<80xi32, #tpu.memory_space<vmem>>) semaphore(%arg23 : memref<!tpu.dma_semaphore, #tpu.memory_space<semaphore_mem>>)
    %dma_start3A_78 = arith.constant 0 : i32
    %dma_start3A_79 = arith.constant 0 : i32
    %dma_start3A_80 = tpu.memref_slice %arg2[%dma_start3A_78, %dma_start3A_79] : memref<10000x128xf32, #tpu.memory_space<hbm>> -> memref<10000x128xf32, #tpu.memory_space<hbm>>
    tpu.enqueue_indirect_dma source(%dma_start3A_80 : memref<10000x128xf32, #tpu.memory_space<hbm>>) target(%arg14 : memref<80x128xf32, #tpu.memory_space<vmem>>) offsets(%arg9 : memref<80xi32, #tpu.memory_space<vmem>>) semaphore(%arg23 : memref<!tpu.dma_semaphore, #tpu.memory_space<semaphore_mem>>)
    %scan3A_81 = arith.constant 0 : i32
    %scan3A_82 = arith.constant 62 : i32
    %scan3A_83 = arith.addi %scan3A_81, %scan3A_82 : i32
    %scan3A_84 = arith.constant 1 : i32
    scf.for %scan3A_107 = %scan3A_81 to %scan3A_83 step %scan3A_84  : i32 {
      %mul3A_108 = arith.constant 2 : i32
      %mul3A_109 = arith.muli %mul3A_108, %scan3A_107 : i32
      %add3A_110 = arith.constant 1 : i32
      %add3A_111 = arith.addi %mul3A_109, %add3A_110 : i32
      %mul3A_112 = arith.constant 32 : i32
      %mul3A_113 = arith.muli %mul3A_112, %add3A_111 : i32
      %add3A_114 = arith.addi %add3A, %mul3A_113 : i32
      %mul3A_115 = arith.constant 80 : i32
      %mul3A_116 = arith.muli %add3A_114, %mul3A_115 : i32
      "tpu.region"() ({
        %run_scoped3A = tpu.sem_alloc : memref<!tpu.dma_semaphore, #tpu.memory_space<semaphore_mem>>
        %dma_start3A_182 = tpu.memref_slice %arg5[%mul3A_116] : memref<320000xi32, #tpu.memory_space<hbm>> -> memref<80xi32, #tpu.memory_space<hbm>>
        %dma_start3A_183 = tpu.memref_slice %arg5[%mul3A_116] : memref<320000xi32, #tpu.memory_space<hbm>> -> memref<80xi32, #tpu.memory_space<hbm>>
        tpu.enqueue_dma source(%dma_start3A_183 : memref<80xi32, #tpu.memory_space<hbm>>) target(%arg15 : memref<80xi32, #tpu.memory_space<vmem>>) target_semaphore(%run_scoped3A : memref<!tpu.dma_semaphore, #tpu.memory_space<semaphore_mem>>)
        %dma_wait3A_184 = tpu.memref_slice %arg5[%mul3A_116] : memref<320000xi32, #tpu.memory_space<hbm>> -> memref<80xi32, #tpu.memory_space<hbm>>
        %dma_wait3A_185 = tpu.memref_slice %arg5[%mul3A_116] : memref<320000xi32, #tpu.memory_space<hbm>> -> memref<80xi32, #tpu.memory_space<hbm>>
        tpu.wait_dma2 semaphore(%run_scoped3A : memref<!tpu.dma_semaphore, #tpu.memory_space<semaphore_mem>>) src(%dma_wait3A_185 : memref<80xi32, #tpu.memory_space<hbm>>) dst(%arg15 : memref<80xi32, #tpu.memory_space<vmem>>)
        tpu.yield
      }) : () -> ()
      "tpu.region"() ({
        %run_scoped3A = tpu.sem_alloc : memref<!tpu.dma_semaphore, #tpu.memory_space<semaphore_mem>>
        %dma_start3A_182 = tpu.memref_slice %arg6[%mul3A_116] : memref<320000xi32, #tpu.memory_space<hbm>> -> memref<80xi32, #tpu.memory_space<hbm>>
        %dma_start3A_183 = tpu.memref_slice %arg6[%mul3A_116] : memref<320000xi32, #tpu.memory_space<hbm>> -> memref<80xi32, #tpu.memory_space<hbm>>
        tpu.enqueue_dma source(%dma_start3A_183 : memref<80xi32, #tpu.memory_space<hbm>>) target(%arg16 : memref<80xi32, #tpu.memory_space<vmem>>) target_semaphore(%run_scoped3A : memref<!tpu.dma_semaphore, #tpu.memory_space<semaphore_mem>>)
        %dma_wait3A_184 = tpu.memref_slice %arg6[%mul3A_116] : memref<320000xi32, #tpu.memory_space<hbm>> -> memref<80xi32, #tpu.memory_space<hbm>>
        %dma_wait3A_185 = tpu.memref_slice %arg6[%mul3A_116] : memref<320000xi32, #tpu.memory_space<hbm>> -> memref<80xi32, #tpu.memory_space<hbm>>
        tpu.wait_dma2 semaphore(%run_scoped3A : memref<!tpu.dma_semaphore, #tpu.memory_space<semaphore_mem>>) src(%dma_wait3A_185 : memref<80xi32, #tpu.memory_space<hbm>>) dst(%arg16 : memref<80xi32, #tpu.memory_space<vmem>>)
        tpu.yield
      }) : () -> ()
      %dma_start3A_117 = arith.constant 0 : i32
      %dma_start3A_118 = arith.constant 0 : i32
      %dma_start3A_119 = tpu.memref_slice %arg3[%dma_start3A_117, %dma_start3A_118] : memref<10000x16xf32, #tpu.memory_space<hbm>> -> memref<10000x16xf32, #tpu.memory_space<hbm>>
      tpu.enqueue_indirect_dma source(%dma_start3A_119 : memref<10000x16xf32, #tpu.memory_space<hbm>>) target(%arg17 : memref<80x16xf32, #tpu.memory_space<vmem>>) offsets(%arg15 : memref<80xi32, #tpu.memory_space<vmem>>) semaphore(%arg24 : memref<!tpu.dma_semaphore, #tpu.memory_space<semaphore_mem>>)
      %dma_start3A_120 = arith.constant 0 : i32
      %dma_start3A_121 = arith.constant 0 : i32
      %dma_start3A_122 = tpu.memref_slice %arg4[%dma_start3A_120, %dma_start3A_121] : memref<10000x16xf32, #tpu.memory_space<hbm>> -> memref<10000x16xf32, #tpu.memory_space<hbm>>
      tpu.enqueue_indirect_dma source(%dma_start3A_122 : memref<10000x16xf32, #tpu.memory_space<hbm>>) target(%arg18 : memref<80x16xf32, #tpu.memory_space<vmem>>) offsets(%arg16 : memref<80xi32, #tpu.memory_space<vmem>>) semaphore(%arg24 : memref<!tpu.dma_semaphore, #tpu.memory_space<semaphore_mem>>)
      %dma_start3A_123 = arith.constant 0 : i32
      %dma_start3A_124 = arith.constant 0 : i32
      %dma_start3A_125 = tpu.memref_slice %arg2[%dma_start3A_123, %dma_start3A_124] : memref<10000x128xf32, #tpu.memory_space<hbm>> -> memref<10000x128xf32, #tpu.memory_space<hbm>>
      tpu.enqueue_indirect_dma source(%dma_start3A_125 : memref<10000x128xf32, #tpu.memory_space<hbm>>) target(%arg20 : memref<80x128xf32, #tpu.memory_space<vmem>>) offsets(%arg15 : memref<80xi32, #tpu.memory_space<vmem>>) semaphore(%arg24 : memref<!tpu.dma_semaphore, #tpu.memory_space<semaphore_mem>>)
      %dma_wait3A_126 = arith.constant 0 : i32
      %dma_wait3A_127 = arith.constant 0 : i32
      %dma_wait3A_128 = tpu.memref_slice %arg3[%dma_wait3A_126, %dma_wait3A_127] : memref<10000x16xf32, #tpu.memory_space<hbm>> -> memref<10000x16xf32, #tpu.memory_space<hbm>>
      tpu.wait_indirect_dma semaphore(%arg23 : memref<!tpu.dma_semaphore, #tpu.memory_space<semaphore_mem>>) src(%dma_wait3A_128 : memref<10000x16xf32, #tpu.memory_space<hbm>>) dst(%arg11 : memref<80x16xf32, #tpu.memory_space<vmem>>)
      %dma_wait3A_129 = arith.constant 0 : i32
      %dma_wait3A_130 = arith.constant 0 : i32
      %dma_wait3A_131 = tpu.memref_slice %arg4[%dma_wait3A_129, %dma_wait3A_130] : memref<10000x16xf32, #tpu.memory_space<hbm>> -> memref<10000x16xf32, #tpu.memory_space<hbm>>
      tpu.wait_indirect_dma semaphore(%arg23 : memref<!tpu.dma_semaphore, #tpu.memory_space<semaphore_mem>>) src(%dma_wait3A_131 : memref<10000x16xf32, #tpu.memory_space<hbm>>) dst(%arg12 : memref<80x16xf32, #tpu.memory_space<vmem>>)
      %dma_wait3A_132 = arith.constant 0 : i32
      %dma_wait3A_133 = arith.constant 0 : i32
      %dma_wait3A_134 = tpu.memref_slice %arg2[%dma_wait3A_132, %dma_wait3A_133] : memref<10000x128xf32, #tpu.memory_space<hbm>> -> memref<10000x128xf32, #tpu.memory_space<hbm>>
      tpu.wait_indirect_dma semaphore(%arg23 : memref<!tpu.dma_semaphore, #tpu.memory_space<semaphore_mem>>) src(%dma_wait3A_134 : memref<10000x128xf32, #tpu.memory_space<hbm>>) dst(%arg14 : memref<80x128xf32, #tpu.memory_space<vmem>>)
      %scan3A_135 = arith.constant 0 : i32
      %scan3A_136 = arith.constant 80 : i32
      %scan3A_137 = arith.addi %scan3A_135, %scan3A_136 : i32
      %scan3A_138 = arith.constant 8 : i32
      scf.for %scan3A_182 = %scan3A_135 to %scan3A_137 step %scan3A_138  : i32 {
        %get3A = arith.index_cast %scan3A_182 : i32 to index
        %get3A_183 = arith.constant 0 : index
        %get3A_184 = tpu.vector_load %arg11[%get3A, %get3A_183] {strides = array<i32>} : memref<80x16xf32, #tpu.memory_space<vmem>>, vector<1x16xf32>,
        %get3A_185 = vector.shape_cast %get3A_184 : vector<1x16xf32> to vector<16xf32>
        %get3A_186 = arith.index_cast %scan3A_182 : i32 to index
        %get3A_187 = arith.constant 0 : index
        %get3A_188 = tpu.vector_load %arg12[%get3A_186, %get3A_187] {strides = array<i32>} : memref<80x16xf32, #tpu.memory_space<vmem>>, vector<1x16xf32>,
        %get3A_189 = vector.shape_cast %get3A_188 : vector<1x16xf32> to vector<16xf32>
        %add3A_190 = arith.addf %get3A_185, %get3A_189 : vector<16xf32>
        %mul3A_191 = arith.constant 2.000000e-01 : f32
        %mul3A_192 = vector.broadcast %mul3A_191 : f32 to vector<16xf32>
        %mul3A_193 = arith.mulf %mul3A_192, %add3A_190 : vector<16xf32>
        %max3A = arith.maximumf %add3A_190, %mul3A_193 : vector<16xf32>
        %exp3A = math.exp %max3A : vector<16xf32>
        %swap3A = arith.index_cast %scan3A_182 : i32 to index
        %swap3A_194 = arith.constant 0 : index
        %swap3A_195 = tpu.vector_load %arg13[%swap3A, %swap3A_194] {strides = array<i32>} : memref<80x16xf32, #tpu.memory_space<vmem>>, vector<1x16xf32>,
        %swap3A_196 = vector.shape_cast %swap3A_195 : vector<1x16xf32> to vector<16xf32>
        %swap3A_197 = vector.shape_cast %exp3A : vector<16xf32> to vector<1x16xf32>
        tpu.vector_store %arg13[%swap3A, %swap3A_194], %swap3A_197 {strides = array<i32>} : memref<80x16xf32, #tpu.memory_space<vmem>>, vector<1x16xf32>,
        %scan3A_198 = arith.constant 1 : i32
        %scan3A_199 = arith.addi %scan3A_182, %scan3A_198 : i32
        %get3A_200 = arith.index_cast %scan3A_199 : i32 to index
        %get3A_201 = arith.constant 0 : index
        %get3A_202 = tpu.vector_load %arg11[%get3A_200, %get3A_201] {strides = array<i32>} : memref<80x16xf32, #tpu.memory_space<vmem>>, vector<1x16xf32>,
        %get3A_203 = vector.shape_cast %get3A_202 : vector<1x16xf32> to vector<16xf32>
        %get3A_204 = arith.index_cast %scan3A_199 : i32 to index
        %get3A_205 = arith.constant 0 : index
        %get3A_206 = tpu.vector_load %arg12[%get3A_204, %get3A_205] {strides = array<i32>} : memref<80x16xf32, #tpu.memory_space<vmem>>, vector<1x16xf32>,
        %get3A_207 = vector.shape_cast %get3A_206 : vector<1x16xf32> to vector<16xf32>
        %add3A_208 = arith.addf %get3A_203, %get3A_207 : vector<16xf32>
        %mul3A_209 = arith.constant 2.000000e-01 : f32
        %mul3A_210 = vector.broadcast %mul3A_209 : f32 to vector<16xf32>
        %mul3A_211 = arith.mulf %mul3A_210, %add3A_208 : vector<16xf32>
        %max3A_212 = arith.maximumf %add3A_208, %mul3A_211 : vector<16xf32>
        %exp3A_213 = math.exp %max3A_212 : vector<16xf32>
        %swap3A_214 = arith.index_cast %scan3A_199 : i32 to index
        %swap3A_215 = arith.constant 0 : index
        %swap3A_216 = tpu.vector_load %arg13[%swap3A_214, %swap3A_215] {strides = array<i32>} : memref<80x16xf32, #tpu.memory_space<vmem>>, vector<1x16xf32>,
        %swap3A_217 = vector.shape_cast %swap3A_216 : vector<1x16xf32> to vector<16xf32>
        %swap3A_218 = vector.shape_cast %exp3A_213 : vector<16xf32> to vector<1x16xf32>
        tpu.vector_store %arg13[%swap3A_214, %swap3A_215], %swap3A_218 {strides = array<i32>} : memref<80x16xf32, #tpu.memory_space<vmem>>, vector<1x16xf32>,
        %scan3A_219 = arith.constant 2 : i32
        %scan3A_220 = arith.addi %scan3A_182, %scan3A_219 : i32
        %get3A_221 = arith.index_cast %scan3A_220 : i32 to index
        %get3A_222 = arith.constant 0 : index
        %get3A_223 = tpu.vector_load %arg11[%get3A_221, %get3A_222] {strides = array<i32>} : memref<80x16xf32, #tpu.memory_space<vmem>>, vector<1x16xf32>,
        %get3A_224 = vector.shape_cast %get3A_223 : vector<1x16xf32> to vector<16xf32>
        %get3A_225 = arith.index_cast %scan3A_220 : i32 to index
        %get3A_226 = arith.constant 0 : index
        %get3A_227 = tpu.vector_load %arg12[%get3A_225, %get3A_226] {strides = array<i32>} : memref<80x16xf32, #tpu.memory_space<vmem>>, vector<1x16xf32>,
        %get3A_228 = vector.shape_cast %get3A_227 : vector<1x16xf32> to vector<16xf32>
        %add3A_229 = arith.addf %get3A_224, %get3A_228 : vector<16xf32>
        %mul3A_230 = arith.constant 2.000000e-01 : f32
        %mul3A_231 = vector.broadcast %mul3A_230 : f32 to vector<16xf32>
        %mul3A_232 = arith.mulf %mul3A_231, %add3A_229 : vector<16xf32>
        %max3A_233 = arith.maximumf %add3A_229, %mul3A_232 : vector<16xf32>
        %exp3A_234 = math.exp %max3A_233 : vector<16xf32>
        %swap3A_235 = arith.index_cast %scan3A_220 : i32 to index
        %swap3A_236 = arith.constant 0 : index
        %swap3A_237 = tpu.vector_load %arg13[%swap3A_235, %swap3A_236] {strides = array<i32>} : memref<80x16xf32, #tpu.memory_space<vmem>>, vector<1x16xf32>,
        %swap3A_238 = vector.shape_cast %swap3A_237 : vector<1x16xf32> to vector<16xf32>
        %swap3A_239 = vector.shape_cast %exp3A_234 : vector<16xf32> to vector<1x16xf32>
        tpu.vector_store %arg13[%swap3A_235, %swap3A_236], %swap3A_239 {strides = array<i32>} : memref<80x16xf32, #tpu.memory_space<vmem>>, vector<1x16xf32>,
        %scan3A_240 = arith.constant 3 : i32
        %scan3A_241 = arith.addi %scan3A_182, %scan3A_240 : i32
        %get3A_242 = arith.index_cast %scan3A_241 : i32 to index
        %get3A_243 = arith.constant 0 : index
        %get3A_244 = tpu.vector_load %arg11[%get3A_242, %get3A_243] {strides = array<i32>} : memref<80x16xf32, #tpu.memory_space<vmem>>, vector<1x16xf32>,
        %get3A_245 = vector.shape_cast %get3A_244 : vector<1x16xf32> to vector<16xf32>
        %get3A_246 = arith.index_cast %scan3A_241 : i32 to index
        %get3A_247 = arith.constant 0 : index
        %get3A_248 = tpu.vector_load %arg12[%get3A_246, %get3A_247] {strides = array<i32>} : memref<80x16xf32, #tpu.memory_space<vmem>>, vector<1x16xf32>,
        %get3A_249 = vector.shape_cast %get3A_248 : vector<1x16xf32> to vector<16xf32>
        %add3A_250 = arith.addf %get3A_245, %get3A_249 : vector<16xf32>
        %mul3A_251 = arith.constant 2.000000e-01 : f32
        %mul3A_252 = vector.broadcast %mul3A_251 : f32 to vector<16xf32>
        %mul3A_253 = arith.mulf %mul3A_252, %add3A_250 : vector<16xf32>
        %max3A_254 = arith.maximumf %add3A_250, %mul3A_253 : vector<16xf32>
        %exp3A_255 = math.exp %max3A_254 : vector<16xf32>
        %swap3A_256 = arith.index_cast %scan3A_241 : i32 to index
        %swap3A_257 = arith.constant 0 : index
        %swap3A_258 = tpu.vector_load %arg13[%swap3A_256, %swap3A_257] {strides = array<i32>} : memref<80x16xf32, #tpu.memory_space<vmem>>, vector<1x16xf32>,
        %swap3A_259 = vector.shape_cast %swap3A_258 : vector<1x16xf32> to vector<16xf32>
        %swap3A_260 = vector.shape_cast %exp3A_255 : vector<16xf32> to vector<1x16xf32>
        tpu.vector_store %arg13[%swap3A_256, %swap3A_257], %swap3A_260 {strides = array<i32>} : memref<80x16xf32, #tpu.memory_space<vmem>>, vector<1x16xf32>,
        %scan3A_261 = arith.constant 4 : i32
        %scan3A_262 = arith.addi %scan3A_182, %scan3A_261 : i32
        %get3A_263 = arith.index_cast %scan3A_262 : i32 to index
        %get3A_264 = arith.constant 0 : index
        %get3A_265 = tpu.vector_load %arg11[%get3A_263, %get3A_264] {strides = array<i32>} : memref<80x16xf32, #tpu.memory_space<vmem>>, vector<1x16xf32>,
        %get3A_266 = vector.shape_cast %get3A_265 : vector<1x16xf32> to vector<16xf32>
        %get3A_267 = arith.index_cast %scan3A_262 : i32 to index
        %get3A_268 = arith.constant 0 : index
        %get3A_269 = tpu.vector_load %arg12[%get3A_267, %get3A_268] {strides = array<i32>} : memref<80x16xf32, #tpu.memory_space<vmem>>, vector<1x16xf32>,
        %get3A_270 = vector.shape_cast %get3A_269 : vector<1x16xf32> to vector<16xf32>
        %add3A_271 = arith.addf %get3A_266, %get3A_270 : vector<16xf32>
        %mul3A_272 = arith.constant 2.000000e-01 : f32
        %mul3A_273 = vector.broadcast %mul3A_272 : f32 to vector<16xf32>
        %mul3A_274 = arith.mulf %mul3A_273, %add3A_271 : vector<16xf32>
        %max3A_275 = arith.maximumf %add3A_271, %mul3A_274 : vector<16xf32>
        %exp3A_276 = math.exp %max3A_275 : vector<16xf32>
        %swap3A_277 = arith.index_cast %scan3A_262 : i32 to index
        %swap3A_278 = arith.constant 0 : index
        %swap3A_279 = tpu.vector_load %arg13[%swap3A_277, %swap3A_278] {strides = array<i32>} : memref<80x16xf32, #tpu.memory_space<vmem>>, vector<1x16xf32>,
        %swap3A_280 = vector.shape_cast %swap3A_279 : vector<1x16xf32> to vector<16xf32>
        %swap3A_281 = vector.shape_cast %exp3A_276 : vector<16xf32> to vector<1x16xf32>
        tpu.vector_store %arg13[%swap3A_277, %swap3A_278], %swap3A_281 {strides = array<i32>} : memref<80x16xf32, #tpu.memory_space<vmem>>, vector<1x16xf32>,
        %scan3A_282 = arith.constant 5 : i32
        %scan3A_283 = arith.addi %scan3A_182, %scan3A_282 : i32
        %get3A_284 = arith.index_cast %scan3A_283 : i32 to index
        %get3A_285 = arith.constant 0 : index
        %get3A_286 = tpu.vector_load %arg11[%get3A_284, %get3A_285] {strides = array<i32>} : memref<80x16xf32, #tpu.memory_space<vmem>>, vector<1x16xf32>,
        %get3A_287 = vector.shape_cast %get3A_286 : vector<1x16xf32> to vector<16xf32>
        %get3A_288 = arith.index_cast %scan3A_283 : i32 to index
        %get3A_289 = arith.constant 0 : index
        %get3A_290 = tpu.vector_load %arg12[%get3A_288, %get3A_289] {strides = array<i32>} : memref<80x16xf32, #tpu.memory_space<vmem>>, vector<1x16xf32>,
        %get3A_291 = vector.shape_cast %get3A_290 : vector<1x16xf32> to vector<16xf32>
        %add3A_292 = arith.addf %get3A_287, %get3A_291 : vector<16xf32>
        %mul3A_293 = arith.constant 2.000000e-01 : f32
        %mul3A_294 = vector.broadcast %mul3A_293 : f32 to vector<16xf32>
        %mul3A_295 = arith.mulf %mul3A_294, %add3A_292 : vector<16xf32>
        %max3A_296 = arith.maximumf %add3A_292, %mul3A_295 : vector<16xf32>
        %exp3A_297 = math.exp %max3A_296 : vector<16xf32>
        %swap3A_298 = arith.index_cast %scan3A_283 : i32 to index
        %swap3A_299 = arith.constant 0 : index
        %swap3A_300 = tpu.vector_load %arg13[%swap3A_298, %swap3A_299] {strides = array<i32>} : memref<80x16xf32, #tpu.memory_space<vmem>>, vector<1x16xf32>,
        %swap3A_301 = vector.shape_cast %swap3A_300 : vector<1x16xf32> to vector<16xf32>
        %swap3A_302 = vector.shape_cast %exp3A_297 : vector<16xf32> to vector<1x16xf32>
        tpu.vector_store %arg13[%swap3A_298, %swap3A_299], %swap3A_302 {strides = array<i32>} : memref<80x16xf32, #tpu.memory_space<vmem>>, vector<1x16xf32>,
        %scan3A_303 = arith.constant 6 : i32
        %scan3A_304 = arith.addi %scan3A_182, %scan3A_303 : i32
        %get3A_305 = arith.index_cast %scan3A_304 : i32 to index
        %get3A_306 = arith.constant 0 : index
        %get3A_307 = tpu.vector_load %arg11[%get3A_305, %get3A_306] {strides = array<i32>} : memref<80x16xf32, #tpu.memory_space<vmem>>, vector<1x16xf32>,
        %get3A_308 = vector.shape_cast %get3A_307 : vector<1x16xf32> to vector<16xf32>
        %get3A_309 = arith.index_cast %scan3A_304 : i32 to index
        %get3A_310 = arith.constant 0 : index
        %get3A_311 = tpu.vector_load %arg12[%get3A_309, %get3A_310] {strides = array<i32>} : memref<80x16xf32, #tpu.memory_space<vmem>>, vector<1x16xf32>,
        %get3A_312 = vector.shape_cast %get3A_311 : vector<1x16xf32> to vector<16xf32>
        %add3A_313 = arith.addf %get3A_308, %get3A_312 : vector<16xf32>
        %mul3A_314 = arith.constant 2.000000e-01 : f32
        %mul3A_315 = vector.broadcast %mul3A_314 : f32 to vector<16xf32>
        %mul3A_316 = arith.mulf %mul3A_315, %add3A_313 : vector<16xf32>
        %max3A_317 = arith.maximumf %add3A_313, %mul3A_316 : vector<16xf32>
        %exp3A_318 = math.exp %max3A_317 : vector<16xf32>
        %swap3A_319 = arith.index_cast %scan3A_304 : i32 to index
        %swap3A_320 = arith.constant 0 : index
        %swap3A_321 = tpu.vector_load %arg13[%swap3A_319, %swap3A_320] {strides = array<i32>} : memref<80x16xf32, #tpu.memory_space<vmem>>, vector<1x16xf32>,
        %swap3A_322 = vector.shape_cast %swap3A_321 : vector<1x16xf32> to vector<16xf32>
        %swap3A_323 = vector.shape_cast %exp3A_318 : vector<16xf32> to vector<1x16xf32>
        tpu.vector_store %arg13[%swap3A_319, %swap3A_320], %swap3A_323 {strides = array<i32>} : memref<80x16xf32, #tpu.memory_space<vmem>>, vector<1x16xf32>,
        %scan3A_324 = arith.constant 7 : i32
        %scan3A_325 = arith.addi %scan3A_182, %scan3A_324 : i32
        %get3A_326 = arith.index_cast %scan3A_325 : i32 to index
        %get3A_327 = arith.constant 0 : index
        %get3A_328 = tpu.vector_load %arg11[%get3A_326, %get3A_327] {strides = array<i32>} : memref<80x16xf32, #tpu.memory_space<vmem>>, vector<1x16xf32>,
        %get3A_329 = vector.shape_cast %get3A_328 : vector<1x16xf32> to vector<16xf32>
        %get3A_330 = arith.index_cast %scan3A_325 : i32 to index
        %get3A_331 = arith.constant 0 : index
        %get3A_332 = tpu.vector_load %arg12[%get3A_330, %get3A_331] {strides = array<i32>} : memref<80x16xf32, #tpu.memory_space<vmem>>, vector<1x16xf32>,
        %get3A_333 = vector.shape_cast %get3A_332 : vector<1x16xf32> to vector<16xf32>
        %add3A_334 = arith.addf %get3A_329, %get3A_333 : vector<16xf32>
        %mul3A_335 = arith.constant 2.000000e-01 : f32
        %mul3A_336 = vector.broadcast %mul3A_335 : f32 to vector<16xf32>
        %mul3A_337 = arith.mulf %mul3A_336, %add3A_334 : vector<16xf32>
        %max3A_338 = arith.maximumf %add3A_334, %mul3A_337 : vector<16xf32>
        %exp3A_339 = math.exp %max3A_338 : vector<16xf32>
        %swap3A_340 = arith.index_cast %scan3A_325 : i32 to index
        %swap3A_341 = arith.constant 0 : index
        %swap3A_342 = tpu.vector_load %arg13[%swap3A_340, %swap3A_341] {strides = array<i32>} : memref<80x16xf32, #tpu.memory_space<vmem>>, vector<1x16xf32>,
        %swap3A_343 = vector.shape_cast %swap3A_342 : vector<1x16xf32> to vector<16xf32>
        %swap3A_344 = vector.shape_cast %exp3A_339 : vector<16xf32> to vector<1x16xf32>
        tpu.vector_store %arg13[%swap3A_340, %swap3A_341], %swap3A_344 {strides = array<i32>} : memref<80x16xf32, #tpu.memory_space<vmem>>, vector<1x16xf32>,
      }
      %scan3A_139 = arith.constant 80 : i32
      "tpu.region"() ({
        %run_scoped3A = tpu.sem_alloc : memref<!tpu.dma_semaphore, #tpu.memory_space<semaphore_mem>>
        %dma_start3A_182 = arith.constant 0 : i32
        %dma_start3A_183 = arith.constant 0 : i32
        %dma_start3A_184 = tpu.memref_slice %arg22[%dma_start3A_182, %dma_start3A_183] : memref<10240x16xf32, #tpu.memory_space<vmem_shared>> -> memref<10240x16xf32, #tpu.memory_space<vmem_shared>>
        tpu.enqueue_indirect_dma source(%arg13 : memref<80x16xf32, #tpu.memory_space<vmem>>) target(%dma_start3A_184 : memref<10240x16xf32, #tpu.memory_space<vmem_shared>>) offsets(%arg10 : memref<80xi32, #tpu.memory_space<vmem>>) semaphore(%run_scoped3A : memref<!tpu.dma_semaphore, #tpu.memory_space<semaphore_mem>>) {add = true}
        %dma_wait3A_185 = arith.constant 0 : i32
        %dma_wait3A_186 = arith.constant 0 : i32
        %dma_wait3A_187 = tpu.memref_slice %arg22[%dma_wait3A_185, %dma_wait3A_186] : memref<10240x16xf32, #tpu.memory_space<vmem_shared>> -> memref<10240x16xf32, #tpu.memory_space<vmem_shared>>
        tpu.wait_indirect_dma semaphore(%run_scoped3A : memref<!tpu.dma_semaphore, #tpu.memory_space<semaphore_mem>>) src(%arg13 : memref<80x16xf32, #tpu.memory_space<vmem>>) dst(%dma_wait3A_187 : memref<10240x16xf32, #tpu.memory_space<vmem_shared>>)
        tpu.yield
      }) : () -> ()
      %scan3A_140 = arith.constant 0 : i32
      %scan3A_141 = arith.constant 80 : i32
      %scan3A_142 = arith.addi %scan3A_140, %scan3A_141 : i32
      %scan3A_143 = arith.constant 2 : i32
      scf.for %scan3A_182 = %scan3A_140 to %scan3A_142 step %scan3A_143  : i32 {
        %get3A = arith.index_cast %scan3A_182 : i32 to index
        %get3A_183 = arith.constant 0 : index
        %get3A_184 = tpu.vector_load %arg13[%get3A, %get3A_183] {strides = array<i32>} : memref<80x16xf32, #tpu.memory_space<vmem>>, vector<1x16xf32>,
        %get3A_185 = vector.shape_cast %get3A_184 : vector<1x16xf32> to vector<16xf32>
        %slice3A = vector.extract_strided_slice %get3A_185 {offsets = [0], sizes = [1], strides = [1]} : vector<16xf32> to vector<1xf32>
        %squeeze3A = vector.extract %slice3A[0] : f32 from vector<1xf32>
        %get3A_186 = arith.index_cast %scan3A_182 : i32 to index
        %get3A_187 = arith.constant 0 : index
        %get3A_188 = tpu.vector_load %arg14[%get3A_186, %get3A_187] {strides = array<i32>} : memref<80x128xf32, #tpu.memory_space<vmem>>, vector<1x16xf32>,
        %get3A_189 = vector.shape_cast %get3A_188 : vector<1x16xf32> to vector<16xf32>
        %mul3A_190 = vector.broadcast %squeeze3A : f32 to vector<16xf32>
        %mul3A_191 = arith.mulf %get3A_189, %mul3A_190 : vector<16xf32>
        %swap3A = arith.index_cast %scan3A_182 : i32 to index
        %swap3A_192 = arith.constant 0 : index
        %swap3A_193 = tpu.vector_load %arg14[%swap3A, %swap3A_192] {strides = array<i32>} : memref<80x128xf32, #tpu.memory_space<vmem>>, vector<1x16xf32>,
        %swap3A_194 = vector.shape_cast %swap3A_193 : vector<1x16xf32> to vector<16xf32>
        %swap3A_195 = vector.shape_cast %mul3A_191 : vector<16xf32> to vector<1x16xf32>
        tpu.vector_store %arg14[%swap3A, %swap3A_192], %swap3A_195 {strides = array<i32>} : memref<80x128xf32, #tpu.memory_space<vmem>>, vector<1x16xf32>,
        %slice3A_196 = vector.extract_strided_slice %get3A_185 {offsets = [1], sizes = [1], strides = [1]} : vector<16xf32> to vector<1xf32>
        %squeeze3A_197 = vector.extract %slice3A_196[0] : f32 from vector<1xf32>
        %get3A_198 = arith.index_cast %scan3A_182 : i32 to index
        %get3A_199 = arith.constant 16 : index
        %get3A_200 = tpu.vector_load %arg14[%get3A_198, %get3A_199] {strides = array<i32>} : memref<80x128xf32, #tpu.memory_space<vmem>>, vector<1x16xf32>,
        %get3A_201 = vector.shape_cast %get3A_200 : vector<1x16xf32> to vector<16xf32>
        %mul3A_202 = vector.broadcast %squeeze3A_197 : f32 to vector<16xf32>
        %mul3A_203 = arith.mulf %get3A_201, %mul3A_202 : vector<16xf32>
        %swap3A_204 = arith.index_cast %scan3A_182 : i32 to index
        %swap3A_205 = arith.constant 16 : index
        %swap3A_206 = tpu.vector_load %arg14[%swap3A_204, %swap3A_205] {strides = array<i32>} : memref<80x128xf32, #tpu.memory_space<vmem>>, vector<1x16xf32>,
        %swap3A_207 = vector.shape_cast %swap3A_206 : vector<1x16xf32> to vector<16xf32>
        %swap3A_208 = vector.shape_cast %mul3A_203 : vector<16xf32> to vector<1x16xf32>
        tpu.vector_store %arg14[%swap3A_204, %swap3A_205], %swap3A_208 {strides = array<i32>} : memref<80x128xf32, #tpu.memory_space<vmem>>, vector<1x16xf32>,
        %slice3A_209 = vector.extract_strided_slice %get3A_185 {offsets = [2], sizes = [1], strides = [1]} : vector<16xf32> to vector<1xf32>
        %squeeze3A_210 = vector.extract %slice3A_209[0] : f32 from vector<1xf32>
        %get3A_211 = arith.index_cast %scan3A_182 : i32 to index
        %get3A_212 = arith.constant 32 : index
        %get3A_213 = tpu.vector_load %arg14[%get3A_211, %get3A_212] {strides = array<i32>} : memref<80x128xf32, #tpu.memory_space<vmem>>, vector<1x16xf32>,
        %get3A_214 = vector.shape_cast %get3A_213 : vector<1x16xf32> to vector<16xf32>
        %mul3A_215 = vector.broadcast %squeeze3A_210 : f32 to vector<16xf32>
        %mul3A_216 = arith.mulf %get3A_214, %mul3A_215 : vector<16xf32>
        %swap3A_217 = arith.index_cast %scan3A_182 : i32 to index
        %swap3A_218 = arith.constant 32 : index
        %swap3A_219 = tpu.vector_load %arg14[%swap3A_217, %swap3A_218] {strides = array<i32>} : memref<80x128xf32, #tpu.memory_space<vmem>>, vector<1x16xf32>,
        %swap3A_220 = vector.shape_cast %swap3A_219 : vector<1x16xf32> to vector<16xf32>
        %swap3A_221 = vector.shape_cast %mul3A_216 : vector<16xf32> to vector<1x16xf32>
        tpu.vector_store %arg14[%swap3A_217, %swap3A_218], %swap3A_221 {strides = array<i32>} : memref<80x128xf32, #tpu.memory_space<vmem>>, vector<1x16xf32>,
        %slice3A_222 = vector.extract_strided_slice %get3A_185 {offsets = [3], sizes = [1], strides = [1]} : vector<16xf32> to vector<1xf32>
        %squeeze3A_223 = vector.extract %slice3A_222[0] : f32 from vector<1xf32>
        %get3A_224 = arith.index_cast %scan3A_182 : i32 to index
        %get3A_225 = arith.constant 48 : index
        %get3A_226 = tpu.vector_load %arg14[%get3A_224, %get3A_225] {strides = array<i32>} : memref<80x128xf32, #tpu.memory_space<vmem>>, vector<1x16xf32>,
        %get3A_227 = vector.shape_cast %get3A_226 : vector<1x16xf32> to vector<16xf32>
        %mul3A_228 = vector.broadcast %squeeze3A_223 : f32 to vector<16xf32>
        %mul3A_229 = arith.mulf %get3A_227, %mul3A_228 : vector<16xf32>
        %swap3A_230 = arith.index_cast %scan3A_182 : i32 to index
        %swap3A_231 = arith.constant 48 : index
        %swap3A_232 = tpu.vector_load %arg14[%swap3A_230, %swap3A_231] {strides = array<i32>} : memref<80x128xf32, #tpu.memory_space<vmem>>, vector<1x16xf32>,
        %swap3A_233 = vector.shape_cast %swap3A_232 : vector<1x16xf32> to vector<16xf32>
        %swap3A_234 = vector.shape_cast %mul3A_229 : vector<16xf32> to vector<1x16xf32>
        tpu.vector_store %arg14[%swap3A_230, %swap3A_231], %swap3A_234 {strides = array<i32>} : memref<80x128xf32, #tpu.memory_space<vmem>>, vector<1x16xf32>,
        %slice3A_235 = vector.extract_strided_slice %get3A_185 {offsets = [4], sizes = [1], strides = [1]} : vector<16xf32> to vector<1xf32>
        %squeeze3A_236 = vector.extract %slice3A_235[0] : f32 from vector<1xf32>
        %get3A_237 = arith.index_cast %scan3A_182 : i32 to index
        %get3A_238 = arith.constant 64 : index
        %get3A_239 = tpu.vector_load %arg14[%get3A_237, %get3A_238] {strides = array<i32>} : memref<80x128xf32, #tpu.memory_space<vmem>>, vector<1x16xf32>,
        %get3A_240 = vector.shape_cast %get3A_239 : vector<1x16xf32> to vector<16xf32>
        %mul3A_241 = vector.broadcast %squeeze3A_236 : f32 to vector<16xf32>
        %mul3A_242 = arith.mulf %get3A_240, %mul3A_241 : vector<16xf32>
        %swap3A_243 = arith.index_cast %scan3A_182 : i32 to index
        %swap3A_244 = arith.constant 64 : index
        %swap3A_245 = tpu.vector_load %arg14[%swap3A_243, %swap3A_244] {strides = array<i32>} : memref<80x128xf32, #tpu.memory_space<vmem>>, vector<1x16xf32>,
        %swap3A_246 = vector.shape_cast %swap3A_245 : vector<1x16xf32> to vector<16xf32>
        %swap3A_247 = vector.shape_cast %mul3A_242 : vector<16xf32> to vector<1x16xf32>
        tpu.vector_store %arg14[%swap3A_243, %swap3A_244], %swap3A_247 {strides = array<i32>} : memref<80x128xf32, #tpu.memory_space<vmem>>, vector<1x16xf32>,
        %slice3A_248 = vector.extract_strided_slice %get3A_185 {offsets = [5], sizes = [1], strides = [1]} : vector<16xf32> to vector<1xf32>
        %squeeze3A_249 = vector.extract %slice3A_248[0] : f32 from vector<1xf32>
        %get3A_250 = arith.index_cast %scan3A_182 : i32 to index
        %get3A_251 = arith.constant 80 : index
        %get3A_252 = tpu.vector_load %arg14[%get3A_250, %get3A_251] {strides = array<i32>} : memref<80x128xf32, #tpu.memory_space<vmem>>, vector<1x16xf32>,
        %get3A_253 = vector.shape_cast %get3A_252 : vector<1x16xf32> to vector<16xf32>
        %mul3A_254 = vector.broadcast %squeeze3A_249 : f32 to vector<16xf32>
        %mul3A_255 = arith.mulf %get3A_253, %mul3A_254 : vector<16xf32>
        %swap3A_256 = arith.index_cast %scan3A_182 : i32 to index
        %swap3A_257 = arith.constant 80 : index
        %swap3A_258 = tpu.vector_load %arg14[%swap3A_256, %swap3A_257] {strides = array<i32>} : memref<80x128xf32, #tpu.memory_space<vmem>>, vector<1x16xf32>,
        %swap3A_259 = vector.shape_cast %swap3A_258 : vector<1x16xf32> to vector<16xf32>
        %swap3A_260 = vector.shape_cast %mul3A_255 : vector<16xf32> to vector<1x16xf32>
        tpu.vector_store %arg14[%swap3A_256, %swap3A_257], %swap3A_260 {strides = array<i32>} : memref<80x128xf32, #tpu.memory_space<vmem>>, vector<1x16xf32>,
        %slice3A_261 = vector.extract_strided_slice %get3A_185 {offsets = [6], sizes = [1], strides = [1]} : vector<16xf32> to vector<1xf32>
        %squeeze3A_262 = vector.extract %slice3A_261[0] : f32 from vector<1xf32>
        %get3A_263 = arith.index_cast %scan3A_182 : i32 to index
        %get3A_264 = arith.constant 96 : index
        %get3A_265 = tpu.vector_load %arg14[%get3A_263, %get3A_264] {strides = array<i32>} : memref<80x128xf32, #tpu.memory_space<vmem>>, vector<1x16xf32>,
        %get3A_266 = vector.shape_cast %get3A_265 : vector<1x16xf32> to vector<16xf32>
        %mul3A_267 = vector.broadcast %squeeze3A_262 : f32 to vector<16xf32>
        %mul3A_268 = arith.mulf %get3A_266, %mul3A_267 : vector<16xf32>
        %swap3A_269 = arith.index_cast %scan3A_182 : i32 to index
        %swap3A_270 = arith.constant 96 : index
        %swap3A_271 = tpu.vector_load %arg14[%swap3A_269, %swap3A_270] {strides = array<i32>} : memref<80x128xf32, #tpu.memory_space<vmem>>, vector<1x16xf32>,
        %swap3A_272 = vector.shape_cast %swap3A_271 : vector<1x16xf32> to vector<16xf32>
        %swap3A_273 = vector.shape_cast %mul3A_268 : vector<16xf32> to vector<1x16xf32>
        tpu.vector_store %arg14[%swap3A_269, %swap3A_270], %swap3A_273 {strides = array<i32>} : memref<80x128xf32, #tpu.memory_space<vmem>>, vector<1x16xf32>,
        %slice3A_274 = vector.extract_strided_slice %get3A_185 {offsets = [7], sizes = [1], strides = [1]} : vector<16xf32> to vector<1xf32>
        %squeeze3A_275 = vector.extract %slice3A_274[0] : f32 from vector<1xf32>
        %get3A_276 = arith.index_cast %scan3A_182 : i32 to index
        %get3A_277 = arith.constant 112 : index
        %get3A_278 = tpu.vector_load %arg14[%get3A_276, %get3A_277] {strides = array<i32>} : memref<80x128xf32, #tpu.memory_space<vmem>>, vector<1x16xf32>,
        %get3A_279 = vector.shape_cast %get3A_278 : vector<1x16xf32> to vector<16xf32>
        %mul3A_280 = vector.broadcast %squeeze3A_275 : f32 to vector<16xf32>
        %mul3A_281 = arith.mulf %get3A_279, %mul3A_280 : vector<16xf32>
        %swap3A_282 = arith.index_cast %scan3A_182 : i32 to index
        %swap3A_283 = arith.constant 112 : index
        %swap3A_284 = tpu.vector_load %arg14[%swap3A_282, %swap3A_283] {strides = array<i32>} : memref<80x128xf32, #tpu.memory_space<vmem>>, vector<1x16xf32>,
        %swap3A_285 = vector.shape_cast %swap3A_284 : vector<1x16xf32> to vector<16xf32>
        %swap3A_286 = vector.shape_cast %mul3A_281 : vector<16xf32> to vector<1x16xf32>
        tpu.vector_store %arg14[%swap3A_282, %swap3A_283], %swap3A_286 {strides = array<i32>} : memref<80x128xf32, #tpu.memory_space<vmem>>, vector<1x16xf32>,
        %scan3A_287 = arith.constant 1 : i32
        %scan3A_288 = arith.addi %scan3A_182, %scan3A_287 : i32
        %get3A_289 = arith.index_cast %scan3A_288 : i32 to index
        %get3A_290 = arith.constant 0 : index
        %get3A_291 = tpu.vector_load %arg13[%get3A_289, %get3A_290] {strides = array<i32>} : memref<80x16xf32, #tpu.memory_space<vmem>>, vector<1x16xf32>,
        %get3A_292 = vector.shape_cast %get3A_291 : vector<1x16xf32> to vector<16xf32>
        %slice3A_293 = vector.extract_strided_slice %get3A_292 {offsets = [0], sizes = [1], strides = [1]} : vector<16xf32> to vector<1xf32>
        %squeeze3A_294 = vector.extract %slice3A_293[0] : f32 from vector<1xf32>
        %get3A_295 = arith.index_cast %scan3A_288 : i32 to index
        %get3A_296 = arith.constant 0 : index
        %get3A_297 = tpu.vector_load %arg14[%get3A_295, %get3A_296] {strides = array<i32>} : memref<80x128xf32, #tpu.memory_space<vmem>>, vector<1x16xf32>,
        %get3A_298 = vector.shape_cast %get3A_297 : vector<1x16xf32> to vector<16xf32>
        %mul3A_299 = vector.broadcast %squeeze3A_294 : f32 to vector<16xf32>
        %mul3A_300 = arith.mulf %get3A_298, %mul3A_299 : vector<16xf32>
        %swap3A_301 = arith.index_cast %scan3A_288 : i32 to index
        %swap3A_302 = arith.constant 0 : index
        %swap3A_303 = tpu.vector_load %arg14[%swap3A_301, %swap3A_302] {strides = array<i32>} : memref<80x128xf32, #tpu.memory_space<vmem>>, vector<1x16xf32>,
        %swap3A_304 = vector.shape_cast %swap3A_303 : vector<1x16xf32> to vector<16xf32>
        %swap3A_305 = vector.shape_cast %mul3A_300 : vector<16xf32> to vector<1x16xf32>
        tpu.vector_store %arg14[%swap3A_301, %swap3A_302], %swap3A_305 {strides = array<i32>} : memref<80x128xf32, #tpu.memory_space<vmem>>, vector<1x16xf32>,
        %slice3A_306 = vector.extract_strided_slice %get3A_292 {offsets = [1], sizes = [1], strides = [1]} : vector<16xf32> to vector<1xf32>
        %squeeze3A_307 = vector.extract %slice3A_306[0] : f32 from vector<1xf32>
        %get3A_308 = arith.index_cast %scan3A_288 : i32 to index
        %get3A_309 = arith.constant 16 : index
        %get3A_310 = tpu.vector_load %arg14[%get3A_308, %get3A_309] {strides = array<i32>} : memref<80x128xf32, #tpu.memory_space<vmem>>, vector<1x16xf32>,
        %get3A_311 = vector.shape_cast %get3A_310 : vector<1x16xf32> to vector<16xf32>
        %mul3A_312 = vector.broadcast %squeeze3A_307 : f32 to vector<16xf32>
        %mul3A_313 = arith.mulf %get3A_311, %mul3A_312 : vector<16xf32>
        %swap3A_314 = arith.index_cast %scan3A_288 : i32 to index
        %swap3A_315 = arith.constant 16 : index
        %swap3A_316 = tpu.vector_load %arg14[%swap3A_314, %swap3A_315] {strides = array<i32>} : memref<80x128xf32, #tpu.memory_space<vmem>>, vector<1x16xf32>,
        %swap3A_317 = vector.shape_cast %swap3A_316 : vector<1x16xf32> to vector<16xf32>
        %swap3A_318 = vector.shape_cast %mul3A_313 : vector<16xf32> to vector<1x16xf32>
        tpu.vector_store %arg14[%swap3A_314, %swap3A_315], %swap3A_318 {strides = array<i32>} : memref<80x128xf32, #tpu.memory_space<vmem>>, vector<1x16xf32>,
        %slice3A_319 = vector.extract_strided_slice %get3A_292 {offsets = [2], sizes = [1], strides = [1]} : vector<16xf32> to vector<1xf32>
        %squeeze3A_320 = vector.extract %slice3A_319[0] : f32 from vector<1xf32>
        %get3A_321 = arith.index_cast %scan3A_288 : i32 to index
        %get3A_322 = arith.constant 32 : index
        %get3A_323 = tpu.vector_load %arg14[%get3A_321, %get3A_322] {strides = array<i32>} : memref<80x128xf32, #tpu.memory_space<vmem>>, vector<1x16xf32>,
        %get3A_324 = vector.shape_cast %get3A_323 : vector<1x16xf32> to vector<16xf32>
        %mul3A_325 = vector.broadcast %squeeze3A_320 : f32 to vector<16xf32>
        %mul3A_326 = arith.mulf %get3A_324, %mul3A_325 : vector<16xf32>
        %swap3A_327 = arith.index_cast %scan3A_288 : i32 to index
        %swap3A_328 = arith.constant 32 : index
        %swap3A_329 = tpu.vector_load %arg14[%swap3A_327, %swap3A_328] {strides = array<i32>} : memref<80x128xf32, #tpu.memory_space<vmem>>, vector<1x16xf32>,
        %swap3A_330 = vector.shape_cast %swap3A_329 : vector<1x16xf32> to vector<16xf32>
        %swap3A_331 = vector.shape_cast %mul3A_326 : vector<16xf32> to vector<1x16xf32>
        tpu.vector_store %arg14[%swap3A_327, %swap3A_328], %swap3A_331 {strides = array<i32>} : memref<80x128xf32, #tpu.memory_space<vmem>>, vector<1x16xf32>,
        %slice3A_332 = vector.extract_strided_slice %get3A_292 {offsets = [3], sizes = [1], strides = [1]} : vector<16xf32> to vector<1xf32>
        %squeeze3A_333 = vector.extract %slice3A_332[0] : f32 from vector<1xf32>
        %get3A_334 = arith.index_cast %scan3A_288 : i32 to index
        %get3A_335 = arith.constant 48 : index
        %get3A_336 = tpu.vector_load %arg14[%get3A_334, %get3A_335] {strides = array<i32>} : memref<80x128xf32, #tpu.memory_space<vmem>>, vector<1x16xf32>,
        %get3A_337 = vector.shape_cast %get3A_336 : vector<1x16xf32> to vector<16xf32>
        %mul3A_338 = vector.broadcast %squeeze3A_333 : f32 to vector<16xf32>
        %mul3A_339 = arith.mulf %get3A_337, %mul3A_338 : vector<16xf32>
        %swap3A_340 = arith.index_cast %scan3A_288 : i32 to index
        %swap3A_341 = arith.constant 48 : index
        %swap3A_342 = tpu.vector_load %arg14[%swap3A_340, %swap3A_341] {strides = array<i32>} : memref<80x128xf32, #tpu.memory_space<vmem>>, vector<1x16xf32>,
        %swap3A_343 = vector.shape_cast %swap3A_342 : vector<1x16xf32> to vector<16xf32>
        %swap3A_344 = vector.shape_cast %mul3A_339 : vector<16xf32> to vector<1x16xf32>
        tpu.vector_store %arg14[%swap3A_340, %swap3A_341], %swap3A_344 {strides = array<i32>} : memref<80x128xf32, #tpu.memory_space<vmem>>, vector<1x16xf32>,
        %slice3A_345 = vector.extract_strided_slice %get3A_292 {offsets = [4], sizes = [1], strides = [1]} : vector<16xf32> to vector<1xf32>
        %squeeze3A_346 = vector.extract %slice3A_345[0] : f32 from vector<1xf32>
        %get3A_347 = arith.index_cast %scan3A_288 : i32 to index
        %get3A_348 = arith.constant 64 : index
        %get3A_349 = tpu.vector_load %arg14[%get3A_347, %get3A_348] {strides = array<i32>} : memref<80x128xf32, #tpu.memory_space<vmem>>, vector<1x16xf32>,
        %get3A_350 = vector.shape_cast %get3A_349 : vector<1x16xf32> to vector<16xf32>
        %mul3A_351 = vector.broadcast %squeeze3A_346 : f32 to vector<16xf32>
        %mul3A_352 = arith.mulf %get3A_350, %mul3A_351 : vector<16xf32>
        %swap3A_353 = arith.index_cast %scan3A_288 : i32 to index
        %swap3A_354 = arith.constant 64 : index
        %swap3A_355 = tpu.vector_load %arg14[%swap3A_353, %swap3A_354] {strides = array<i32>} : memref<80x128xf32, #tpu.memory_space<vmem>>, vector<1x16xf32>,
        %swap3A_356 = vector.shape_cast %swap3A_355 : vector<1x16xf32> to vector<16xf32>
        %swap3A_357 = vector.shape_cast %mul3A_352 : vector<16xf32> to vector<1x16xf32>
        tpu.vector_store %arg14[%swap3A_353, %swap3A_354], %swap3A_357 {strides = array<i32>} : memref<80x128xf32, #tpu.memory_space<vmem>>, vector<1x16xf32>,
        %slice3A_358 = vector.extract_strided_slice %get3A_292 {offsets = [5], sizes = [1], strides = [1]} : vector<16xf32> to vector<1xf32>
        %squeeze3A_359 = vector.extract %slice3A_358[0] : f32 from vector<1xf32>
        %get3A_360 = arith.index_cast %scan3A_288 : i32 to index
        %get3A_361 = arith.constant 80 : index
        %get3A_362 = tpu.vector_load %arg14[%get3A_360, %get3A_361] {strides = array<i32>} : memref<80x128xf32, #tpu.memory_space<vmem>>, vector<1x16xf32>,
        %get3A_363 = vector.shape_cast %get3A_362 : vector<1x16xf32> to vector<16xf32>
        %mul3A_364 = vector.broadcast %squeeze3A_359 : f32 to vector<16xf32>
        %mul3A_365 = arith.mulf %get3A_363, %mul3A_364 : vector<16xf32>
        %swap3A_366 = arith.index_cast %scan3A_288 : i32 to index
        %swap3A_367 = arith.constant 80 : index
        %swap3A_368 = tpu.vector_load %arg14[%swap3A_366, %swap3A_367] {strides = array<i32>} : memref<80x128xf32, #tpu.memory_space<vmem>>, vector<1x16xf32>,
        %swap3A_369 = vector.shape_cast %swap3A_368 : vector<1x16xf32> to vector<16xf32>
        %swap3A_370 = vector.shape_cast %mul3A_365 : vector<16xf32> to vector<1x16xf32>
        tpu.vector_store %arg14[%swap3A_366, %swap3A_367], %swap3A_370 {strides = array<i32>} : memref<80x128xf32, #tpu.memory_space<vmem>>, vector<1x16xf32>,
        %slice3A_371 = vector.extract_strided_slice %get3A_292 {offsets = [6], sizes = [1], strides = [1]} : vector<16xf32> to vector<1xf32>
        %squeeze3A_372 = vector.extract %slice3A_371[0] : f32 from vector<1xf32>
        %get3A_373 = arith.index_cast %scan3A_288 : i32 to index
        %get3A_374 = arith.constant 96 : index
        %get3A_375 = tpu.vector_load %arg14[%get3A_373, %get3A_374] {strides = array<i32>} : memref<80x128xf32, #tpu.memory_space<vmem>>, vector<1x16xf32>,
        %get3A_376 = vector.shape_cast %get3A_375 : vector<1x16xf32> to vector<16xf32>
        %mul3A_377 = vector.broadcast %squeeze3A_372 : f32 to vector<16xf32>
        %mul3A_378 = arith.mulf %get3A_376, %mul3A_377 : vector<16xf32>
        %swap3A_379 = arith.index_cast %scan3A_288 : i32 to index
        %swap3A_380 = arith.constant 96 : index
        %swap3A_381 = tpu.vector_load %arg14[%swap3A_379, %swap3A_380] {strides = array<i32>} : memref<80x128xf32, #tpu.memory_space<vmem>>, vector<1x16xf32>,
        %swap3A_382 = vector.shape_cast %swap3A_381 : vector<1x16xf32> to vector<16xf32>
        %swap3A_383 = vector.shape_cast %mul3A_378 : vector<16xf32> to vector<1x16xf32>
        tpu.vector_store %arg14[%swap3A_379, %swap3A_380], %swap3A_383 {strides = array<i32>} : memref<80x128xf32, #tpu.memory_space<vmem>>, vector<1x16xf32>,
        %slice3A_384 = vector.extract_strided_slice %get3A_292 {offsets = [7], sizes = [1], strides = [1]} : vector<16xf32> to vector<1xf32>
        %squeeze3A_385 = vector.extract %slice3A_384[0] : f32 from vector<1xf32>
        %get3A_386 = arith.index_cast %scan3A_288 : i32 to index
        %get3A_387 = arith.constant 112 : index
        %get3A_388 = tpu.vector_load %arg14[%get3A_386, %get3A_387] {strides = array<i32>} : memref<80x128xf32, #tpu.memory_space<vmem>>, vector<1x16xf32>,
        %get3A_389 = vector.shape_cast %get3A_388 : vector<1x16xf32> to vector<16xf32>
        %mul3A_390 = vector.broadcast %squeeze3A_385 : f32 to vector<16xf32>
        %mul3A_391 = arith.mulf %get3A_389, %mul3A_390 : vector<16xf32>
        %swap3A_392 = arith.index_cast %scan3A_288 : i32 to index
        %swap3A_393 = arith.constant 112 : index
        %swap3A_394 = tpu.vector_load %arg14[%swap3A_392, %swap3A_393] {strides = array<i32>} : memref<80x128xf32, #tpu.memory_space<vmem>>, vector<1x16xf32>,
        %swap3A_395 = vector.shape_cast %swap3A_394 : vector<1x16xf32> to vector<16xf32>
        %swap3A_396 = vector.shape_cast %mul3A_391 : vector<16xf32> to vector<1x16xf32>
        tpu.vector_store %arg14[%swap3A_392, %swap3A_393], %swap3A_396 {strides = array<i32>} : memref<80x128xf32, #tpu.memory_space<vmem>>, vector<1x16xf32>,
      }
      %scan3A_144 = arith.constant 80 : i32
      "tpu.region"() ({
        %run_scoped3A = tpu.sem_alloc : memref<!tpu.dma_semaphore, #tpu.memory_space<semaphore_mem>>
        %dma_start3A_182 = arith.constant 0 : i32
        %dma_start3A_183 = arith.constant 0 : i32
        %dma_start3A_184 = tpu.memref_slice %arg21[%dma_start3A_182, %dma_start3A_183] : memref<10240x128xf32, #tpu.memory_space<vmem_shared>> -> memref<10240x128xf32, #tpu.memory_space<vmem_shared>>
        tpu.enqueue_indirect_dma source(%arg14 : memref<80x128xf32, #tpu.memory_space<vmem>>) target(%dma_start3A_184 : memref<10240x128xf32, #tpu.memory_space<vmem_shared>>) offsets(%arg10 : memref<80xi32, #tpu.memory_space<vmem>>) semaphore(%run_scoped3A : memref<!tpu.dma_semaphore, #tpu.memory_space<semaphore_mem>>) {add = true}
        %dma_wait3A_185 = arith.constant 0 : i32
        %dma_wait3A_186 = arith.constant 0 : i32
        %dma_wait3A_187 = tpu.memref_slice %arg21[%dma_wait3A_185, %dma_wait3A_186] : memref<10240x128xf32, #tpu.memory_space<vmem_shared>> -> memref<10240x128xf32, #tpu.memory_space<vmem_shared>>
        tpu.wait_indirect_dma semaphore(%run_scoped3A : memref<!tpu.dma_semaphore, #tpu.memory_space<semaphore_mem>>) src(%arg14 : memref<80x128xf32, #tpu.memory_space<vmem>>) dst(%dma_wait3A_187 : memref<10240x128xf32, #tpu.memory_space<vmem_shared>>)
        tpu.yield
      }) : () -> ()
      %mul3A_145 = arith.constant 2 : i32
      %mul3A_146 = arith.muli %mul3A_145, %scan3A_107 : i32
      %add3A_147 = arith.constant 2 : i32
      %add3A_148 = arith.addi %mul3A_146, %add3A_147 : i32
      %mul3A_149 = arith.constant 32 : i32
      %mul3A_150 = arith.muli %mul3A_149, %add3A_148 : i32
      %add3A_151 = arith.addi %add3A, %mul3A_150 : i32
      %mul3A_152 = arith.constant 80 : i32
      %mul3A_153 = arith.muli %add3A_151, %mul3A_152 : i32
      "tpu.region"() ({
        %run_scoped3A = tpu.sem_alloc : memref<!tpu.dma_semaphore, #tpu.memory_space<semaphore_mem>>
        %dma_start3A_182 = tpu.memref_slice %arg5[%mul3A_153] : memref<320000xi32, #tpu.memory_space<hbm>> -> memref<80xi32, #tpu.memory_space<hbm>>
        %dma_start3A_183 = tpu.memref_slice %arg5[%mul3A_153] : memref<320000xi32, #tpu.memory_space<hbm>> -> memref<80xi32, #tpu.memory_space<hbm>>
        tpu.enqueue_dma source(%dma_start3A_183 : memref<80xi32, #tpu.memory_space<hbm>>) target(%arg9 : memref<80xi32, #tpu.memory_space<vmem>>) target_semaphore(%run_scoped3A : memref<!tpu.dma_semaphore, #tpu.memory_space<semaphore_mem>>)
        %dma_wait3A_184 = tpu.memref_slice %arg5[%mul3A_153] : memref<320000xi32, #tpu.memory_space<hbm>> -> memref<80xi32, #tpu.memory_space<hbm>>
        %dma_wait3A_185 = tpu.memref_slice %arg5[%mul3A_153] : memref<320000xi32, #tpu.memory_space<hbm>> -> memref<80xi32, #tpu.memory_space<hbm>>
        tpu.wait_dma2 semaphore(%run_scoped3A : memref<!tpu.dma_semaphore, #tpu.memory_space<semaphore_mem>>) src(%dma_wait3A_185 : memref<80xi32, #tpu.memory_space<hbm>>) dst(%arg9 : memref<80xi32, #tpu.memory_space<vmem>>)
        tpu.yield
      }) : () -> ()
      "tpu.region"() ({
        %run_scoped3A = tpu.sem_alloc : memref<!tpu.dma_semaphore, #tpu.memory_space<semaphore_mem>>
        %dma_start3A_182 = tpu.memref_slice %arg6[%mul3A_153] : memref<320000xi32, #tpu.memory_space<hbm>> -> memref<80xi32, #tpu.memory_space<hbm>>
        %dma_start3A_183 = tpu.memref_slice %arg6[%mul3A_153] : memref<320000xi32, #tpu.memory_space<hbm>> -> memref<80xi32, #tpu.memory_space<hbm>>
        tpu.enqueue_dma source(%dma_start3A_183 : memref<80xi32, #tpu.memory_space<hbm>>) target(%arg10 : memref<80xi32, #tpu.memory_space<vmem>>) target_semaphore(%run_scoped3A : memref<!tpu.dma_semaphore, #tpu.memory_space<semaphore_mem>>)
        %dma_wait3A_184 = tpu.memref_slice %arg6[%mul3A_153] : memref<320000xi32, #tpu.memory_space<hbm>> -> memref<80xi32, #tpu.memory_space<hbm>>
        %dma_wait3A_185 = tpu.memref_slice %arg6[%mul3A_153] : memref<320000xi32, #tpu.memory_space<hbm>> -> memref<80xi32, #tpu.memory_space<hbm>>
        tpu.wait_dma2 semaphore(%run_scoped3A : memref<!tpu.dma_semaphore, #tpu.memory_space<semaphore_mem>>) src(%dma_wait3A_185 : memref<80xi32, #tpu.memory_space<hbm>>) dst(%arg10 : memref<80xi32, #tpu.memory_space<vmem>>)
        tpu.yield
      }) : () -> ()
      %dma_start3A_154 = arith.constant 0 : i32
      %dma_start3A_155 = arith.constant 0 : i32
      %dma_start3A_156 = tpu.memref_slice %arg3[%dma_start3A_154, %dma_start3A_155] : memref<10000x16xf32, #tpu.memory_space<hbm>> -> memref<10000x16xf32, #tpu.memory_space<hbm>>
      tpu.enqueue_indirect_dma source(%dma_start3A_156 : memref<10000x16xf32, #tpu.memory_space<hbm>>) target(%arg11 : memref<80x16xf32, #tpu.memory_space<vmem>>) offsets(%arg9 : memref<80xi32, #tpu.memory_space<vmem>>) semaphore(%arg23 : memref<!tpu.dma_semaphore, #tpu.memory_space<semaphore_mem>>)
      %dma_start3A_157 = arith.constant 0 : i32
      %dma_start3A_158 = arith.constant 0 : i32
      %dma_start3A_159 = tpu.memref_slice %arg4[%dma_start3A_157, %dma_start3A_158] : memref<10000x16xf32, #tpu.memory_space<hbm>> -> memref<10000x16xf32, #tpu.memory_space<hbm>>
      tpu.enqueue_indirect_dma source(%dma_start3A_159 : memref<10000x16xf32, #tpu.memory_space<hbm>>) target(%arg12 : memref<80x16xf32, #tpu.memory_space<vmem>>) offsets(%arg10 : memref<80xi32, #tpu.memory_space<vmem>>) semaphore(%arg23 : memref<!tpu.dma_semaphore, #tpu.memory_space<semaphore_mem>>)
      %dma_start3A_160 = arith.constant 0 : i32
      %dma_start3A_161 = arith.constant 0 : i32
      %dma_start3A_162 = tpu.memref_slice %arg2[%dma_start3A_160, %dma_start3A_161] : memref<10000x128xf32, #tpu.memory_space<hbm>> -> memref<10000x128xf32, #tpu.memory_space<hbm>>
      tpu.enqueue_indirect_dma source(%dma_start3A_162 : memref<10000x128xf32, #tpu.memory_space<hbm>>) target(%arg14 : memref<80x128xf32, #tpu.memory_space<vmem>>) offsets(%arg9 : memref<80xi32, #tpu.memory_space<vmem>>) semaphore(%arg23 : memref<!tpu.dma_semaphore, #tpu.memory_space<semaphore_mem>>)
      %dma_wait3A_163 = arith.constant 0 : i32
      %dma_wait3A_164 = arith.constant 0 : i32
      %dma_wait3A_165 = tpu.memref_slice %arg3[%dma_wait3A_163, %dma_wait3A_164] : memref<10000x16xf32, #tpu.memory_space<hbm>> -> memref<10000x16xf32, #tpu.memory_space<hbm>>
      tpu.wait_indirect_dma semaphore(%arg24 : memref<!tpu.dma_semaphore, #tpu.memory_space<semaphore_mem>>) src(%dma_wait3A_165 : memref<10000x16xf32, #tpu.memory_space<hbm>>) dst(%arg17 : memref<80x16xf32, #tpu.memory_space<vmem>>)
      %dma_wait3A_166 = arith.constant 0 : i32
      %dma_wait3A_167 = arith.constant 0 : i32
      %dma_wait3A_168 = tpu.memref_slice %arg4[%dma_wait3A_166, %dma_wait3A_167] : memref<10000x16xf32, #tpu.memory_space<hbm>> -> memref<10000x16xf32, #tpu.memory_space<hbm>>
      tpu.wait_indirect_dma semaphore(%arg24 : memref<!tpu.dma_semaphore, #tpu.memory_space<semaphore_mem>>) src(%dma_wait3A_168 : memref<10000x16xf32, #tpu.memory_space<hbm>>) dst(%arg18 : memref<80x16xf32, #tpu.memory_space<vmem>>)
      %dma_wait3A_169 = arith.constant 0 : i32
      %dma_wait3A_170 = arith.constant 0 : i32
      %dma_wait3A_171 = tpu.memref_slice %arg2[%dma_wait3A_169, %dma_wait3A_170] : memref<10000x128xf32, #tpu.memory_space<hbm>> -> memref<10000x128xf32, #tpu.memory_space<hbm>>
      tpu.wait_indirect_dma semaphore(%arg24 : memref<!tpu.dma_semaphore, #tpu.memory_space<semaphore_mem>>) src(%dma_wait3A_171 : memref<10000x128xf32, #tpu.memory_space<hbm>>) dst(%arg20 : memref<80x128xf32, #tpu.memory_space<vmem>>)
      %scan3A_172 = arith.constant 0 : i32
      %scan3A_173 = arith.constant 80 : i32
      %scan3A_174 = arith.addi %scan3A_172, %scan3A_173 : i32
      %scan3A_175 = arith.constant 8 : i32
      scf.for %scan3A_182 = %scan3A_172 to %scan3A_174 step %scan3A_175  : i32 {
        %get3A = arith.index_cast %scan3A_182 : i32 to index
        %get3A_183 = arith.constant 0 : index
        %get3A_184 = tpu.vector_load %arg17[%get3A, %get3A_183] {strides = array<i32>} : memref<80x16xf32, #tpu.memory_space<vmem>>, vector<1x16xf32>,
        %get3A_185 = vector.shape_cast %get3A_184 : vector<1x16xf32> to vector<16xf32>
        %get3A_186 = arith.index_cast %scan3A_182 : i32 to index
        %get3A_187 = arith.constant 0 : index
        %get3A_188 = tpu.vector_load %arg18[%get3A_186, %get3A_187] {strides = array<i32>} : memref<80x16xf32, #tpu.memory_space<vmem>>, vector<1x16xf32>,
        %get3A_189 = vector.shape_cast %get3A_188 : vector<1x16xf32> to vector<16xf32>
        %add3A_190 = arith.addf %get3A_185, %get3A_189 : vector<16xf32>
        %mul3A_191 = arith.constant 2.000000e-01 : f32
        %mul3A_192 = vector.broadcast %mul3A_191 : f32 to vector<16xf32>
        %mul3A_193 = arith.mulf %mul3A_192, %add3A_190 : vector<16xf32>
        %max3A = arith.maximumf %add3A_190, %mul3A_193 : vector<16xf32>
        %exp3A = math.exp %max3A : vector<16xf32>
        %swap3A = arith.index_cast %scan3A_182 : i32 to index
        %swap3A_194 = arith.constant 0 : index
        %swap3A_195 = tpu.vector_load %arg19[%swap3A, %swap3A_194] {strides = array<i32>} : memref<80x16xf32, #tpu.memory_space<vmem>>, vector<1x16xf32>,
        %swap3A_196 = vector.shape_cast %swap3A_195 : vector<1x16xf32> to vector<16xf32>
        %swap3A_197 = vector.shape_cast %exp3A : vector<16xf32> to vector<1x16xf32>
        tpu.vector_store %arg19[%swap3A, %swap3A_194], %swap3A_197 {strides = array<i32>} : memref<80x16xf32, #tpu.memory_space<vmem>>, vector<1x16xf32>,
        %scan3A_198 = arith.constant 1 : i32
        %scan3A_199 = arith.addi %scan3A_182, %scan3A_198 : i32
        %get3A_200 = arith.index_cast %scan3A_199 : i32 to index
        %get3A_201 = arith.constant 0 : index
        %get3A_202 = tpu.vector_load %arg17[%get3A_200, %get3A_201] {strides = array<i32>} : memref<80x16xf32, #tpu.memory_space<vmem>>, vector<1x16xf32>,
        %get3A_203 = vector.shape_cast %get3A_202 : vector<1x16xf32> to vector<16xf32>
        %get3A_204 = arith.index_cast %scan3A_199 : i32 to index
        %get3A_205 = arith.constant 0 : index
        %get3A_206 = tpu.vector_load %arg18[%get3A_204, %get3A_205] {strides = array<i32>} : memref<80x16xf32, #tpu.memory_space<vmem>>, vector<1x16xf32>,
        %get3A_207 = vector.shape_cast %get3A_206 : vector<1x16xf32> to vector<16xf32>
        %add3A_208 = arith.addf %get3A_203, %get3A_207 : vector<16xf32>
        %mul3A_209 = arith.constant 2.000000e-01 : f32
        %mul3A_210 = vector.broadcast %mul3A_209 : f32 to vector<16xf32>
        %mul3A_211 = arith.mulf %mul3A_210, %add3A_208 : vector<16xf32>
        %max3A_212 = arith.maximumf %add3A_208, %mul3A_211 : vector<16xf32>
        %exp3A_213 = math.exp %max3A_212 : vector<16xf32>
        %swap3A_214 = arith.index_cast %scan3A_199 : i32 to index
        %swap3A_215 = arith.constant 0 : index
        %swap3A_216 = tpu.vector_load %arg19[%swap3A_214, %swap3A_215] {strides = array<i32>} : memref<80x16xf32, #tpu.memory_space<vmem>>, vector<1x16xf32>,
        %swap3A_217 = vector.shape_cast %swap3A_216 : vector<1x16xf32> to vector<16xf32>
        %swap3A_218 = vector.shape_cast %exp3A_213 : vector<16xf32> to vector<1x16xf32>
        tpu.vector_store %arg19[%swap3A_214, %swap3A_215], %swap3A_218 {strides = array<i32>} : memref<80x16xf32, #tpu.memory_space<vmem>>, vector<1x16xf32>,
        %scan3A_219 = arith.constant 2 : i32
        %scan3A_220 = arith.addi %scan3A_182, %scan3A_219 : i32
        %get3A_221 = arith.index_cast %scan3A_220 : i32 to index
        %get3A_222 = arith.constant 0 : index
        %get3A_223 = tpu.vector_load %arg17[%get3A_221, %get3A_222] {strides = array<i32>} : memref<80x16xf32, #tpu.memory_space<vmem>>, vector<1x16xf32>,
        %get3A_224 = vector.shape_cast %get3A_223 : vector<1x16xf32> to vector<16xf32>
        %get3A_225 = arith.index_cast %scan3A_220 : i32 to index
        %get3A_226 = arith.constant 0 : index
        %get3A_227 = tpu.vector_load %arg18[%get3A_225, %get3A_226] {strides = array<i32>} : memref<80x16xf32, #tpu.memory_space<vmem>>, vector<1x16xf32>,
        %get3A_228 = vector.shape_cast %get3A_227 : vector<1x16xf32> to vector<16xf32>
        %add3A_229 = arith.addf %get3A_224, %get3A_228 : vector<16xf32>
        %mul3A_230 = arith.constant 2.000000e-01 : f32
        %mul3A_231 = vector.broadcast %mul3A_230 : f32 to vector<16xf32>
        %mul3A_232 = arith.mulf %mul3A_231, %add3A_229 : vector<16xf32>
        %max3A_233 = arith.maximumf %add3A_229, %mul3A_232 : vector<16xf32>
        %exp3A_234 = math.exp %max3A_233 : vector<16xf32>
        %swap3A_235 = arith.index_cast %scan3A_220 : i32 to index
        %swap3A_236 = arith.constant 0 : index
        %swap3A_237 = tpu.vector_load %arg19[%swap3A_235, %swap3A_236] {strides = array<i32>} : memref<80x16xf32, #tpu.memory_space<vmem>>, vector<1x16xf32>,
        %swap3A_238 = vector.shape_cast %swap3A_237 : vector<1x16xf32> to vector<16xf32>
        %swap3A_239 = vector.shape_cast %exp3A_234 : vector<16xf32> to vector<1x16xf32>
        tpu.vector_store %arg19[%swap3A_235, %swap3A_236], %swap3A_239 {strides = array<i32>} : memref<80x16xf32, #tpu.memory_space<vmem>>, vector<1x16xf32>,
        %scan3A_240 = arith.constant 3 : i32
        %scan3A_241 = arith.addi %scan3A_182, %scan3A_240 : i32
        %get3A_242 = arith.index_cast %scan3A_241 : i32 to index
        %get3A_243 = arith.constant 0 : index
        %get3A_244 = tpu.vector_load %arg17[%get3A_242, %get3A_243] {strides = array<i32>} : memref<80x16xf32, #tpu.memory_space<vmem>>, vector<1x16xf32>,
        %get3A_245 = vector.shape_cast %get3A_244 : vector<1x16xf32> to vector<16xf32>
        %get3A_246 = arith.index_cast %scan3A_241 : i32 to index
        %get3A_247 = arith.constant 0 : index
        %get3A_248 = tpu.vector_load %arg18[%get3A_246, %get3A_247] {strides = array<i32>} : memref<80x16xf32, #tpu.memory_space<vmem>>, vector<1x16xf32>,
        %get3A_249 = vector.shape_cast %get3A_248 : vector<1x16xf32> to vector<16xf32>
        %add3A_250 = arith.addf %get3A_245, %get3A_249 : vector<16xf32>
        %mul3A_251 = arith.constant 2.000000e-01 : f32
        %mul3A_252 = vector.broadcast %mul3A_251 : f32 to vector<16xf32>
        %mul3A_253 = arith.mulf %mul3A_252, %add3A_250 : vector<16xf32>
        %max3A_254 = arith.maximumf %add3A_250, %mul3A_253 : vector<16xf32>
        %exp3A_255 = math.exp %max3A_254 : vector<16xf32>
        %swap3A_256 = arith.index_cast %scan3A_241 : i32 to index
        %swap3A_257 = arith.constant 0 : index
        %swap3A_258 = tpu.vector_load %arg19[%swap3A_256, %swap3A_257] {strides = array<i32>} : memref<80x16xf32, #tpu.memory_space<vmem>>, vector<1x16xf32>,
        %swap3A_259 = vector.shape_cast %swap3A_258 : vector<1x16xf32> to vector<16xf32>
        %swap3A_260 = vector.shape_cast %exp3A_255 : vector<16xf32> to vector<1x16xf32>
        tpu.vector_store %arg19[%swap3A_256, %swap3A_257], %swap3A_260 {strides = array<i32>} : memref<80x16xf32, #tpu.memory_space<vmem>>, vector<1x16xf32>,
        %scan3A_261 = arith.constant 4 : i32
        %scan3A_262 = arith.addi %scan3A_182, %scan3A_261 : i32
        %get3A_263 = arith.index_cast %scan3A_262 : i32 to index
        %get3A_264 = arith.constant 0 : index
        %get3A_265 = tpu.vector_load %arg17[%get3A_263, %get3A_264] {strides = array<i32>} : memref<80x16xf32, #tpu.memory_space<vmem>>, vector<1x16xf32>,
        %get3A_266 = vector.shape_cast %get3A_265 : vector<1x16xf32> to vector<16xf32>
        %get3A_267 = arith.index_cast %scan3A_262 : i32 to index
        %get3A_268 = arith.constant 0 : index
        %get3A_269 = tpu.vector_load %arg18[%get3A_267, %get3A_268] {strides = array<i32>} : memref<80x16xf32, #tpu.memory_space<vmem>>, vector<1x16xf32>,
        %get3A_270 = vector.shape_cast %get3A_269 : vector<1x16xf32> to vector<16xf32>
        %add3A_271 = arith.addf %get3A_266, %get3A_270 : vector<16xf32>
        %mul3A_272 = arith.constant 2.000000e-01 : f32
        %mul3A_273 = vector.broadcast %mul3A_272 : f32 to vector<16xf32>
        %mul3A_274 = arith.mulf %mul3A_273, %add3A_271 : vector<16xf32>
        %max3A_275 = arith.maximumf %add3A_271, %mul3A_274 : vector<16xf32>
        %exp3A_276 = math.exp %max3A_275 : vector<16xf32>
        %swap3A_277 = arith.index_cast %scan3A_262 : i32 to index
        %swap3A_278 = arith.constant 0 : index
        %swap3A_279 = tpu.vector_load %arg19[%swap3A_277, %swap3A_278] {strides = array<i32>} : memref<80x16xf32, #tpu.memory_space<vmem>>, vector<1x16xf32>,
        %swap3A_280 = vector.shape_cast %swap3A_279 : vector<1x16xf32> to vector<16xf32>
        %swap3A_281 = vector.shape_cast %exp3A_276 : vector<16xf32> to vector<1x16xf32>
        tpu.vector_store %arg19[%swap3A_277, %swap3A_278], %swap3A_281 {strides = array<i32>} : memref<80x16xf32, #tpu.memory_space<vmem>>, vector<1x16xf32>,
        %scan3A_282 = arith.constant 5 : i32
        %scan3A_283 = arith.addi %scan3A_182, %scan3A_282 : i32
        %get3A_284 = arith.index_cast %scan3A_283 : i32 to index
        %get3A_285 = arith.constant 0 : index
        %get3A_286 = tpu.vector_load %arg17[%get3A_284, %get3A_285] {strides = array<i32>} : memref<80x16xf32, #tpu.memory_space<vmem>>, vector<1x16xf32>,
        %get3A_287 = vector.shape_cast %get3A_286 : vector<1x16xf32> to vector<16xf32>
        %get3A_288 = arith.index_cast %scan3A_283 : i32 to index
        %get3A_289 = arith.constant 0 : index
        %get3A_290 = tpu.vector_load %arg18[%get3A_288, %get3A_289] {strides = array<i32>} : memref<80x16xf32, #tpu.memory_space<vmem>>, vector<1x16xf32>,
        %get3A_291 = vector.shape_cast %get3A_290 : vector<1x16xf32> to vector<16xf32>
        %add3A_292 = arith.addf %get3A_287, %get3A_291 : vector<16xf32>
        %mul3A_293 = arith.constant 2.000000e-01 : f32
        %mul3A_294 = vector.broadcast %mul3A_293 : f32 to vector<16xf32>
        %mul3A_295 = arith.mulf %mul3A_294, %add3A_292 : vector<16xf32>
        %max3A_296 = arith.maximumf %add3A_292, %mul3A_295 : vector<16xf32>
        %exp3A_297 = math.exp %max3A_296 : vector<16xf32>
        %swap3A_298 = arith.index_cast %scan3A_283 : i32 to index
        %swap3A_299 = arith.constant 0 : index
        %swap3A_300 = tpu.vector_load %arg19[%swap3A_298, %swap3A_299] {strides = array<i32>} : memref<80x16xf32, #tpu.memory_space<vmem>>, vector<1x16xf32>,
        %swap3A_301 = vector.shape_cast %swap3A_300 : vector<1x16xf32> to vector<16xf32>
        %swap3A_302 = vector.shape_cast %exp3A_297 : vector<16xf32> to vector<1x16xf32>
        tpu.vector_store %arg19[%swap3A_298, %swap3A_299], %swap3A_302 {strides = array<i32>} : memref<80x16xf32, #tpu.memory_space<vmem>>, vector<1x16xf32>,
        %scan3A_303 = arith.constant 6 : i32
        %scan3A_304 = arith.addi %scan3A_182, %scan3A_303 : i32
        %get3A_305 = arith.index_cast %scan3A_304 : i32 to index
        %get3A_306 = arith.constant 0 : index
        %get3A_307 = tpu.vector_load %arg17[%get3A_305, %get3A_306] {strides = array<i32>} : memref<80x16xf32, #tpu.memory_space<vmem>>, vector<1x16xf32>,
        %get3A_308 = vector.shape_cast %get3A_307 : vector<1x16xf32> to vector<16xf32>
        %get3A_309 = arith.index_cast %scan3A_304 : i32 to index
        %get3A_310 = arith.constant 0 : index
        %get3A_311 = tpu.vector_load %arg18[%get3A_309, %get3A_310] {strides = array<i32>} : memref<80x16xf32, #tpu.memory_space<vmem>>, vector<1x16xf32>,
        %get3A_312 = vector.shape_cast %get3A_311 : vector<1x16xf32> to vector<16xf32>
        %add3A_313 = arith.addf %get3A_308, %get3A_312 : vector<16xf32>
        %mul3A_314 = arith.constant 2.000000e-01 : f32
        %mul3A_315 = vector.broadcast %mul3A_314 : f32 to vector<16xf32>
        %mul3A_316 = arith.mulf %mul3A_315, %add3A_313 : vector<16xf32>
        %max3A_317 = arith.maximumf %add3A_313, %mul3A_316 : vector<16xf32>
        %exp3A_318 = math.exp %max3A_317 : vector<16xf32>
        %swap3A_319 = arith.index_cast %scan3A_304 : i32 to index
        %swap3A_320 = arith.constant 0 : index
        %swap3A_321 = tpu.vector_load %arg19[%swap3A_319, %swap3A_320] {strides = array<i32>} : memref<80x16xf32, #tpu.memory_space<vmem>>, vector<1x16xf32>,
        %swap3A_322 = vector.shape_cast %swap3A_321 : vector<1x16xf32> to vector<16xf32>
        %swap3A_323 = vector.shape_cast %exp3A_318 : vector<16xf32> to vector<1x16xf32>
        tpu.vector_store %arg19[%swap3A_319, %swap3A_320], %swap3A_323 {strides = array<i32>} : memref<80x16xf32, #tpu.memory_space<vmem>>, vector<1x16xf32>,
        %scan3A_324 = arith.constant 7 : i32
        %scan3A_325 = arith.addi %scan3A_182, %scan3A_324 : i32
        %get3A_326 = arith.index_cast %scan3A_325 : i32 to index
        %get3A_327 = arith.constant 0 : index
        %get3A_328 = tpu.vector_load %arg17[%get3A_326, %get3A_327] {strides = array<i32>} : memref<80x16xf32, #tpu.memory_space<vmem>>, vector<1x16xf32>,
        %get3A_329 = vector.shape_cast %get3A_328 : vector<1x16xf32> to vector<16xf32>
        %get3A_330 = arith.index_cast %scan3A_325 : i32 to index
        %get3A_331 = arith.constant 0 : index
        %get3A_332 = tpu.vector_load %arg18[%get3A_330, %get3A_331] {strides = array<i32>} : memref<80x16xf32, #tpu.memory_space<vmem>>, vector<1x16xf32>,
        %get3A_333 = vector.shape_cast %get3A_332 : vector<1x16xf32> to vector<16xf32>
        %add3A_334 = arith.addf %get3A_329, %get3A_333 : vector<16xf32>
        %mul3A_335 = arith.constant 2.000000e-01 : f32
        %mul3A_336 = vector.broadcast %mul3A_335 : f32 to vector<16xf32>
        %mul3A_337 = arith.mulf %mul3A_336, %add3A_334 : vector<16xf32>
        %max3A_338 = arith.maximumf %add3A_334, %mul3A_337 : vector<16xf32>
        %exp3A_339 = math.exp %max3A_338 : vector<16xf32>
        %swap3A_340 = arith.index_cast %scan3A_325 : i32 to index
        %swap3A_341 = arith.constant 0 : index
        %swap3A_342 = tpu.vector_load %arg19[%swap3A_340, %swap3A_341] {strides = array<i32>} : memref<80x16xf32, #tpu.memory_space<vmem>>, vector<1x16xf32>,
        %swap3A_343 = vector.shape_cast %swap3A_342 : vector<1x16xf32> to vector<16xf32>
        %swap3A_344 = vector.shape_cast %exp3A_339 : vector<16xf32> to vector<1x16xf32>
        tpu.vector_store %arg19[%swap3A_340, %swap3A_341], %swap3A_344 {strides = array<i32>} : memref<80x16xf32, #tpu.memory_space<vmem>>, vector<1x16xf32>,
      }
      %scan3A_176 = arith.constant 80 : i32
      "tpu.region"() ({
        %run_scoped3A = tpu.sem_alloc : memref<!tpu.dma_semaphore, #tpu.memory_space<semaphore_mem>>
        %dma_start3A_182 = arith.constant 0 : i32
        %dma_start3A_183 = arith.constant 0 : i32
        %dma_start3A_184 = tpu.memref_slice %arg22[%dma_start3A_182, %dma_start3A_183] : memref<10240x16xf32, #tpu.memory_space<vmem_shared>> -> memref<10240x16xf32, #tpu.memory_space<vmem_shared>>
        tpu.enqueue_indirect_dma source(%arg19 : memref<80x16xf32, #tpu.memory_space<vmem>>) target(%dma_start3A_184 : memref<10240x16xf32, #tpu.memory_space<vmem_shared>>) offsets(%arg16 : memref<80xi32, #tpu.memory_space<vmem>>) semaphore(%run_scoped3A : memref<!tpu.dma_semaphore, #tpu.memory_space<semaphore_mem>>) {add = true}
        %dma_wait3A_185 = arith.constant 0 : i32
        %dma_wait3A_186 = arith.constant 0 : i32
        %dma_wait3A_187 = tpu.memref_slice %arg22[%dma_wait3A_185, %dma_wait3A_186] : memref<10240x16xf32, #tpu.memory_space<vmem_shared>> -> memref<10240x16xf32, #tpu.memory_space<vmem_shared>>
        tpu.wait_indirect_dma semaphore(%run_scoped3A : memref<!tpu.dma_semaphore, #tpu.memory_space<semaphore_mem>>) src(%arg19 : memref<80x16xf32, #tpu.memory_space<vmem>>) dst(%dma_wait3A_187 : memref<10240x16xf32, #tpu.memory_space<vmem_shared>>)
        tpu.yield
      }) : () -> ()
      %scan3A_177 = arith.constant 0 : i32
      %scan3A_178 = arith.constant 80 : i32
      %scan3A_179 = arith.addi %scan3A_177, %scan3A_178 : i32
      %scan3A_180 = arith.constant 2 : i32
      scf.for %scan3A_182 = %scan3A_177 to %scan3A_179 step %scan3A_180  : i32 {
        %get3A = arith.index_cast %scan3A_182 : i32 to index
        %get3A_183 = arith.constant 0 : index
        %get3A_184 = tpu.vector_load %arg19[%get3A, %get3A_183] {strides = array<i32>} : memref<80x16xf32, #tpu.memory_space<vmem>>, vector<1x16xf32>,
        %get3A_185 = vector.shape_cast %get3A_184 : vector<1x16xf32> to vector<16xf32>
        %slice3A = vector.extract_strided_slice %get3A_185 {offsets = [0], sizes = [1], strides = [1]} : vector<16xf32> to vector<1xf32>
        %squeeze3A = vector.extract %slice3A[0] : f32 from vector<1xf32>
        %get3A_186 = arith.index_cast %scan3A_182 : i32 to index
        %get3A_187 = arith.constant 0 : index
        %get3A_188 = tpu.vector_load %arg20[%get3A_186, %get3A_187] {strides = array<i32>} : memref<80x128xf32, #tpu.memory_space<vmem>>, vector<1x16xf32>,
        %get3A_189 = vector.shape_cast %get3A_188 : vector<1x16xf32> to vector<16xf32>
        %mul3A_190 = vector.broadcast %squeeze3A : f32 to vector<16xf32>
        %mul3A_191 = arith.mulf %get3A_189, %mul3A_190 : vector<16xf32>
        %swap3A = arith.index_cast %scan3A_182 : i32 to index
        %swap3A_192 = arith.constant 0 : index
        %swap3A_193 = tpu.vector_load %arg20[%swap3A, %swap3A_192] {strides = array<i32>} : memref<80x128xf32, #tpu.memory_space<vmem>>, vector<1x16xf32>,
        %swap3A_194 = vector.shape_cast %swap3A_193 : vector<1x16xf32> to vector<16xf32>
        %swap3A_195 = vector.shape_cast %mul3A_191 : vector<16xf32> to vector<1x16xf32>
        tpu.vector_store %arg20[%swap3A, %swap3A_192], %swap3A_195 {strides = array<i32>} : memref<80x128xf32, #tpu.memory_space<vmem>>, vector<1x16xf32>,
        %slice3A_196 = vector.extract_strided_slice %get3A_185 {offsets = [1], sizes = [1], strides = [1]} : vector<16xf32> to vector<1xf32>
        %squeeze3A_197 = vector.extract %slice3A_196[0] : f32 from vector<1xf32>
        %get3A_198 = arith.index_cast %scan3A_182 : i32 to index
        %get3A_199 = arith.constant 16 : index
        %get3A_200 = tpu.vector_load %arg20[%get3A_198, %get3A_199] {strides = array<i32>} : memref<80x128xf32, #tpu.memory_space<vmem>>, vector<1x16xf32>,
        %get3A_201 = vector.shape_cast %get3A_200 : vector<1x16xf32> to vector<16xf32>
        %mul3A_202 = vector.broadcast %squeeze3A_197 : f32 to vector<16xf32>
        %mul3A_203 = arith.mulf %get3A_201, %mul3A_202 : vector<16xf32>
        %swap3A_204 = arith.index_cast %scan3A_182 : i32 to index
        %swap3A_205 = arith.constant 16 : index
        %swap3A_206 = tpu.vector_load %arg20[%swap3A_204, %swap3A_205] {strides = array<i32>} : memref<80x128xf32, #tpu.memory_space<vmem>>, vector<1x16xf32>,
        %swap3A_207 = vector.shape_cast %swap3A_206 : vector<1x16xf32> to vector<16xf32>
        %swap3A_208 = vector.shape_cast %mul3A_203 : vector<16xf32> to vector<1x16xf32>
        tpu.vector_store %arg20[%swap3A_204, %swap3A_205], %swap3A_208 {strides = array<i32>} : memref<80x128xf32, #tpu.memory_space<vmem>>, vector<1x16xf32>,
        %slice3A_209 = vector.extract_strided_slice %get3A_185 {offsets = [2], sizes = [1], strides = [1]} : vector<16xf32> to vector<1xf32>
        %squeeze3A_210 = vector.extract %slice3A_209[0] : f32 from vector<1xf32>
        %get3A_211 = arith.index_cast %scan3A_182 : i32 to index
        %get3A_212 = arith.constant 32 : index
        %get3A_213 = tpu.vector_load %arg20[%get3A_211, %get3A_212] {strides = array<i32>} : memref<80x128xf32, #tpu.memory_space<vmem>>, vector<1x16xf32>,
        %get3A_214 = vector.shape_cast %get3A_213 : vector<1x16xf32> to vector<16xf32>
        %mul3A_215 = vector.broadcast %squeeze3A_210 : f32 to vector<16xf32>
        %mul3A_216 = arith.mulf %get3A_214, %mul3A_215 : vector<16xf32>
        %swap3A_217 = arith.index_cast %scan3A_182 : i32 to index
        %swap3A_218 = arith.constant 32 : index
        %swap3A_219 = tpu.vector_load %arg20[%swap3A_217, %swap3A_218] {strides = array<i32>} : memref<80x128xf32, #tpu.memory_space<vmem>>, vector<1x16xf32>,
        %swap3A_220 = vector.shape_cast %swap3A_219 : vector<1x16xf32> to vector<16xf32>
        %swap3A_221 = vector.shape_cast %mul3A_216 : vector<16xf32> to vector<1x16xf32>
        tpu.vector_store %arg20[%swap3A_217, %swap3A_218], %swap3A_221 {strides = array<i32>} : memref<80x128xf32, #tpu.memory_space<vmem>>, vector<1x16xf32>,
        %slice3A_222 = vector.extract_strided_slice %get3A_185 {offsets = [3], sizes = [1], strides = [1]} : vector<16xf32> to vector<1xf32>
        %squeeze3A_223 = vector.extract %slice3A_222[0] : f32 from vector<1xf32>
        %get3A_224 = arith.index_cast %scan3A_182 : i32 to index
        %get3A_225 = arith.constant 48 : index
        %get3A_226 = tpu.vector_load %arg20[%get3A_224, %get3A_225] {strides = array<i32>} : memref<80x128xf32, #tpu.memory_space<vmem>>, vector<1x16xf32>,
        %get3A_227 = vector.shape_cast %get3A_226 : vector<1x16xf32> to vector<16xf32>
        %mul3A_228 = vector.broadcast %squeeze3A_223 : f32 to vector<16xf32>
        %mul3A_229 = arith.mulf %get3A_227, %mul3A_228 : vector<16xf32>
        %swap3A_230 = arith.index_cast %scan3A_182 : i32 to index
        %swap3A_231 = arith.constant 48 : index
        %swap3A_232 = tpu.vector_load %arg20[%swap3A_230, %swap3A_231] {strides = array<i32>} : memref<80x128xf32, #tpu.memory_space<vmem>>, vector<1x16xf32>,
        %swap3A_233 = vector.shape_cast %swap3A_232 : vector<1x16xf32> to vector<16xf32>
        %swap3A_234 = vector.shape_cast %mul3A_229 : vector<16xf32> to vector<1x16xf32>
        tpu.vector_store %arg20[%swap3A_230, %swap3A_231], %swap3A_234 {strides = array<i32>} : memref<80x128xf32, #tpu.memory_space<vmem>>, vector<1x16xf32>,
        %slice3A_235 = vector.extract_strided_slice %get3A_185 {offsets = [4], sizes = [1], strides = [1]} : vector<16xf32> to vector<1xf32>
        %squeeze3A_236 = vector.extract %slice3A_235[0] : f32 from vector<1xf32>
        %get3A_237 = arith.index_cast %scan3A_182 : i32 to index
        %get3A_238 = arith.constant 64 : index
        %get3A_239 = tpu.vector_load %arg20[%get3A_237, %get3A_238] {strides = array<i32>} : memref<80x128xf32, #tpu.memory_space<vmem>>, vector<1x16xf32>,
        %get3A_240 = vector.shape_cast %get3A_239 : vector<1x16xf32> to vector<16xf32>
        %mul3A_241 = vector.broadcast %squeeze3A_236 : f32 to vector<16xf32>
        %mul3A_242 = arith.mulf %get3A_240, %mul3A_241 : vector<16xf32>
        %swap3A_243 = arith.index_cast %scan3A_182 : i32 to index
        %swap3A_244 = arith.constant 64 : index
        %swap3A_245 = tpu.vector_load %arg20[%swap3A_243, %swap3A_244] {strides = array<i32>} : memref<80x128xf32, #tpu.memory_space<vmem>>, vector<1x16xf32>,
        %swap3A_246 = vector.shape_cast %swap3A_245 : vector<1x16xf32> to vector<16xf32>
        %swap3A_247 = vector.shape_cast %mul3A_242 : vector<16xf32> to vector<1x16xf32>
        tpu.vector_store %arg20[%swap3A_243, %swap3A_244], %swap3A_247 {strides = array<i32>} : memref<80x128xf32, #tpu.memory_space<vmem>>, vector<1x16xf32>,
        %slice3A_248 = vector.extract_strided_slice %get3A_185 {offsets = [5], sizes = [1], strides = [1]} : vector<16xf32> to vector<1xf32>
        %squeeze3A_249 = vector.extract %slice3A_248[0] : f32 from vector<1xf32>
        %get3A_250 = arith.index_cast %scan3A_182 : i32 to index
        %get3A_251 = arith.constant 80 : index
        %get3A_252 = tpu.vector_load %arg20[%get3A_250, %get3A_251] {strides = array<i32>} : memref<80x128xf32, #tpu.memory_space<vmem>>, vector<1x16xf32>,
        %get3A_253 = vector.shape_cast %get3A_252 : vector<1x16xf32> to vector<16xf32>
        %mul3A_254 = vector.broadcast %squeeze3A_249 : f32 to vector<16xf32>
        %mul3A_255 = arith.mulf %get3A_253, %mul3A_254 : vector<16xf32>
        %swap3A_256 = arith.index_cast %scan3A_182 : i32 to index
        %swap3A_257 = arith.constant 80 : index
        %swap3A_258 = tpu.vector_load %arg20[%swap3A_256, %swap3A_257] {strides = array<i32>} : memref<80x128xf32, #tpu.memory_space<vmem>>, vector<1x16xf32>,
        %swap3A_259 = vector.shape_cast %swap3A_258 : vector<1x16xf32> to vector<16xf32>
        %swap3A_260 = vector.shape_cast %mul3A_255 : vector<16xf32> to vector<1x16xf32>
        tpu.vector_store %arg20[%swap3A_256, %swap3A_257], %swap3A_260 {strides = array<i32>} : memref<80x128xf32, #tpu.memory_space<vmem>>, vector<1x16xf32>,
        %slice3A_261 = vector.extract_strided_slice %get3A_185 {offsets = [6], sizes = [1], strides = [1]} : vector<16xf32> to vector<1xf32>
        %squeeze3A_262 = vector.extract %slice3A_261[0] : f32 from vector<1xf32>
        %get3A_263 = arith.index_cast %scan3A_182 : i32 to index
        %get3A_264 = arith.constant 96 : index
        %get3A_265 = tpu.vector_load %arg20[%get3A_263, %get3A_264] {strides = array<i32>} : memref<80x128xf32, #tpu.memory_space<vmem>>, vector<1x16xf32>,
        %get3A_266 = vector.shape_cast %get3A_265 : vector<1x16xf32> to vector<16xf32>
        %mul3A_267 = vector.broadcast %squeeze3A_262 : f32 to vector<16xf32>
        %mul3A_268 = arith.mulf %get3A_266, %mul3A_267 : vector<16xf32>
        %swap3A_269 = arith.index_cast %scan3A_182 : i32 to index
        %swap3A_270 = arith.constant 96 : index
        %swap3A_271 = tpu.vector_load %arg20[%swap3A_269, %swap3A_270] {strides = array<i32>} : memref<80x128xf32, #tpu.memory_space<vmem>>, vector<1x16xf32>,
        %swap3A_272 = vector.shape_cast %swap3A_271 : vector<1x16xf32> to vector<16xf32>
        %swap3A_273 = vector.shape_cast %mul3A_268 : vector<16xf32> to vector<1x16xf32>
        tpu.vector_store %arg20[%swap3A_269, %swap3A_270], %swap3A_273 {strides = array<i32>} : memref<80x128xf32, #tpu.memory_space<vmem>>, vector<1x16xf32>,
        %slice3A_274 = vector.extract_strided_slice %get3A_185 {offsets = [7], sizes = [1], strides = [1]} : vector<16xf32> to vector<1xf32>
        %squeeze3A_275 = vector.extract %slice3A_274[0] : f32 from vector<1xf32>
        %get3A_276 = arith.index_cast %scan3A_182 : i32 to index
        %get3A_277 = arith.constant 112 : index
        %get3A_278 = tpu.vector_load %arg20[%get3A_276, %get3A_277] {strides = array<i32>} : memref<80x128xf32, #tpu.memory_space<vmem>>, vector<1x16xf32>,
        %get3A_279 = vector.shape_cast %get3A_278 : vector<1x16xf32> to vector<16xf32>
        %mul3A_280 = vector.broadcast %squeeze3A_275 : f32 to vector<16xf32>
        %mul3A_281 = arith.mulf %get3A_279, %mul3A_280 : vector<16xf32>
        %swap3A_282 = arith.index_cast %scan3A_182 : i32 to index
        %swap3A_283 = arith.constant 112 : index
        %swap3A_284 = tpu.vector_load %arg20[%swap3A_282, %swap3A_283] {strides = array<i32>} : memref<80x128xf32, #tpu.memory_space<vmem>>, vector<1x16xf32>,
        %swap3A_285 = vector.shape_cast %swap3A_284 : vector<1x16xf32> to vector<16xf32>
        %swap3A_286 = vector.shape_cast %mul3A_281 : vector<16xf32> to vector<1x16xf32>
        tpu.vector_store %arg20[%swap3A_282, %swap3A_283], %swap3A_286 {strides = array<i32>} : memref<80x128xf32, #tpu.memory_space<vmem>>, vector<1x16xf32>,
        %scan3A_287 = arith.constant 1 : i32
        %scan3A_288 = arith.addi %scan3A_182, %scan3A_287 : i32
        %get3A_289 = arith.index_cast %scan3A_288 : i32 to index
        %get3A_290 = arith.constant 0 : index
        %get3A_291 = tpu.vector_load %arg19[%get3A_289, %get3A_290] {strides = array<i32>} : memref<80x16xf32, #tpu.memory_space<vmem>>, vector<1x16xf32>,
        %get3A_292 = vector.shape_cast %get3A_291 : vector<1x16xf32> to vector<16xf32>
        %slice3A_293 = vector.extract_strided_slice %get3A_292 {offsets = [0], sizes = [1], strides = [1]} : vector<16xf32> to vector<1xf32>
        %squeeze3A_294 = vector.extract %slice3A_293[0] : f32 from vector<1xf32>
        %get3A_295 = arith.index_cast %scan3A_288 : i32 to index
        %get3A_296 = arith.constant 0 : index
        %get3A_297 = tpu.vector_load %arg20[%get3A_295, %get3A_296] {strides = array<i32>} : memref<80x128xf32, #tpu.memory_space<vmem>>, vector<1x16xf32>,
        %get3A_298 = vector.shape_cast %get3A_297 : vector<1x16xf32> to vector<16xf32>
        %mul3A_299 = vector.broadcast %squeeze3A_294 : f32 to vector<16xf32>
        %mul3A_300 = arith.mulf %get3A_298, %mul3A_299 : vector<16xf32>
        %swap3A_301 = arith.index_cast %scan3A_288 : i32 to index
        %swap3A_302 = arith.constant 0 : index
        %swap3A_303 = tpu.vector_load %arg20[%swap3A_301, %swap3A_302] {strides = array<i32>} : memref<80x128xf32, #tpu.memory_space<vmem>>, vector<1x16xf32>,
        %swap3A_304 = vector.shape_cast %swap3A_303 : vector<1x16xf32> to vector<16xf32>
        %swap3A_305 = vector.shape_cast %mul3A_300 : vector<16xf32> to vector<1x16xf32>
        tpu.vector_store %arg20[%swap3A_301, %swap3A_302], %swap3A_305 {strides = array<i32>} : memref<80x128xf32, #tpu.memory_space<vmem>>, vector<1x16xf32>,
        %slice3A_306 = vector.extract_strided_slice %get3A_292 {offsets = [1], sizes = [1], strides = [1]} : vector<16xf32> to vector<1xf32>
        %squeeze3A_307 = vector.extract %slice3A_306[0] : f32 from vector<1xf32>
        %get3A_308 = arith.index_cast %scan3A_288 : i32 to index
        %get3A_309 = arith.constant 16 : index
        %get3A_310 = tpu.vector_load %arg20[%get3A_308, %get3A_309] {strides = array<i32>} : memref<80x128xf32, #tpu.memory_space<vmem>>, vector<1x16xf32>,
        %get3A_311 = vector.shape_cast %get3A_310 : vector<1x16xf32> to vector<16xf32>
        %mul3A_312 = vector.broadcast %squeeze3A_307 : f32 to vector<16xf32>
        %mul3A_313 = arith.mulf %get3A_311, %mul3A_312 : vector<16xf32>
        %swap3A_314 = arith.index_cast %scan3A_288 : i32 to index
        %swap3A_315 = arith.constant 16 : index
        %swap3A_316 = tpu.vector_load %arg20[%swap3A_314, %swap3A_315] {strides = array<i32>} : memref<80x128xf32, #tpu.memory_space<vmem>>, vector<1x16xf32>,
        %swap3A_317 = vector.shape_cast %swap3A_316 : vector<1x16xf32> to vector<16xf32>
        %swap3A_318 = vector.shape_cast %mul3A_313 : vector<16xf32> to vector<1x16xf32>
        tpu.vector_store %arg20[%swap3A_314, %swap3A_315], %swap3A_318 {strides = array<i32>} : memref<80x128xf32, #tpu.memory_space<vmem>>, vector<1x16xf32>,
        %slice3A_319 = vector.extract_strided_slice %get3A_292 {offsets = [2], sizes = [1], strides = [1]} : vector<16xf32> to vector<1xf32>
        %squeeze3A_320 = vector.extract %slice3A_319[0] : f32 from vector<1xf32>
        %get3A_321 = arith.index_cast %scan3A_288 : i32 to index
        %get3A_322 = arith.constant 32 : index
        %get3A_323 = tpu.vector_load %arg20[%get3A_321, %get3A_322] {strides = array<i32>} : memref<80x128xf32, #tpu.memory_space<vmem>>, vector<1x16xf32>,
        %get3A_324 = vector.shape_cast %get3A_323 : vector<1x16xf32> to vector<16xf32>
        %mul3A_325 = vector.broadcast %squeeze3A_320 : f32 to vector<16xf32>
        %mul3A_326 = arith.mulf %get3A_324, %mul3A_325 : vector<16xf32>
        %swap3A_327 = arith.index_cast %scan3A_288 : i32 to index
        %swap3A_328 = arith.constant 32 : index
        %swap3A_329 = tpu.vector_load %arg20[%swap3A_327, %swap3A_328] {strides = array<i32>} : memref<80x128xf32, #tpu.memory_space<vmem>>, vector<1x16xf32>,
        %swap3A_330 = vector.shape_cast %swap3A_329 : vector<1x16xf32> to vector<16xf32>
        %swap3A_331 = vector.shape_cast %mul3A_326 : vector<16xf32> to vector<1x16xf32>
        tpu.vector_store %arg20[%swap3A_327, %swap3A_328], %swap3A_331 {strides = array<i32>} : memref<80x128xf32, #tpu.memory_space<vmem>>, vector<1x16xf32>,
        %slice3A_332 = vector.extract_strided_slice %get3A_292 {offsets = [3], sizes = [1], strides = [1]} : vector<16xf32> to vector<1xf32>
        %squeeze3A_333 = vector.extract %slice3A_332[0] : f32 from vector<1xf32>
        %get3A_334 = arith.index_cast %scan3A_288 : i32 to index
        %get3A_335 = arith.constant 48 : index
        %get3A_336 = tpu.vector_load %arg20[%get3A_334, %get3A_335] {strides = array<i32>} : memref<80x128xf32, #tpu.memory_space<vmem>>, vector<1x16xf32>,
        %get3A_337 = vector.shape_cast %get3A_336 : vector<1x16xf32> to vector<16xf32>
        %mul3A_338 = vector.broadcast %squeeze3A_333 : f32 to vector<16xf32>
        %mul3A_339 = arith.mulf %get3A_337, %mul3A_338 : vector<16xf32>
        %swap3A_340 = arith.index_cast %scan3A_288 : i32 to index
        %swap3A_341 = arith.constant 48 : index
        %swap3A_342 = tpu.vector_load %arg20[%swap3A_340, %swap3A_341] {strides = array<i32>} : memref<80x128xf32, #tpu.memory_space<vmem>>, vector<1x16xf32>,
        %swap3A_343 = vector.shape_cast %swap3A_342 : vector<1x16xf32> to vector<16xf32>
        %swap3A_344 = vector.shape_cast %mul3A_339 : vector<16xf32> to vector<1x16xf32>
        tpu.vector_store %arg20[%swap3A_340, %swap3A_341], %swap3A_344 {strides = array<i32>} : memref<80x128xf32, #tpu.memory_space<vmem>>, vector<1x16xf32>,
        %slice3A_345 = vector.extract_strided_slice %get3A_292 {offsets = [4], sizes = [1], strides = [1]} : vector<16xf32> to vector<1xf32>
        %squeeze3A_346 = vector.extract %slice3A_345[0] : f32 from vector<1xf32>
        %get3A_347 = arith.index_cast %scan3A_288 : i32 to index
        %get3A_348 = arith.constant 64 : index
        %get3A_349 = tpu.vector_load %arg20[%get3A_347, %get3A_348] {strides = array<i32>} : memref<80x128xf32, #tpu.memory_space<vmem>>, vector<1x16xf32>,
        %get3A_350 = vector.shape_cast %get3A_349 : vector<1x16xf32> to vector<16xf32>
        %mul3A_351 = vector.broadcast %squeeze3A_346 : f32 to vector<16xf32>
        %mul3A_352 = arith.mulf %get3A_350, %mul3A_351 : vector<16xf32>
        %swap3A_353 = arith.index_cast %scan3A_288 : i32 to index
        %swap3A_354 = arith.constant 64 : index
        %swap3A_355 = tpu.vector_load %arg20[%swap3A_353, %swap3A_354] {strides = array<i32>} : memref<80x128xf32, #tpu.memory_space<vmem>>, vector<1x16xf32>,
        %swap3A_356 = vector.shape_cast %swap3A_355 : vector<1x16xf32> to vector<16xf32>
        %swap3A_357 = vector.shape_cast %mul3A_352 : vector<16xf32> to vector<1x16xf32>
        tpu.vector_store %arg20[%swap3A_353, %swap3A_354], %swap3A_357 {strides = array<i32>} : memref<80x128xf32, #tpu.memory_space<vmem>>, vector<1x16xf32>,
        %slice3A_358 = vector.extract_strided_slice %get3A_292 {offsets = [5], sizes = [1], strides = [1]} : vector<16xf32> to vector<1xf32>
        %squeeze3A_359 = vector.extract %slice3A_358[0] : f32 from vector<1xf32>
        %get3A_360 = arith.index_cast %scan3A_288 : i32 to index
        %get3A_361 = arith.constant 80 : index
        %get3A_362 = tpu.vector_load %arg20[%get3A_360, %get3A_361] {strides = array<i32>} : memref<80x128xf32, #tpu.memory_space<vmem>>, vector<1x16xf32>,
        %get3A_363 = vector.shape_cast %get3A_362 : vector<1x16xf32> to vector<16xf32>
        %mul3A_364 = vector.broadcast %squeeze3A_359 : f32 to vector<16xf32>
        %mul3A_365 = arith.mulf %get3A_363, %mul3A_364 : vector<16xf32>
        %swap3A_366 = arith.index_cast %scan3A_288 : i32 to index
        %swap3A_367 = arith.constant 80 : index
        %swap3A_368 = tpu.vector_load %arg20[%swap3A_366, %swap3A_367] {strides = array<i32>} : memref<80x128xf32, #tpu.memory_space<vmem>>, vector<1x16xf32>,
        %swap3A_369 = vector.shape_cast %swap3A_368 : vector<1x16xf32> to vector<16xf32>
        %swap3A_370 = vector.shape_cast %mul3A_365 : vector<16xf32> to vector<1x16xf32>
        tpu.vector_store %arg20[%swap3A_366, %swap3A_367], %swap3A_370 {strides = array<i32>} : memref<80x128xf32, #tpu.memory_space<vmem>>, vector<1x16xf32>,
        %slice3A_371 = vector.extract_strided_slice %get3A_292 {offsets = [6], sizes = [1], strides = [1]} : vector<16xf32> to vector<1xf32>
        %squeeze3A_372 = vector.extract %slice3A_371[0] : f32 from vector<1xf32>
        %get3A_373 = arith.index_cast %scan3A_288 : i32 to index
        %get3A_374 = arith.constant 96 : index
        %get3A_375 = tpu.vector_load %arg20[%get3A_373, %get3A_374] {strides = array<i32>} : memref<80x128xf32, #tpu.memory_space<vmem>>, vector<1x16xf32>,
        %get3A_376 = vector.shape_cast %get3A_375 : vector<1x16xf32> to vector<16xf32>
        %mul3A_377 = vector.broadcast %squeeze3A_372 : f32 to vector<16xf32>
        %mul3A_378 = arith.mulf %get3A_376, %mul3A_377 : vector<16xf32>
        %swap3A_379 = arith.index_cast %scan3A_288 : i32 to index
        %swap3A_380 = arith.constant 96 : index
        %swap3A_381 = tpu.vector_load %arg20[%swap3A_379, %swap3A_380] {strides = array<i32>} : memref<80x128xf32, #tpu.memory_space<vmem>>, vector<1x16xf32>,
        %swap3A_382 = vector.shape_cast %swap3A_381 : vector<1x16xf32> to vector<16xf32>
        %swap3A_383 = vector.shape_cast %mul3A_378 : vector<16xf32> to vector<1x16xf32>
        tpu.vector_store %arg20[%swap3A_379, %swap3A_380], %swap3A_383 {strides = array<i32>} : memref<80x128xf32, #tpu.memory_space<vmem>>, vector<1x16xf32>,
        %slice3A_384 = vector.extract_strided_slice %get3A_292 {offsets = [7], sizes = [1], strides = [1]} : vector<16xf32> to vector<1xf32>
        %squeeze3A_385 = vector.extract %slice3A_384[0] : f32 from vector<1xf32>
        %get3A_386 = arith.index_cast %scan3A_288 : i32 to index
        %get3A_387 = arith.constant 112 : index
        %get3A_388 = tpu.vector_load %arg20[%get3A_386, %get3A_387] {strides = array<i32>} : memref<80x128xf32, #tpu.memory_space<vmem>>, vector<1x16xf32>,
        %get3A_389 = vector.shape_cast %get3A_388 : vector<1x16xf32> to vector<16xf32>
        %mul3A_390 = vector.broadcast %squeeze3A_385 : f32 to vector<16xf32>
        %mul3A_391 = arith.mulf %get3A_389, %mul3A_390 : vector<16xf32>
        %swap3A_392 = arith.index_cast %scan3A_288 : i32 to index
        %swap3A_393 = arith.constant 112 : index
        %swap3A_394 = tpu.vector_load %arg20[%swap3A_392, %swap3A_393] {strides = array<i32>} : memref<80x128xf32, #tpu.memory_space<vmem>>, vector<1x16xf32>,
        %swap3A_395 = vector.shape_cast %swap3A_394 : vector<1x16xf32> to vector<16xf32>
        %swap3A_396 = vector.shape_cast %mul3A_391 : vector<16xf32> to vector<1x16xf32>
        tpu.vector_store %arg20[%swap3A_392, %swap3A_393], %swap3A_396 {strides = array<i32>} : memref<80x128xf32, #tpu.memory_space<vmem>>, vector<1x16xf32>,
      }
      %scan3A_181 = arith.constant 80 : i32
      "tpu.region"() ({
        %run_scoped3A = tpu.sem_alloc : memref<!tpu.dma_semaphore, #tpu.memory_space<semaphore_mem>>
        %dma_start3A_182 = arith.constant 0 : i32
        %dma_start3A_183 = arith.constant 0 : i32
        %dma_start3A_184 = tpu.memref_slice %arg21[%dma_start3A_182, %dma_start3A_183] : memref<10240x128xf32, #tpu.memory_space<vmem_shared>> -> memref<10240x128xf32, #tpu.memory_space<vmem_shared>>
        tpu.enqueue_indirect_dma source(%arg20 : memref<80x128xf32, #tpu.memory_space<vmem>>) target(%dma_start3A_184 : memref<10240x128xf32, #tpu.memory_space<vmem_shared>>) offsets(%arg16 : memref<80xi32, #tpu.memory_space<vmem>>) semaphore(%run_scoped3A : memref<!tpu.dma_semaphore, #tpu.memory_space<semaphore_mem>>) {add = true}
        %dma_wait3A_185 = arith.constant 0 : i32
        %dma_wait3A_186 = arith.constant 0 : i32
        %dma_wait3A_187 = tpu.memref_slice %arg21[%dma_wait3A_185, %dma_wait3A_186] : memref<10240x128xf32, #tpu.memory_space<vmem_shared>> -> memref<10240x128xf32, #tpu.memory_space<vmem_shared>>
        tpu.wait_indirect_dma semaphore(%run_scoped3A : memref<!tpu.dma_semaphore, #tpu.memory_space<semaphore_mem>>) src(%arg20 : memref<80x128xf32, #tpu.memory_space<vmem>>) dst(%dma_wait3A_187 : memref<10240x128xf32, #tpu.memory_space<vmem_shared>>)
        tpu.yield
      }) : () -> ()
    }
    %scan3A_85 = arith.constant 62 : i32
    %dma_wait3A = arith.constant 0 : i32
    %dma_wait3A_86 = arith.constant 0 : i32
    %dma_wait3A_87 = tpu.memref_slice %arg3[%dma_wait3A, %dma_wait3A_86] : memref<10000x16xf32, #tpu.memory_space<hbm>> -> memref<10000x16xf32, #tpu.memory_space<hbm>>
    tpu.wait_indirect_dma semaphore(%arg23 : memref<!tpu.dma_semaphore, #tpu.memory_space<semaphore_mem>>) src(%dma_wait3A_87 : memref<10000x16xf32, #tpu.memory_space<hbm>>) dst(%arg11 : memref<80x16xf32, #tpu.memory_space<vmem>>)
    %dma_wait3A_88 = arith.constant 0 : i32
    %dma_wait3A_89 = arith.constant 0 : i32
    %dma_wait3A_90 = tpu.memref_slice %arg4[%dma_wait3A_88, %dma_wait3A_89] : memref<10000x16xf32, #tpu.memory_space<hbm>> -> memref<10000x16xf32, #tpu.memory_space<hbm>>
    tpu.wait_indirect_dma semaphore(%arg23 : memref<!tpu.dma_semaphore, #tpu.memory_space<semaphore_mem>>) src(%dma_wait3A_90 : memref<10000x16xf32, #tpu.memory_space<hbm>>) dst(%arg12 : memref<80x16xf32, #tpu.memory_space<vmem>>)
    %dma_wait3A_91 = arith.constant 0 : i32
    %dma_wait3A_92 = arith.constant 0 : i32
    %dma_wait3A_93 = tpu.memref_slice %arg2[%dma_wait3A_91, %dma_wait3A_92] : memref<10000x128xf32, #tpu.memory_space<hbm>> -> memref<10000x128xf32, #tpu.memory_space<hbm>>
    tpu.wait_indirect_dma semaphore(%arg23 : memref<!tpu.dma_semaphore, #tpu.memory_space<semaphore_mem>>) src(%dma_wait3A_93 : memref<10000x128xf32, #tpu.memory_space<hbm>>) dst(%arg14 : memref<80x128xf32, #tpu.memory_space<vmem>>)
    %scan3A_94 = arith.constant 0 : i32
    %scan3A_95 = arith.constant 80 : i32
    %scan3A_96 = arith.addi %scan3A_94, %scan3A_95 : i32
    %scan3A_97 = arith.constant 8 : i32
    scf.for %scan3A_107 = %scan3A_94 to %scan3A_96 step %scan3A_97  : i32 {
      %get3A = arith.index_cast %scan3A_107 : i32 to index
      %get3A_108 = arith.constant 0 : index
      %get3A_109 = tpu.vector_load %arg11[%get3A, %get3A_108] {strides = array<i32>} : memref<80x16xf32, #tpu.memory_space<vmem>>, vector<1x16xf32>,
      %get3A_110 = vector.shape_cast %get3A_109 : vector<1x16xf32> to vector<16xf32>
      %get3A_111 = arith.index_cast %scan3A_107 : i32 to index
      %get3A_112 = arith.constant 0 : index
      %get3A_113 = tpu.vector_load %arg12[%get3A_111, %get3A_112] {strides = array<i32>} : memref<80x16xf32, #tpu.memory_space<vmem>>, vector<1x16xf32>,
      %get3A_114 = vector.shape_cast %get3A_113 : vector<1x16xf32> to vector<16xf32>
      %add3A_115 = arith.addf %get3A_110, %get3A_114 : vector<16xf32>
      %mul3A_116 = arith.constant 2.000000e-01 : f32
      %mul3A_117 = vector.broadcast %mul3A_116 : f32 to vector<16xf32>
      %mul3A_118 = arith.mulf %mul3A_117, %add3A_115 : vector<16xf32>
      %max3A = arith.maximumf %add3A_115, %mul3A_118 : vector<16xf32>
      %exp3A = math.exp %max3A : vector<16xf32>
      %swap3A = arith.index_cast %scan3A_107 : i32 to index
      %swap3A_119 = arith.constant 0 : index
      %swap3A_120 = tpu.vector_load %arg13[%swap3A, %swap3A_119] {strides = array<i32>} : memref<80x16xf32, #tpu.memory_space<vmem>>, vector<1x16xf32>,
      %swap3A_121 = vector.shape_cast %swap3A_120 : vector<1x16xf32> to vector<16xf32>
      %swap3A_122 = vector.shape_cast %exp3A : vector<16xf32> to vector<1x16xf32>
      tpu.vector_store %arg13[%swap3A, %swap3A_119], %swap3A_122 {strides = array<i32>} : memref<80x16xf32, #tpu.memory_space<vmem>>, vector<1x16xf32>,
      %scan3A_123 = arith.constant 1 : i32
      %scan3A_124 = arith.addi %scan3A_107, %scan3A_123 : i32
      %get3A_125 = arith.index_cast %scan3A_124 : i32 to index
      %get3A_126 = arith.constant 0 : index
      %get3A_127 = tpu.vector_load %arg11[%get3A_125, %get3A_126] {strides = array<i32>} : memref<80x16xf32, #tpu.memory_space<vmem>>, vector<1x16xf32>,
      %get3A_128 = vector.shape_cast %get3A_127 : vector<1x16xf32> to vector<16xf32>
      %get3A_129 = arith.index_cast %scan3A_124 : i32 to index
      %get3A_130 = arith.constant 0 : index
      %get3A_131 = tpu.vector_load %arg12[%get3A_129, %get3A_130] {strides = array<i32>} : memref<80x16xf32, #tpu.memory_space<vmem>>, vector<1x16xf32>,
      %get3A_132 = vector.shape_cast %get3A_131 : vector<1x16xf32> to vector<16xf32>
      %add3A_133 = arith.addf %get3A_128, %get3A_132 : vector<16xf32>
      %mul3A_134 = arith.constant 2.000000e-01 : f32
      %mul3A_135 = vector.broadcast %mul3A_134 : f32 to vector<16xf32>
      %mul3A_136 = arith.mulf %mul3A_135, %add3A_133 : vector<16xf32>
      %max3A_137 = arith.maximumf %add3A_133, %mul3A_136 : vector<16xf32>
      %exp3A_138 = math.exp %max3A_137 : vector<16xf32>
      %swap3A_139 = arith.index_cast %scan3A_124 : i32 to index
      %swap3A_140 = arith.constant 0 : index
      %swap3A_141 = tpu.vector_load %arg13[%swap3A_139, %swap3A_140] {strides = array<i32>} : memref<80x16xf32, #tpu.memory_space<vmem>>, vector<1x16xf32>,
      %swap3A_142 = vector.shape_cast %swap3A_141 : vector<1x16xf32> to vector<16xf32>
      %swap3A_143 = vector.shape_cast %exp3A_138 : vector<16xf32> to vector<1x16xf32>
      tpu.vector_store %arg13[%swap3A_139, %swap3A_140], %swap3A_143 {strides = array<i32>} : memref<80x16xf32, #tpu.memory_space<vmem>>, vector<1x16xf32>,
      %scan3A_144 = arith.constant 2 : i32
      %scan3A_145 = arith.addi %scan3A_107, %scan3A_144 : i32
      %get3A_146 = arith.index_cast %scan3A_145 : i32 to index
      %get3A_147 = arith.constant 0 : index
      %get3A_148 = tpu.vector_load %arg11[%get3A_146, %get3A_147] {strides = array<i32>} : memref<80x16xf32, #tpu.memory_space<vmem>>, vector<1x16xf32>,
      %get3A_149 = vector.shape_cast %get3A_148 : vector<1x16xf32> to vector<16xf32>
      %get3A_150 = arith.index_cast %scan3A_145 : i32 to index
      %get3A_151 = arith.constant 0 : index
      %get3A_152 = tpu.vector_load %arg12[%get3A_150, %get3A_151] {strides = array<i32>} : memref<80x16xf32, #tpu.memory_space<vmem>>, vector<1x16xf32>,
      %get3A_153 = vector.shape_cast %get3A_152 : vector<1x16xf32> to vector<16xf32>
      %add3A_154 = arith.addf %get3A_149, %get3A_153 : vector<16xf32>
      %mul3A_155 = arith.constant 2.000000e-01 : f32
      %mul3A_156 = vector.broadcast %mul3A_155 : f32 to vector<16xf32>
      %mul3A_157 = arith.mulf %mul3A_156, %add3A_154 : vector<16xf32>
      %max3A_158 = arith.maximumf %add3A_154, %mul3A_157 : vector<16xf32>
      %exp3A_159 = math.exp %max3A_158 : vector<16xf32>
      %swap3A_160 = arith.index_cast %scan3A_145 : i32 to index
      %swap3A_161 = arith.constant 0 : index
      %swap3A_162 = tpu.vector_load %arg13[%swap3A_160, %swap3A_161] {strides = array<i32>} : memref<80x16xf32, #tpu.memory_space<vmem>>, vector<1x16xf32>,
      %swap3A_163 = vector.shape_cast %swap3A_162 : vector<1x16xf32> to vector<16xf32>
      %swap3A_164 = vector.shape_cast %exp3A_159 : vector<16xf32> to vector<1x16xf32>
      tpu.vector_store %arg13[%swap3A_160, %swap3A_161], %swap3A_164 {strides = array<i32>} : memref<80x16xf32, #tpu.memory_space<vmem>>, vector<1x16xf32>,
      %scan3A_165 = arith.constant 3 : i32
      %scan3A_166 = arith.addi %scan3A_107, %scan3A_165 : i32
      %get3A_167 = arith.index_cast %scan3A_166 : i32 to index
      %get3A_168 = arith.constant 0 : index
      %get3A_169 = tpu.vector_load %arg11[%get3A_167, %get3A_168] {strides = array<i32>} : memref<80x16xf32, #tpu.memory_space<vmem>>, vector<1x16xf32>,
      %get3A_170 = vector.shape_cast %get3A_169 : vector<1x16xf32> to vector<16xf32>
      %get3A_171 = arith.index_cast %scan3A_166 : i32 to index
      %get3A_172 = arith.constant 0 : index
      %get3A_173 = tpu.vector_load %arg12[%get3A_171, %get3A_172] {strides = array<i32>} : memref<80x16xf32, #tpu.memory_space<vmem>>, vector<1x16xf32>,
      %get3A_174 = vector.shape_cast %get3A_173 : vector<1x16xf32> to vector<16xf32>
      %add3A_175 = arith.addf %get3A_170, %get3A_174 : vector<16xf32>
      %mul3A_176 = arith.constant 2.000000e-01 : f32
      %mul3A_177 = vector.broadcast %mul3A_176 : f32 to vector<16xf32>
      %mul3A_178 = arith.mulf %mul3A_177, %add3A_175 : vector<16xf32>
      %max3A_179 = arith.maximumf %add3A_175, %mul3A_178 : vector<16xf32>
      %exp3A_180 = math.exp %max3A_179 : vector<16xf32>
      %swap3A_181 = arith.index_cast %scan3A_166 : i32 to index
      %swap3A_182 = arith.constant 0 : index
      %swap3A_183 = tpu.vector_load %arg13[%swap3A_181, %swap3A_182] {strides = array<i32>} : memref<80x16xf32, #tpu.memory_space<vmem>>, vector<1x16xf32>,
      %swap3A_184 = vector.shape_cast %swap3A_183 : vector<1x16xf32> to vector<16xf32>
      %swap3A_185 = vector.shape_cast %exp3A_180 : vector<16xf32> to vector<1x16xf32>
      tpu.vector_store %arg13[%swap3A_181, %swap3A_182], %swap3A_185 {strides = array<i32>} : memref<80x16xf32, #tpu.memory_space<vmem>>, vector<1x16xf32>,
      %scan3A_186 = arith.constant 4 : i32
      %scan3A_187 = arith.addi %scan3A_107, %scan3A_186 : i32
      %get3A_188 = arith.index_cast %scan3A_187 : i32 to index
      %get3A_189 = arith.constant 0 : index
      %get3A_190 = tpu.vector_load %arg11[%get3A_188, %get3A_189] {strides = array<i32>} : memref<80x16xf32, #tpu.memory_space<vmem>>, vector<1x16xf32>,
      %get3A_191 = vector.shape_cast %get3A_190 : vector<1x16xf32> to vector<16xf32>
      %get3A_192 = arith.index_cast %scan3A_187 : i32 to index
      %get3A_193 = arith.constant 0 : index
      %get3A_194 = tpu.vector_load %arg12[%get3A_192, %get3A_193] {strides = array<i32>} : memref<80x16xf32, #tpu.memory_space<vmem>>, vector<1x16xf32>,
      %get3A_195 = vector.shape_cast %get3A_194 : vector<1x16xf32> to vector<16xf32>
      %add3A_196 = arith.addf %get3A_191, %get3A_195 : vector<16xf32>
      %mul3A_197 = arith.constant 2.000000e-01 : f32
      %mul3A_198 = vector.broadcast %mul3A_197 : f32 to vector<16xf32>
      %mul3A_199 = arith.mulf %mul3A_198, %add3A_196 : vector<16xf32>
      %max3A_200 = arith.maximumf %add3A_196, %mul3A_199 : vector<16xf32>
      %exp3A_201 = math.exp %max3A_200 : vector<16xf32>
      %swap3A_202 = arith.index_cast %scan3A_187 : i32 to index
      %swap3A_203 = arith.constant 0 : index
      %swap3A_204 = tpu.vector_load %arg13[%swap3A_202, %swap3A_203] {strides = array<i32>} : memref<80x16xf32, #tpu.memory_space<vmem>>, vector<1x16xf32>,
      %swap3A_205 = vector.shape_cast %swap3A_204 : vector<1x16xf32> to vector<16xf32>
      %swap3A_206 = vector.shape_cast %exp3A_201 : vector<16xf32> to vector<1x16xf32>
      tpu.vector_store %arg13[%swap3A_202, %swap3A_203], %swap3A_206 {strides = array<i32>} : memref<80x16xf32, #tpu.memory_space<vmem>>, vector<1x16xf32>,
      %scan3A_207 = arith.constant 5 : i32
      %scan3A_208 = arith.addi %scan3A_107, %scan3A_207 : i32
      %get3A_209 = arith.index_cast %scan3A_208 : i32 to index
      %get3A_210 = arith.constant 0 : index
      %get3A_211 = tpu.vector_load %arg11[%get3A_209, %get3A_210] {strides = array<i32>} : memref<80x16xf32, #tpu.memory_space<vmem>>, vector<1x16xf32>,
      %get3A_212 = vector.shape_cast %get3A_211 : vector<1x16xf32> to vector<16xf32>
      %get3A_213 = arith.index_cast %scan3A_208 : i32 to index
      %get3A_214 = arith.constant 0 : index
      %get3A_215 = tpu.vector_load %arg12[%get3A_213, %get3A_214] {strides = array<i32>} : memref<80x16xf32, #tpu.memory_space<vmem>>, vector<1x16xf32>,
      %get3A_216 = vector.shape_cast %get3A_215 : vector<1x16xf32> to vector<16xf32>
      %add3A_217 = arith.addf %get3A_212, %get3A_216 : vector<16xf32>
      %mul3A_218 = arith.constant 2.000000e-01 : f32
      %mul3A_219 = vector.broadcast %mul3A_218 : f32 to vector<16xf32>
      %mul3A_220 = arith.mulf %mul3A_219, %add3A_217 : vector<16xf32>
      %max3A_221 = arith.maximumf %add3A_217, %mul3A_220 : vector<16xf32>
      %exp3A_222 = math.exp %max3A_221 : vector<16xf32>
      %swap3A_223 = arith.index_cast %scan3A_208 : i32 to index
      %swap3A_224 = arith.constant 0 : index
      %swap3A_225 = tpu.vector_load %arg13[%swap3A_223, %swap3A_224] {strides = array<i32>} : memref<80x16xf32, #tpu.memory_space<vmem>>, vector<1x16xf32>,
      %swap3A_226 = vector.shape_cast %swap3A_225 : vector<1x16xf32> to vector<16xf32>
      %swap3A_227 = vector.shape_cast %exp3A_222 : vector<16xf32> to vector<1x16xf32>
      tpu.vector_store %arg13[%swap3A_223, %swap3A_224], %swap3A_227 {strides = array<i32>} : memref<80x16xf32, #tpu.memory_space<vmem>>, vector<1x16xf32>,
      %scan3A_228 = arith.constant 6 : i32
      %scan3A_229 = arith.addi %scan3A_107, %scan3A_228 : i32
      %get3A_230 = arith.index_cast %scan3A_229 : i32 to index
      %get3A_231 = arith.constant 0 : index
      %get3A_232 = tpu.vector_load %arg11[%get3A_230, %get3A_231] {strides = array<i32>} : memref<80x16xf32, #tpu.memory_space<vmem>>, vector<1x16xf32>,
      %get3A_233 = vector.shape_cast %get3A_232 : vector<1x16xf32> to vector<16xf32>
      %get3A_234 = arith.index_cast %scan3A_229 : i32 to index
      %get3A_235 = arith.constant 0 : index
      %get3A_236 = tpu.vector_load %arg12[%get3A_234, %get3A_235] {strides = array<i32>} : memref<80x16xf32, #tpu.memory_space<vmem>>, vector<1x16xf32>,
      %get3A_237 = vector.shape_cast %get3A_236 : vector<1x16xf32> to vector<16xf32>
      %add3A_238 = arith.addf %get3A_233, %get3A_237 : vector<16xf32>
      %mul3A_239 = arith.constant 2.000000e-01 : f32
      %mul3A_240 = vector.broadcast %mul3A_239 : f32 to vector<16xf32>
      %mul3A_241 = arith.mulf %mul3A_240, %add3A_238 : vector<16xf32>
      %max3A_242 = arith.maximumf %add3A_238, %mul3A_241 : vector<16xf32>
      %exp3A_243 = math.exp %max3A_242 : vector<16xf32>
      %swap3A_244 = arith.index_cast %scan3A_229 : i32 to index
      %swap3A_245 = arith.constant 0 : index
      %swap3A_246 = tpu.vector_load %arg13[%swap3A_244, %swap3A_245] {strides = array<i32>} : memref<80x16xf32, #tpu.memory_space<vmem>>, vector<1x16xf32>,
      %swap3A_247 = vector.shape_cast %swap3A_246 : vector<1x16xf32> to vector<16xf32>
      %swap3A_248 = vector.shape_cast %exp3A_243 : vector<16xf32> to vector<1x16xf32>
      tpu.vector_store %arg13[%swap3A_244, %swap3A_245], %swap3A_248 {strides = array<i32>} : memref<80x16xf32, #tpu.memory_space<vmem>>, vector<1x16xf32>,
      %scan3A_249 = arith.constant 7 : i32
      %scan3A_250 = arith.addi %scan3A_107, %scan3A_249 : i32
      %get3A_251 = arith.index_cast %scan3A_250 : i32 to index
      %get3A_252 = arith.constant 0 : index
      %get3A_253 = tpu.vector_load %arg11[%get3A_251, %get3A_252] {strides = array<i32>} : memref<80x16xf32, #tpu.memory_space<vmem>>, vector<1x16xf32>,
      %get3A_254 = vector.shape_cast %get3A_253 : vector<1x16xf32> to vector<16xf32>
      %get3A_255 = arith.index_cast %scan3A_250 : i32 to index
      %get3A_256 = arith.constant 0 : index
      %get3A_257 = tpu.vector_load %arg12[%get3A_255, %get3A_256] {strides = array<i32>} : memref<80x16xf32, #tpu.memory_space<vmem>>, vector<1x16xf32>,
      %get3A_258 = vector.shape_cast %get3A_257 : vector<1x16xf32> to vector<16xf32>
      %add3A_259 = arith.addf %get3A_254, %get3A_258 : vector<16xf32>
      %mul3A_260 = arith.constant 2.000000e-01 : f32
      %mul3A_261 = vector.broadcast %mul3A_260 : f32 to vector<16xf32>
      %mul3A_262 = arith.mulf %mul3A_261, %add3A_259 : vector<16xf32>
      %max3A_263 = arith.maximumf %add3A_259, %mul3A_262 : vector<16xf32>
      %exp3A_264 = math.exp %max3A_263 : vector<16xf32>
      %swap3A_265 = arith.index_cast %scan3A_250 : i32 to index
      %swap3A_266 = arith.constant 0 : index
      %swap3A_267 = tpu.vector_load %arg13[%swap3A_265, %swap3A_266] {strides = array<i32>} : memref<80x16xf32, #tpu.memory_space<vmem>>, vector<1x16xf32>,
      %swap3A_268 = vector.shape_cast %swap3A_267 : vector<1x16xf32> to vector<16xf32>
      %swap3A_269 = vector.shape_cast %exp3A_264 : vector<16xf32> to vector<1x16xf32>
      tpu.vector_store %arg13[%swap3A_265, %swap3A_266], %swap3A_269 {strides = array<i32>} : memref<80x16xf32, #tpu.memory_space<vmem>>, vector<1x16xf32>,
    }
    %scan3A_98 = arith.constant 80 : i32
    "tpu.region"() ({
      %run_scoped3A = tpu.sem_alloc : memref<!tpu.dma_semaphore, #tpu.memory_space<semaphore_mem>>
      %dma_start3A_107 = arith.constant 0 : i32
      %dma_start3A_108 = arith.constant 0 : i32
      %dma_start3A_109 = tpu.memref_slice %arg22[%dma_start3A_107, %dma_start3A_108] : memref<10240x16xf32, #tpu.memory_space<vmem_shared>> -> memref<10240x16xf32, #tpu.memory_space<vmem_shared>>
      tpu.enqueue_indirect_dma source(%arg13 : memref<80x16xf32, #tpu.memory_space<vmem>>) target(%dma_start3A_109 : memref<10240x16xf32, #tpu.memory_space<vmem_shared>>) offsets(%arg10 : memref<80xi32, #tpu.memory_space<vmem>>) semaphore(%run_scoped3A : memref<!tpu.dma_semaphore, #tpu.memory_space<semaphore_mem>>) {add = true}
      %dma_wait3A_110 = arith.constant 0 : i32
      %dma_wait3A_111 = arith.constant 0 : i32
      %dma_wait3A_112 = tpu.memref_slice %arg22[%dma_wait3A_110, %dma_wait3A_111] : memref<10240x16xf32, #tpu.memory_space<vmem_shared>> -> memref<10240x16xf32, #tpu.memory_space<vmem_shared>>
      tpu.wait_indirect_dma semaphore(%run_scoped3A : memref<!tpu.dma_semaphore, #tpu.memory_space<semaphore_mem>>) src(%arg13 : memref<80x16xf32, #tpu.memory_space<vmem>>) dst(%dma_wait3A_112 : memref<10240x16xf32, #tpu.memory_space<vmem_shared>>)
      tpu.yield
    }) : () -> ()
    %scan3A_99 = arith.constant 0 : i32
    %scan3A_100 = arith.constant 80 : i32
    %scan3A_101 = arith.addi %scan3A_99, %scan3A_100 : i32
    %scan3A_102 = arith.constant 2 : i32
    scf.for %scan3A_107 = %scan3A_99 to %scan3A_101 step %scan3A_102  : i32 {
      %get3A = arith.index_cast %scan3A_107 : i32 to index
      %get3A_108 = arith.constant 0 : index
      %get3A_109 = tpu.vector_load %arg13[%get3A, %get3A_108] {strides = array<i32>} : memref<80x16xf32, #tpu.memory_space<vmem>>, vector<1x16xf32>,
      %get3A_110 = vector.shape_cast %get3A_109 : vector<1x16xf32> to vector<16xf32>
      %slice3A = vector.extract_strided_slice %get3A_110 {offsets = [0], sizes = [1], strides = [1]} : vector<16xf32> to vector<1xf32>
      %squeeze3A = vector.extract %slice3A[0] : f32 from vector<1xf32>
      %get3A_111 = arith.index_cast %scan3A_107 : i32 to index
      %get3A_112 = arith.constant 0 : index
      %get3A_113 = tpu.vector_load %arg14[%get3A_111, %get3A_112] {strides = array<i32>} : memref<80x128xf32, #tpu.memory_space<vmem>>, vector<1x16xf32>,
      %get3A_114 = vector.shape_cast %get3A_113 : vector<1x16xf32> to vector<16xf32>
      %mul3A_115 = vector.broadcast %squeeze3A : f32 to vector<16xf32>
      %mul3A_116 = arith.mulf %get3A_114, %mul3A_115 : vector<16xf32>
      %swap3A = arith.index_cast %scan3A_107 : i32 to index
      %swap3A_117 = arith.constant 0 : index
      %swap3A_118 = tpu.vector_load %arg14[%swap3A, %swap3A_117] {strides = array<i32>} : memref<80x128xf32, #tpu.memory_space<vmem>>, vector<1x16xf32>,
      %swap3A_119 = vector.shape_cast %swap3A_118 : vector<1x16xf32> to vector<16xf32>
      %swap3A_120 = vector.shape_cast %mul3A_116 : vector<16xf32> to vector<1x16xf32>
      tpu.vector_store %arg14[%swap3A, %swap3A_117], %swap3A_120 {strides = array<i32>} : memref<80x128xf32, #tpu.memory_space<vmem>>, vector<1x16xf32>,
      %slice3A_121 = vector.extract_strided_slice %get3A_110 {offsets = [1], sizes = [1], strides = [1]} : vector<16xf32> to vector<1xf32>
      %squeeze3A_122 = vector.extract %slice3A_121[0] : f32 from vector<1xf32>
      %get3A_123 = arith.index_cast %scan3A_107 : i32 to index
      %get3A_124 = arith.constant 16 : index
      %get3A_125 = tpu.vector_load %arg14[%get3A_123, %get3A_124] {strides = array<i32>} : memref<80x128xf32, #tpu.memory_space<vmem>>, vector<1x16xf32>,
      %get3A_126 = vector.shape_cast %get3A_125 : vector<1x16xf32> to vector<16xf32>
      %mul3A_127 = vector.broadcast %squeeze3A_122 : f32 to vector<16xf32>
      %mul3A_128 = arith.mulf %get3A_126, %mul3A_127 : vector<16xf32>
      %swap3A_129 = arith.index_cast %scan3A_107 : i32 to index
      %swap3A_130 = arith.constant 16 : index
      %swap3A_131 = tpu.vector_load %arg14[%swap3A_129, %swap3A_130] {strides = array<i32>} : memref<80x128xf32, #tpu.memory_space<vmem>>, vector<1x16xf32>,
      %swap3A_132 = vector.shape_cast %swap3A_131 : vector<1x16xf32> to vector<16xf32>
      %swap3A_133 = vector.shape_cast %mul3A_128 : vector<16xf32> to vector<1x16xf32>
      tpu.vector_store %arg14[%swap3A_129, %swap3A_130], %swap3A_133 {strides = array<i32>} : memref<80x128xf32, #tpu.memory_space<vmem>>, vector<1x16xf32>,
      %slice3A_134 = vector.extract_strided_slice %get3A_110 {offsets = [2], sizes = [1], strides = [1]} : vector<16xf32> to vector<1xf32>
      %squeeze3A_135 = vector.extract %slice3A_134[0] : f32 from vector<1xf32>
      %get3A_136 = arith.index_cast %scan3A_107 : i32 to index
      %get3A_137 = arith.constant 32 : index
      %get3A_138 = tpu.vector_load %arg14[%get3A_136, %get3A_137] {strides = array<i32>} : memref<80x128xf32, #tpu.memory_space<vmem>>, vector<1x16xf32>,
      %get3A_139 = vector.shape_cast %get3A_138 : vector<1x16xf32> to vector<16xf32>
      %mul3A_140 = vector.broadcast %squeeze3A_135 : f32 to vector<16xf32>
      %mul3A_141 = arith.mulf %get3A_139, %mul3A_140 : vector<16xf32>
      %swap3A_142 = arith.index_cast %scan3A_107 : i32 to index
      %swap3A_143 = arith.constant 32 : index
      %swap3A_144 = tpu.vector_load %arg14[%swap3A_142, %swap3A_143] {strides = array<i32>} : memref<80x128xf32, #tpu.memory_space<vmem>>, vector<1x16xf32>,
      %swap3A_145 = vector.shape_cast %swap3A_144 : vector<1x16xf32> to vector<16xf32>
      %swap3A_146 = vector.shape_cast %mul3A_141 : vector<16xf32> to vector<1x16xf32>
      tpu.vector_store %arg14[%swap3A_142, %swap3A_143], %swap3A_146 {strides = array<i32>} : memref<80x128xf32, #tpu.memory_space<vmem>>, vector<1x16xf32>,
      %slice3A_147 = vector.extract_strided_slice %get3A_110 {offsets = [3], sizes = [1], strides = [1]} : vector<16xf32> to vector<1xf32>
      %squeeze3A_148 = vector.extract %slice3A_147[0] : f32 from vector<1xf32>
      %get3A_149 = arith.index_cast %scan3A_107 : i32 to index
      %get3A_150 = arith.constant 48 : index
      %get3A_151 = tpu.vector_load %arg14[%get3A_149, %get3A_150] {strides = array<i32>} : memref<80x128xf32, #tpu.memory_space<vmem>>, vector<1x16xf32>,
      %get3A_152 = vector.shape_cast %get3A_151 : vector<1x16xf32> to vector<16xf32>
      %mul3A_153 = vector.broadcast %squeeze3A_148 : f32 to vector<16xf32>
      %mul3A_154 = arith.mulf %get3A_152, %mul3A_153 : vector<16xf32>
      %swap3A_155 = arith.index_cast %scan3A_107 : i32 to index
      %swap3A_156 = arith.constant 48 : index
      %swap3A_157 = tpu.vector_load %arg14[%swap3A_155, %swap3A_156] {strides = array<i32>} : memref<80x128xf32, #tpu.memory_space<vmem>>, vector<1x16xf32>,
      %swap3A_158 = vector.shape_cast %swap3A_157 : vector<1x16xf32> to vector<16xf32>
      %swap3A_159 = vector.shape_cast %mul3A_154 : vector<16xf32> to vector<1x16xf32>
      tpu.vector_store %arg14[%swap3A_155, %swap3A_156], %swap3A_159 {strides = array<i32>} : memref<80x128xf32, #tpu.memory_space<vmem>>, vector<1x16xf32>,
      %slice3A_160 = vector.extract_strided_slice %get3A_110 {offsets = [4], sizes = [1], strides = [1]} : vector<16xf32> to vector<1xf32>
      %squeeze3A_161 = vector.extract %slice3A_160[0] : f32 from vector<1xf32>
      %get3A_162 = arith.index_cast %scan3A_107 : i32 to index
      %get3A_163 = arith.constant 64 : index
      %get3A_164 = tpu.vector_load %arg14[%get3A_162, %get3A_163] {strides = array<i32>} : memref<80x128xf32, #tpu.memory_space<vmem>>, vector<1x16xf32>,
      %get3A_165 = vector.shape_cast %get3A_164 : vector<1x16xf32> to vector<16xf32>
      %mul3A_166 = vector.broadcast %squeeze3A_161 : f32 to vector<16xf32>
      %mul3A_167 = arith.mulf %get3A_165, %mul3A_166 : vector<16xf32>
      %swap3A_168 = arith.index_cast %scan3A_107 : i32 to index
      %swap3A_169 = arith.constant 64 : index
      %swap3A_170 = tpu.vector_load %arg14[%swap3A_168, %swap3A_169] {strides = array<i32>} : memref<80x128xf32, #tpu.memory_space<vmem>>, vector<1x16xf32>,
      %swap3A_171 = vector.shape_cast %swap3A_170 : vector<1x16xf32> to vector<16xf32>
      %swap3A_172 = vector.shape_cast %mul3A_167 : vector<16xf32> to vector<1x16xf32>
      tpu.vector_store %arg14[%swap3A_168, %swap3A_169], %swap3A_172 {strides = array<i32>} : memref<80x128xf32, #tpu.memory_space<vmem>>, vector<1x16xf32>,
      %slice3A_173 = vector.extract_strided_slice %get3A_110 {offsets = [5], sizes = [1], strides = [1]} : vector<16xf32> to vector<1xf32>
      %squeeze3A_174 = vector.extract %slice3A_173[0] : f32 from vector<1xf32>
      %get3A_175 = arith.index_cast %scan3A_107 : i32 to index
      %get3A_176 = arith.constant 80 : index
      %get3A_177 = tpu.vector_load %arg14[%get3A_175, %get3A_176] {strides = array<i32>} : memref<80x128xf32, #tpu.memory_space<vmem>>, vector<1x16xf32>,
      %get3A_178 = vector.shape_cast %get3A_177 : vector<1x16xf32> to vector<16xf32>
      %mul3A_179 = vector.broadcast %squeeze3A_174 : f32 to vector<16xf32>
      %mul3A_180 = arith.mulf %get3A_178, %mul3A_179 : vector<16xf32>
      %swap3A_181 = arith.index_cast %scan3A_107 : i32 to index
      %swap3A_182 = arith.constant 80 : index
      %swap3A_183 = tpu.vector_load %arg14[%swap3A_181, %swap3A_182] {strides = array<i32>} : memref<80x128xf32, #tpu.memory_space<vmem>>, vector<1x16xf32>,
      %swap3A_184 = vector.shape_cast %swap3A_183 : vector<1x16xf32> to vector<16xf32>
      %swap3A_185 = vector.shape_cast %mul3A_180 : vector<16xf32> to vector<1x16xf32>
      tpu.vector_store %arg14[%swap3A_181, %swap3A_182], %swap3A_185 {strides = array<i32>} : memref<80x128xf32, #tpu.memory_space<vmem>>, vector<1x16xf32>,
      %slice3A_186 = vector.extract_strided_slice %get3A_110 {offsets = [6], sizes = [1], strides = [1]} : vector<16xf32> to vector<1xf32>
      %squeeze3A_187 = vector.extract %slice3A_186[0] : f32 from vector<1xf32>
      %get3A_188 = arith.index_cast %scan3A_107 : i32 to index
      %get3A_189 = arith.constant 96 : index
      %get3A_190 = tpu.vector_load %arg14[%get3A_188, %get3A_189] {strides = array<i32>} : memref<80x128xf32, #tpu.memory_space<vmem>>, vector<1x16xf32>,
      %get3A_191 = vector.shape_cast %get3A_190 : vector<1x16xf32> to vector<16xf32>
      %mul3A_192 = vector.broadcast %squeeze3A_187 : f32 to vector<16xf32>
      %mul3A_193 = arith.mulf %get3A_191, %mul3A_192 : vector<16xf32>
      %swap3A_194 = arith.index_cast %scan3A_107 : i32 to index
      %swap3A_195 = arith.constant 96 : index
      %swap3A_196 = tpu.vector_load %arg14[%swap3A_194, %swap3A_195] {strides = array<i32>} : memref<80x128xf32, #tpu.memory_space<vmem>>, vector<1x16xf32>,
      %swap3A_197 = vector.shape_cast %swap3A_196 : vector<1x16xf32> to vector<16xf32>
      %swap3A_198 = vector.shape_cast %mul3A_193 : vector<16xf32> to vector<1x16xf32>
      tpu.vector_store %arg14[%swap3A_194, %swap3A_195], %swap3A_198 {strides = array<i32>} : memref<80x128xf32, #tpu.memory_space<vmem>>, vector<1x16xf32>,
      %slice3A_199 = vector.extract_strided_slice %get3A_110 {offsets = [7], sizes = [1], strides = [1]} : vector<16xf32> to vector<1xf32>
      %squeeze3A_200 = vector.extract %slice3A_199[0] : f32 from vector<1xf32>
      %get3A_201 = arith.index_cast %scan3A_107 : i32 to index
      %get3A_202 = arith.constant 112 : index
      %get3A_203 = tpu.vector_load %arg14[%get3A_201, %get3A_202] {strides = array<i32>} : memref<80x128xf32, #tpu.memory_space<vmem>>, vector<1x16xf32>,
      %get3A_204 = vector.shape_cast %get3A_203 : vector<1x16xf32> to vector<16xf32>
      %mul3A_205 = vector.broadcast %squeeze3A_200 : f32 to vector<16xf32>
      %mul3A_206 = arith.mulf %get3A_204, %mul3A_205 : vector<16xf32>
      %swap3A_207 = arith.index_cast %scan3A_107 : i32 to index
      %swap3A_208 = arith.constant 112 : index
      %swap3A_209 = tpu.vector_load %arg14[%swap3A_207, %swap3A_208] {strides = array<i32>} : memref<80x128xf32, #tpu.memory_space<vmem>>, vector<1x16xf32>,
      %swap3A_210 = vector.shape_cast %swap3A_209 : vector<1x16xf32> to vector<16xf32>
      %swap3A_211 = vector.shape_cast %mul3A_206 : vector<16xf32> to vector<1x16xf32>
      tpu.vector_store %arg14[%swap3A_207, %swap3A_208], %swap3A_211 {strides = array<i32>} : memref<80x128xf32, #tpu.memory_space<vmem>>, vector<1x16xf32>,
      %scan3A_212 = arith.constant 1 : i32
      %scan3A_213 = arith.addi %scan3A_107, %scan3A_212 : i32
      %get3A_214 = arith.index_cast %scan3A_213 : i32 to index
      %get3A_215 = arith.constant 0 : index
      %get3A_216 = tpu.vector_load %arg13[%get3A_214, %get3A_215] {strides = array<i32>} : memref<80x16xf32, #tpu.memory_space<vmem>>, vector<1x16xf32>,
      %get3A_217 = vector.shape_cast %get3A_216 : vector<1x16xf32> to vector<16xf32>
      %slice3A_218 = vector.extract_strided_slice %get3A_217 {offsets = [0], sizes = [1], strides = [1]} : vector<16xf32> to vector<1xf32>
      %squeeze3A_219 = vector.extract %slice3A_218[0] : f32 from vector<1xf32>
      %get3A_220 = arith.index_cast %scan3A_213 : i32 to index
      %get3A_221 = arith.constant 0 : index
      %get3A_222 = tpu.vector_load %arg14[%get3A_220, %get3A_221] {strides = array<i32>} : memref<80x128xf32, #tpu.memory_space<vmem>>, vector<1x16xf32>,
      %get3A_223 = vector.shape_cast %get3A_222 : vector<1x16xf32> to vector<16xf32>
      %mul3A_224 = vector.broadcast %squeeze3A_219 : f32 to vector<16xf32>
      %mul3A_225 = arith.mulf %get3A_223, %mul3A_224 : vector<16xf32>
      %swap3A_226 = arith.index_cast %scan3A_213 : i32 to index
      %swap3A_227 = arith.constant 0 : index
      %swap3A_228 = tpu.vector_load %arg14[%swap3A_226, %swap3A_227] {strides = array<i32>} : memref<80x128xf32, #tpu.memory_space<vmem>>, vector<1x16xf32>,
      %swap3A_229 = vector.shape_cast %swap3A_228 : vector<1x16xf32> to vector<16xf32>
      %swap3A_230 = vector.shape_cast %mul3A_225 : vector<16xf32> to vector<1x16xf32>
      tpu.vector_store %arg14[%swap3A_226, %swap3A_227], %swap3A_230 {strides = array<i32>} : memref<80x128xf32, #tpu.memory_space<vmem>>, vector<1x16xf32>,
      %slice3A_231 = vector.extract_strided_slice %get3A_217 {offsets = [1], sizes = [1], strides = [1]} : vector<16xf32> to vector<1xf32>
      %squeeze3A_232 = vector.extract %slice3A_231[0] : f32 from vector<1xf32>
      %get3A_233 = arith.index_cast %scan3A_213 : i32 to index
      %get3A_234 = arith.constant 16 : index
      %get3A_235 = tpu.vector_load %arg14[%get3A_233, %get3A_234] {strides = array<i32>} : memref<80x128xf32, #tpu.memory_space<vmem>>, vector<1x16xf32>,
      %get3A_236 = vector.shape_cast %get3A_235 : vector<1x16xf32> to vector<16xf32>
      %mul3A_237 = vector.broadcast %squeeze3A_232 : f32 to vector<16xf32>
      %mul3A_238 = arith.mulf %get3A_236, %mul3A_237 : vector<16xf32>
      %swap3A_239 = arith.index_cast %scan3A_213 : i32 to index
      %swap3A_240 = arith.constant 16 : index
      %swap3A_241 = tpu.vector_load %arg14[%swap3A_239, %swap3A_240] {strides = array<i32>} : memref<80x128xf32, #tpu.memory_space<vmem>>, vector<1x16xf32>,
      %swap3A_242 = vector.shape_cast %swap3A_241 : vector<1x16xf32> to vector<16xf32>
      %swap3A_243 = vector.shape_cast %mul3A_238 : vector<16xf32> to vector<1x16xf32>
      tpu.vector_store %arg14[%swap3A_239, %swap3A_240], %swap3A_243 {strides = array<i32>} : memref<80x128xf32, #tpu.memory_space<vmem>>, vector<1x16xf32>,
      %slice3A_244 = vector.extract_strided_slice %get3A_217 {offsets = [2], sizes = [1], strides = [1]} : vector<16xf32> to vector<1xf32>
      %squeeze3A_245 = vector.extract %slice3A_244[0] : f32 from vector<1xf32>
      %get3A_246 = arith.index_cast %scan3A_213 : i32 to index
      %get3A_247 = arith.constant 32 : index
      %get3A_248 = tpu.vector_load %arg14[%get3A_246, %get3A_247] {strides = array<i32>} : memref<80x128xf32, #tpu.memory_space<vmem>>, vector<1x16xf32>,
      %get3A_249 = vector.shape_cast %get3A_248 : vector<1x16xf32> to vector<16xf32>
      %mul3A_250 = vector.broadcast %squeeze3A_245 : f32 to vector<16xf32>
      %mul3A_251 = arith.mulf %get3A_249, %mul3A_250 : vector<16xf32>
      %swap3A_252 = arith.index_cast %scan3A_213 : i32 to index
      %swap3A_253 = arith.constant 32 : index
      %swap3A_254 = tpu.vector_load %arg14[%swap3A_252, %swap3A_253] {strides = array<i32>} : memref<80x128xf32, #tpu.memory_space<vmem>>, vector<1x16xf32>,
      %swap3A_255 = vector.shape_cast %swap3A_254 : vector<1x16xf32> to vector<16xf32>
      %swap3A_256 = vector.shape_cast %mul3A_251 : vector<16xf32> to vector<1x16xf32>
      tpu.vector_store %arg14[%swap3A_252, %swap3A_253], %swap3A_256 {strides = array<i32>} : memref<80x128xf32, #tpu.memory_space<vmem>>, vector<1x16xf32>,
      %slice3A_257 = vector.extract_strided_slice %get3A_217 {offsets = [3], sizes = [1], strides = [1]} : vector<16xf32> to vector<1xf32>
      %squeeze3A_258 = vector.extract %slice3A_257[0] : f32 from vector<1xf32>
      %get3A_259 = arith.index_cast %scan3A_213 : i32 to index
      %get3A_260 = arith.constant 48 : index
      %get3A_261 = tpu.vector_load %arg14[%get3A_259, %get3A_260] {strides = array<i32>} : memref<80x128xf32, #tpu.memory_space<vmem>>, vector<1x16xf32>,
      %get3A_262 = vector.shape_cast %get3A_261 : vector<1x16xf32> to vector<16xf32>
      %mul3A_263 = vector.broadcast %squeeze3A_258 : f32 to vector<16xf32>
      %mul3A_264 = arith.mulf %get3A_262, %mul3A_263 : vector<16xf32>
      %swap3A_265 = arith.index_cast %scan3A_213 : i32 to index
      %swap3A_266 = arith.constant 48 : index
      %swap3A_267 = tpu.vector_load %arg14[%swap3A_265, %swap3A_266] {strides = array<i32>} : memref<80x128xf32, #tpu.memory_space<vmem>>, vector<1x16xf32>,
      %swap3A_268 = vector.shape_cast %swap3A_267 : vector<1x16xf32> to vector<16xf32>
      %swap3A_269 = vector.shape_cast %mul3A_264 : vector<16xf32> to vector<1x16xf32>
      tpu.vector_store %arg14[%swap3A_265, %swap3A_266], %swap3A_269 {strides = array<i32>} : memref<80x128xf32, #tpu.memory_space<vmem>>, vector<1x16xf32>,
      %slice3A_270 = vector.extract_strided_slice %get3A_217 {offsets = [4], sizes = [1], strides = [1]} : vector<16xf32> to vector<1xf32>
      %squeeze3A_271 = vector.extract %slice3A_270[0] : f32 from vector<1xf32>
      %get3A_272 = arith.index_cast %scan3A_213 : i32 to index
      %get3A_273 = arith.constant 64 : index
      %get3A_274 = tpu.vector_load %arg14[%get3A_272, %get3A_273] {strides = array<i32>} : memref<80x128xf32, #tpu.memory_space<vmem>>, vector<1x16xf32>,
      %get3A_275 = vector.shape_cast %get3A_274 : vector<1x16xf32> to vector<16xf32>
      %mul3A_276 = vector.broadcast %squeeze3A_271 : f32 to vector<16xf32>
      %mul3A_277 = arith.mulf %get3A_275, %mul3A_276 : vector<16xf32>
      %swap3A_278 = arith.index_cast %scan3A_213 : i32 to index
      %swap3A_279 = arith.constant 64 : index
      %swap3A_280 = tpu.vector_load %arg14[%swap3A_278, %swap3A_279] {strides = array<i32>} : memref<80x128xf32, #tpu.memory_space<vmem>>, vector<1x16xf32>,
      %swap3A_281 = vector.shape_cast %swap3A_280 : vector<1x16xf32> to vector<16xf32>
      %swap3A_282 = vector.shape_cast %mul3A_277 : vector<16xf32> to vector<1x16xf32>
      tpu.vector_store %arg14[%swap3A_278, %swap3A_279], %swap3A_282 {strides = array<i32>} : memref<80x128xf32, #tpu.memory_space<vmem>>, vector<1x16xf32>,
      %slice3A_283 = vector.extract_strided_slice %get3A_217 {offsets = [5], sizes = [1], strides = [1]} : vector<16xf32> to vector<1xf32>
      %squeeze3A_284 = vector.extract %slice3A_283[0] : f32 from vector<1xf32>
      %get3A_285 = arith.index_cast %scan3A_213 : i32 to index
      %get3A_286 = arith.constant 80 : index
      %get3A_287 = tpu.vector_load %arg14[%get3A_285, %get3A_286] {strides = array<i32>} : memref<80x128xf32, #tpu.memory_space<vmem>>, vector<1x16xf32>,
      %get3A_288 = vector.shape_cast %get3A_287 : vector<1x16xf32> to vector<16xf32>
      %mul3A_289 = vector.broadcast %squeeze3A_284 : f32 to vector<16xf32>
      %mul3A_290 = arith.mulf %get3A_288, %mul3A_289 : vector<16xf32>
      %swap3A_291 = arith.index_cast %scan3A_213 : i32 to index
      %swap3A_292 = arith.constant 80 : index
      %swap3A_293 = tpu.vector_load %arg14[%swap3A_291, %swap3A_292] {strides = array<i32>} : memref<80x128xf32, #tpu.memory_space<vmem>>, vector<1x16xf32>,
      %swap3A_294 = vector.shape_cast %swap3A_293 : vector<1x16xf32> to vector<16xf32>
      %swap3A_295 = vector.shape_cast %mul3A_290 : vector<16xf32> to vector<1x16xf32>
      tpu.vector_store %arg14[%swap3A_291, %swap3A_292], %swap3A_295 {strides = array<i32>} : memref<80x128xf32, #tpu.memory_space<vmem>>, vector<1x16xf32>,
      %slice3A_296 = vector.extract_strided_slice %get3A_217 {offsets = [6], sizes = [1], strides = [1]} : vector<16xf32> to vector<1xf32>
      %squeeze3A_297 = vector.extract %slice3A_296[0] : f32 from vector<1xf32>
      %get3A_298 = arith.index_cast %scan3A_213 : i32 to index
      %get3A_299 = arith.constant 96 : index
      %get3A_300 = tpu.vector_load %arg14[%get3A_298, %get3A_299] {strides = array<i32>} : memref<80x128xf32, #tpu.memory_space<vmem>>, vector<1x16xf32>,
      %get3A_301 = vector.shape_cast %get3A_300 : vector<1x16xf32> to vector<16xf32>
      %mul3A_302 = vector.broadcast %squeeze3A_297 : f32 to vector<16xf32>
      %mul3A_303 = arith.mulf %get3A_301, %mul3A_302 : vector<16xf32>
      %swap3A_304 = arith.index_cast %scan3A_213 : i32 to index
      %swap3A_305 = arith.constant 96 : index
      %swap3A_306 = tpu.vector_load %arg14[%swap3A_304, %swap3A_305] {strides = array<i32>} : memref<80x128xf32, #tpu.memory_space<vmem>>, vector<1x16xf32>,
      %swap3A_307 = vector.shape_cast %swap3A_306 : vector<1x16xf32> to vector<16xf32>
      %swap3A_308 = vector.shape_cast %mul3A_303 : vector<16xf32> to vector<1x16xf32>
      tpu.vector_store %arg14[%swap3A_304, %swap3A_305], %swap3A_308 {strides = array<i32>} : memref<80x128xf32, #tpu.memory_space<vmem>>, vector<1x16xf32>,
      %slice3A_309 = vector.extract_strided_slice %get3A_217 {offsets = [7], sizes = [1], strides = [1]} : vector<16xf32> to vector<1xf32>
      %squeeze3A_310 = vector.extract %slice3A_309[0] : f32 from vector<1xf32>
      %get3A_311 = arith.index_cast %scan3A_213 : i32 to index
      %get3A_312 = arith.constant 112 : index
      %get3A_313 = tpu.vector_load %arg14[%get3A_311, %get3A_312] {strides = array<i32>} : memref<80x128xf32, #tpu.memory_space<vmem>>, vector<1x16xf32>,
      %get3A_314 = vector.shape_cast %get3A_313 : vector<1x16xf32> to vector<16xf32>
      %mul3A_315 = vector.broadcast %squeeze3A_310 : f32 to vector<16xf32>
      %mul3A_316 = arith.mulf %get3A_314, %mul3A_315 : vector<16xf32>
      %swap3A_317 = arith.index_cast %scan3A_213 : i32 to index
      %swap3A_318 = arith.constant 112 : index
      %swap3A_319 = tpu.vector_load %arg14[%swap3A_317, %swap3A_318] {strides = array<i32>} : memref<80x128xf32, #tpu.memory_space<vmem>>, vector<1x16xf32>,
      %swap3A_320 = vector.shape_cast %swap3A_319 : vector<1x16xf32> to vector<16xf32>
      %swap3A_321 = vector.shape_cast %mul3A_316 : vector<16xf32> to vector<1x16xf32>
      tpu.vector_store %arg14[%swap3A_317, %swap3A_318], %swap3A_321 {strides = array<i32>} : memref<80x128xf32, #tpu.memory_space<vmem>>, vector<1x16xf32>,
    }
    %scan3A_103 = arith.constant 80 : i32
    "tpu.region"() ({
      %run_scoped3A = tpu.sem_alloc : memref<!tpu.dma_semaphore, #tpu.memory_space<semaphore_mem>>
      %dma_start3A_107 = arith.constant 0 : i32
      %dma_start3A_108 = arith.constant 0 : i32
      %dma_start3A_109 = tpu.memref_slice %arg21[%dma_start3A_107, %dma_start3A_108] : memref<10240x128xf32, #tpu.memory_space<vmem_shared>> -> memref<10240x128xf32, #tpu.memory_space<vmem_shared>>
      tpu.enqueue_indirect_dma source(%arg14 : memref<80x128xf32, #tpu.memory_space<vmem>>) target(%dma_start3A_109 : memref<10240x128xf32, #tpu.memory_space<vmem_shared>>) offsets(%arg10 : memref<80xi32, #tpu.memory_space<vmem>>) semaphore(%run_scoped3A : memref<!tpu.dma_semaphore, #tpu.memory_space<semaphore_mem>>) {add = true}
      %dma_wait3A_110 = arith.constant 0 : i32
      %dma_wait3A_111 = arith.constant 0 : i32
      %dma_wait3A_112 = tpu.memref_slice %arg21[%dma_wait3A_110, %dma_wait3A_111] : memref<10240x128xf32, #tpu.memory_space<vmem_shared>> -> memref<10240x128xf32, #tpu.memory_space<vmem_shared>>
      tpu.wait_indirect_dma semaphore(%run_scoped3A : memref<!tpu.dma_semaphore, #tpu.memory_space<semaphore_mem>>) src(%arg14 : memref<80x128xf32, #tpu.memory_space<vmem>>) dst(%dma_wait3A_112 : memref<10240x128xf32, #tpu.memory_space<vmem_shared>>)
      tpu.yield
    }) : () -> ()
    %barrier3A_104 = arith.constant 0 : index
    tpu.barrier barrier_id(%barrier3A_104)
    %mul3A_105 = arith.constant 640 : i32
    %mul3A_106 = arith.muli %arg1, %mul3A_105 : i32
    "tpu.region"() ({
      %run_scoped3A = tpu.sem_alloc : memref<!tpu.dma_semaphore, #tpu.memory_space<semaphore_mem>>
      %dma_start3A_107 = arith.constant 0 : i32
      %dma_start3A_108 = tpu.memref_slice %arg7[%arg0, %mul3A_106, %dma_start3A_107] : memref<2x10240x128xf32, #tpu.memory_space<hbm>> -> memref<1x640x128xf32, #tpu.memory_space<hbm>>
      %dma_start3A_109 = tpu.memref_squeeze %dma_start3A_108 : memref<1x640x128xf32, #tpu.memory_space<hbm>> -> memref<640x128xf32, #tpu.memory_space<hbm>>
      %dma_start3A_110 = arith.constant 0 : i32
      %dma_start3A_111 = tpu.memref_slice %arg21[%mul3A_106, %dma_start3A_110] : memref<10240x128xf32, #tpu.memory_space<vmem_shared>> -> memref<640x128xf32, #tpu.memory_space<vmem_shared>>
      tpu.enqueue_dma source(%dma_start3A_111 : memref<640x128xf32, #tpu.memory_space<vmem_shared>>) target(%dma_start3A_109 : memref<640x128xf32, #tpu.memory_space<hbm>>) target_semaphore(%run_scoped3A : memref<!tpu.dma_semaphore, #tpu.memory_space<semaphore_mem>>)
      %dma_wait3A_112 = arith.constant 0 : i32
      %dma_wait3A_113 = tpu.memref_slice %arg7[%arg0, %mul3A_106, %dma_wait3A_112] : memref<2x10240x128xf32, #tpu.memory_space<hbm>> -> memref<1x640x128xf32, #tpu.memory_space<hbm>>
      %dma_wait3A_114 = tpu.memref_squeeze %dma_wait3A_113 : memref<1x640x128xf32, #tpu.memory_space<hbm>> -> memref<640x128xf32, #tpu.memory_space<hbm>>
      %dma_wait3A_115 = arith.constant 0 : i32
      %dma_wait3A_116 = tpu.memref_slice %arg21[%mul3A_106, %dma_wait3A_115] : memref<10240x128xf32, #tpu.memory_space<vmem_shared>> -> memref<640x128xf32, #tpu.memory_space<vmem_shared>>
      tpu.wait_dma2 semaphore(%run_scoped3A : memref<!tpu.dma_semaphore, #tpu.memory_space<semaphore_mem>>) src(%dma_wait3A_116 : memref<640x128xf32, #tpu.memory_space<vmem_shared>>) dst(%dma_wait3A_114 : memref<640x128xf32, #tpu.memory_space<hbm>>)
      tpu.yield
    }) : () -> ()
    "tpu.region"() ({
      %run_scoped3A = tpu.sem_alloc : memref<!tpu.dma_semaphore, #tpu.memory_space<semaphore_mem>>
      %dma_start3A_107 = arith.constant 0 : i32
      %dma_start3A_108 = tpu.memref_slice %arg8[%arg0, %mul3A_106, %dma_start3A_107] : memref<2x10240x16xf32, #tpu.memory_space<hbm>> -> memref<1x640x16xf32, #tpu.memory_space<hbm>>
      %dma_start3A_109 = tpu.memref_squeeze %dma_start3A_108 : memref<1x640x16xf32, #tpu.memory_space<hbm>> -> memref<640x16xf32, #tpu.memory_space<hbm>>
      %dma_start3A_110 = arith.constant 0 : i32
      %dma_start3A_111 = tpu.memref_slice %arg22[%mul3A_106, %dma_start3A_110] : memref<10240x16xf32, #tpu.memory_space<vmem_shared>> -> memref<640x16xf32, #tpu.memory_space<vmem_shared>>
      tpu.enqueue_dma source(%dma_start3A_111 : memref<640x16xf32, #tpu.memory_space<vmem_shared>>) target(%dma_start3A_109 : memref<640x16xf32, #tpu.memory_space<hbm>>) target_semaphore(%run_scoped3A : memref<!tpu.dma_semaphore, #tpu.memory_space<semaphore_mem>>)
      %dma_wait3A_112 = arith.constant 0 : i32
      %dma_wait3A_113 = tpu.memref_slice %arg8[%arg0, %mul3A_106, %dma_wait3A_112] : memref<2x10240x16xf32, #tpu.memory_space<hbm>> -> memref<1x640x16xf32, #tpu.memory_space<hbm>>
      %dma_wait3A_114 = tpu.memref_squeeze %dma_wait3A_113 : memref<1x640x16xf32, #tpu.memory_space<hbm>> -> memref<640x16xf32, #tpu.memory_space<hbm>>
      %dma_wait3A_115 = arith.constant 0 : i32
      %dma_wait3A_116 = tpu.memref_slice %arg22[%mul3A_106, %dma_wait3A_115] : memref<10240x16xf32, #tpu.memory_space<vmem_shared>> -> memref<640x16xf32, #tpu.memory_space<vmem_shared>>
      tpu.wait_dma2 semaphore(%run_scoped3A : memref<!tpu.dma_semaphore, #tpu.memory_space<semaphore_mem>>) src(%dma_wait3A_116 : memref<640x16xf32, #tpu.memory_space<vmem_shared>>) dst(%dma_wait3A_114 : memref<640x16xf32, #tpu.memory_space<hbm>>)
      tpu.yield
    }) : () -> ()
    return
  }
}

module attributes {stable_mosaic.version = 14 : i64} {
  func.func @_proj_body(%arg0: i32, %arg1: memref<1000x128xf32, #tpu.memory_space<vmem>>, %arg2: memref<128x128xf32, #tpu.memory_space<vmem>>, %arg3: memref<128x16xf32, #tpu.memory_space<vmem>>, %arg4: memref<128x16xf32, #tpu.memory_space<vmem>>, %arg5: memref<1000x128xf32, #tpu.memory_space<vmem>>, %arg6: memref<1000x16xf32, #tpu.memory_space<vmem>>, %arg7: memref<1000x16xf32, #tpu.memory_space<vmem>>) attributes {dimension_semantics = [#tpu.dimension_semantics<arbitrary>], iteration_bounds = array<i64: 10>, scalar_prefetch = 0 : i64, scratch_operands = 0 : i64, tpu.core_type = #tpu.core_type<tc>, window_params = [{transform_indices = @transform_0, window_bounds = array<i64: 1000, 128>}, {pipeline_mode = #tpu.pipeline_mode<synchronous>, transform_indices = @transform_1, window_bounds = array<i64: 128, 128>}, {pipeline_mode = #tpu.pipeline_mode<synchronous>, transform_indices = @transform_2, window_bounds = array<i64: 128, 16>}, {pipeline_mode = #tpu.pipeline_mode<synchronous>, transform_indices = @transform_3, window_bounds = array<i64: 128, 16>}, {transform_indices = @transform_4, window_bounds = array<i64: 1000, 128>}, {transform_indices = @transform_5, window_bounds = array<i64: 1000, 16>}, {transform_indices = @transform_6, window_bounds = array<i64: 1000, 16>}]} {
    %get3A = arith.constant 0 : index
    %get3A_0 = arith.constant 0 : index
    %get3A_1 = vector.load %arg1[%get3A, %get3A_0] : memref<1000x128xf32, #tpu.memory_space<vmem>>, vector<1000x128xf32>
    %get3A_2 = arith.constant 0 : index
    %get3A_3 = arith.constant 0 : index
    %get3A_4 = vector.load %arg2[%get3A_2, %get3A_3] : memref<128x128xf32, #tpu.memory_space<vmem>>, vector<128x128xf32>
    %dot_general3A = arith.constant dense<0.000000e+00> : vector<1000x128xf32>
    %dot_general3A_5 = tpu.matmul %get3A_1, %get3A_4, %dot_general3A {dimension_numbers = #tpu.dot_dimension_numbers<[1], [0], [0], [1], [0, 0, 1, 1], [], []>, transpose_lhs_hint = false} : vector<1000x128xf32>, vector<128x128xf32>, vector<1000x128xf32> -> vector<1000x128xf32>
    %swap3A = arith.constant 0 : index
    %swap3A_6 = arith.constant 0 : index
    %swap3A_7 = vector.load %arg5[%swap3A, %swap3A_6] : memref<1000x128xf32, #tpu.memory_space<vmem>>, vector<1000x128xf32>
    tpu.vector_store %arg5[%swap3A, %swap3A_6], %dot_general3A_5 {strides = array<i32>} : memref<1000x128xf32, #tpu.memory_space<vmem>>, vector<1000x128xf32>,
    %get3A_8 = arith.constant 0 : index
    %get3A_9 = arith.constant 0 : index
    %get3A_10 = vector.load %arg3[%get3A_8, %get3A_9] : memref<128x16xf32, #tpu.memory_space<vmem>>, vector<128x16xf32>
    %dot_general3A_11 = arith.constant dense<0.000000e+00> : vector<1000x16xf32>
    %dot_general3A_12 = tpu.matmul %dot_general3A_5, %get3A_10, %dot_general3A_11 {dimension_numbers = #tpu.dot_dimension_numbers<[1], [0], [0], [1], [0, 0, 1, 1], [], []>, transpose_lhs_hint = false} : vector<1000x128xf32>, vector<128x16xf32>, vector<1000x16xf32> -> vector<1000x16xf32>
    %swap3A_13 = arith.constant 0 : index
    %swap3A_14 = arith.constant 0 : index
    %swap3A_15 = vector.load %arg6[%swap3A_13, %swap3A_14] : memref<1000x16xf32, #tpu.memory_space<vmem>>, vector<1000x16xf32>
    tpu.vector_store %arg6[%swap3A_13, %swap3A_14], %dot_general3A_12 {strides = array<i32>} : memref<1000x16xf32, #tpu.memory_space<vmem>>, vector<1000x16xf32>,
    %get3A_16 = arith.constant 0 : index
    %get3A_17 = arith.constant 0 : index
    %get3A_18 = vector.load %arg4[%get3A_16, %get3A_17] : memref<128x16xf32, #tpu.memory_space<vmem>>, vector<128x16xf32>
    %dot_general3A_19 = arith.constant dense<0.000000e+00> : vector<1000x16xf32>
    %dot_general3A_20 = tpu.matmul %dot_general3A_5, %get3A_18, %dot_general3A_19 {dimension_numbers = #tpu.dot_dimension_numbers<[1], [0], [0], [1], [0, 0, 1, 1], [], []>, transpose_lhs_hint = false} : vector<1000x128xf32>, vector<128x16xf32>, vector<1000x16xf32> -> vector<1000x16xf32>
    %swap3A_21 = arith.constant 0 : index
    %swap3A_22 = arith.constant 0 : index
    %swap3A_23 = vector.load %arg7[%swap3A_21, %swap3A_22] : memref<1000x16xf32, #tpu.memory_space<vmem>>, vector<1000x16xf32>
    tpu.vector_store %arg7[%swap3A_21, %swap3A_22], %dot_general3A_20 {strides = array<i32>} : memref<1000x16xf32, #tpu.memory_space<vmem>>, vector<1000x16xf32>,
    return
  }
  func.func @transform_0(%arg0: i32) -> (i32, i32) {
    %c0_i32 = arith.constant 0 : i32
    %c0_i32_0 = arith.constant 0 : i32
    return %arg0, %c0_i32 : i32, i32
  }
  func.func @transform_1(%arg0: i32) -> (i32, i32) {
    %c0_i32 = arith.constant 0 : i32
    %c0_i32_0 = arith.constant 0 : i32
    %c0_i32_1 = arith.constant 0 : i32
    return %c0_i32, %c0_i32_0 : i32, i32
  }
  func.func @transform_2(%arg0: i32) -> (i32, i32) {
    %c0_i32 = arith.constant 0 : i32
    %c0_i32_0 = arith.constant 0 : i32
    %c0_i32_1 = arith.constant 0 : i32
    return %c0_i32, %c0_i32_0 : i32, i32
  }
  func.func @transform_3(%arg0: i32) -> (i32, i32) {
    %c0_i32 = arith.constant 0 : i32
    %c0_i32_0 = arith.constant 0 : i32
    %c0_i32_1 = arith.constant 0 : i32
    return %c0_i32, %c0_i32_0 : i32, i32
  }
  func.func @transform_4(%arg0: i32) -> (i32, i32) {
    %c0_i32 = arith.constant 0 : i32
    %c0_i32_0 = arith.constant 0 : i32
    return %arg0, %c0_i32 : i32, i32
  }
  func.func @transform_5(%arg0: i32) -> (i32, i32) {
    %c0_i32 = arith.constant 0 : i32
    %c0_i32_0 = arith.constant 0 : i32
    return %arg0, %c0_i32 : i32, i32
  }
  func.func @transform_6(%arg0: i32) -> (i32, i32) {
    %c0_i32 = arith.constant 0 : i32
    %c0_i32_0 = arith.constant 0 : i32
    return %arg0, %c0_i32 : i32, i32
  }
}

module attributes {stable_mosaic.version = 14 : i64} {
  func.func @_final_body(%arg0: i32, %arg1: memref<1000x128xf32, #tpu.memory_space<vmem>>, %arg2: memref<1000x128xf32, #tpu.memory_space<vmem>>, %arg3: memref<1000x16xf32, #tpu.memory_space<vmem>>, %arg4: memref<1000x16xf32, #tpu.memory_space<vmem>>, %arg5: memref<16x128xf32, #tpu.memory_space<vmem>>, %arg6: memref<1x128xf32, #tpu.memory_space<vmem>>, %arg7: memref<128x64xf32, #tpu.memory_space<vmem>>, %arg8: memref<1x64xf32, #tpu.memory_space<vmem>>, %arg9: memref<1000x64xf32, #tpu.memory_space<vmem>>) attributes {dimension_semantics = [#tpu.dimension_semantics<arbitrary>], iteration_bounds = array<i64: 10>, scalar_prefetch = 0 : i64, scratch_operands = 0 : i64, tpu.core_type = #tpu.core_type<tc>, window_params = [{transform_indices = @transform_0, window_bounds = array<i64: 1000, 128>}, {transform_indices = @transform_1, window_bounds = array<i64: 1000, 128>}, {transform_indices = @transform_2, window_bounds = array<i64: 1000, 16>}, {transform_indices = @transform_3, window_bounds = array<i64: 1000, 16>}, {pipeline_mode = #tpu.pipeline_mode<synchronous>, transform_indices = @transform_4, window_bounds = array<i64: 16, 128>}, {pipeline_mode = #tpu.pipeline_mode<synchronous>, transform_indices = @transform_5, window_bounds = array<i64: 1, 128>}, {pipeline_mode = #tpu.pipeline_mode<synchronous>, transform_indices = @transform_6, window_bounds = array<i64: 128, 64>}, {pipeline_mode = #tpu.pipeline_mode<synchronous>, transform_indices = @transform_7, window_bounds = array<i64: 1, 64>}, {transform_indices = @transform_8, window_bounds = array<i64: 1000, 64>}]} {
    %get3A = arith.constant 0 : index
    %get3A_0 = arith.constant 0 : index
    %get3A_1 = vector.load %arg1[%get3A, %get3A_0] : memref<1000x128xf32, #tpu.memory_space<vmem>>, vector<1000x128xf32>
    %get3A_2 = arith.constant 0 : index
    %get3A_3 = arith.constant 0 : index
    %get3A_4 = vector.load %arg2[%get3A_2, %get3A_3] : memref<1000x128xf32, #tpu.memory_space<vmem>>, vector<1000x128xf32>
    %add3A = arith.addf %get3A_1, %get3A_4 : vector<1000x128xf32>
    %get3A_5 = arith.constant 0 : index
    %get3A_6 = arith.constant 0 : index
    %get3A_7 = vector.load %arg3[%get3A_5, %get3A_6] : memref<1000x16xf32, #tpu.memory_space<vmem>>, vector<1000x16xf32>
    %get3A_8 = arith.constant 0 : index
    %get3A_9 = arith.constant 0 : index
    %get3A_10 = vector.load %arg4[%get3A_8, %get3A_9] : memref<1000x16xf32, #tpu.memory_space<vmem>>, vector<1000x16xf32>
    %add3A_11 = arith.addf %get3A_7, %get3A_10 : vector<1000x16xf32>
    %add3A_12 = arith.constant 1.000000e-16 : f32
    %add3A_13 = vector.broadcast %add3A_12 : f32 to vector<1000x16xf32>
    %add3A_14 = arith.addf %add3A_11, %add3A_13 : vector<1000x16xf32>
    %div3A = arith.constant 1.000000e+00 : f32
    %div3A_15 = vector.broadcast %div3A : f32 to vector<1000x16xf32>
    %div3A_16 = arith.divf %div3A_15, %add3A_14 : vector<1000x16xf32>
    %get3A_17 = arith.constant 0 : index
    %get3A_18 = arith.constant 0 : index
    %get3A_19 = vector.load %arg5[%get3A_17, %get3A_18] : memref<16x128xf32, #tpu.memory_space<vmem>>, vector<16x128xf32>
    %dot_general3A = arith.constant dense<0.000000e+00> : vector<1000x128xf32>
    %dot_general3A_20 = tpu.matmul %div3A_16, %get3A_19, %dot_general3A {dimension_numbers = #tpu.dot_dimension_numbers<[1], [0], [0], [1], [0, 0, 1, 1], [], []>, transpose_lhs_hint = false} : vector<1000x16xf32>, vector<16x128xf32>, vector<1000x128xf32> -> vector<1000x128xf32>
    %mul3A = arith.mulf %add3A, %dot_general3A_20 : vector<1000x128xf32>
    %get3A_21 = arith.constant 0 : index
    %get3A_22 = arith.constant 0 : index
    %get3A_23 = vector.load %arg6[%get3A_21, %get3A_22] : memref<1x128xf32, #tpu.memory_space<vmem>>, vector<1x128xf32>
    %add3A_24 = vector.broadcast %get3A_23 : vector<1x128xf32> to vector<1000x128xf32>
    %add3A_25 = arith.addf %mul3A, %add3A_24 : vector<1000x128xf32>
    %max3A = arith.constant 0.000000e+00 : f32
    %max3A_26 = vector.broadcast %max3A : f32 to vector<1000x128xf32>
    %max3A_27 = arith.maximumf %add3A_25, %max3A_26 : vector<1000x128xf32>
    %get3A_28 = arith.constant 0 : index
    %get3A_29 = arith.constant 0 : index
    %get3A_30 = vector.load %arg7[%get3A_28, %get3A_29] : memref<128x64xf32, #tpu.memory_space<vmem>>, vector<128x64xf32>
    %dot_general3A_31 = arith.constant dense<0.000000e+00> : vector<1000x64xf32>
    %dot_general3A_32 = tpu.matmul %max3A_27, %get3A_30, %dot_general3A_31 {dimension_numbers = #tpu.dot_dimension_numbers<[1], [0], [0], [1], [0, 0, 1, 1], [], []>, transpose_lhs_hint = false} : vector<1000x128xf32>, vector<128x64xf32>, vector<1000x64xf32> -> vector<1000x64xf32>
    %get3A_33 = arith.constant 0 : index
    %get3A_34 = arith.constant 0 : index
    %get3A_35 = vector.load %arg8[%get3A_33, %get3A_34] : memref<1x64xf32, #tpu.memory_space<vmem>>, vector<1x64xf32>
    %add3A_36 = vector.broadcast %get3A_35 : vector<1x64xf32> to vector<1000x64xf32>
    %add3A_37 = arith.addf %dot_general3A_32, %add3A_36 : vector<1000x64xf32>
    %swap3A = arith.constant 0 : index
    %swap3A_38 = arith.constant 0 : index
    %swap3A_39 = vector.load %arg9[%swap3A, %swap3A_38] : memref<1000x64xf32, #tpu.memory_space<vmem>>, vector<1000x64xf32>
    tpu.vector_store %arg9[%swap3A, %swap3A_38], %add3A_37 {strides = array<i32>} : memref<1000x64xf32, #tpu.memory_space<vmem>>, vector<1000x64xf32>,
    return
  }
  func.func @transform_0(%arg0: i32) -> (i32, i32) {
    %c0_i32 = arith.constant 0 : i32
    %c0_i32_0 = arith.constant 0 : i32
    return %arg0, %c0_i32 : i32, i32
  }
  func.func @transform_1(%arg0: i32) -> (i32, i32) {
    %c0_i32 = arith.constant 0 : i32
    %c0_i32_0 = arith.constant 0 : i32
    return %arg0, %c0_i32 : i32, i32
  }
  func.func @transform_2(%arg0: i32) -> (i32, i32) {
    %c0_i32 = arith.constant 0 : i32
    %c0_i32_0 = arith.constant 0 : i32
    return %arg0, %c0_i32 : i32, i32
  }
  func.func @transform_3(%arg0: i32) -> (i32, i32) {
    %c0_i32 = arith.constant 0 : i32
    %c0_i32_0 = arith.constant 0 : i32
    return %arg0, %c0_i32 : i32, i32
  }
  func.func @transform_4(%arg0: i32) -> (i32, i32) {
    %c0_i32 = arith.constant 0 : i32
    %c0_i32_0 = arith.constant 0 : i32
    %c0_i32_1 = arith.constant 0 : i32
    return %c0_i32, %c0_i32_0 : i32, i32
  }
  func.func @transform_5(%arg0: i32) -> (i32, i32) {
    %c0_i32 = arith.constant 0 : i32
    %c0_i32_0 = arith.constant 0 : i32
    %c0_i32_1 = arith.constant 0 : i32
    return %c0_i32, %c0_i32_0 : i32, i32
  }
  func.func @transform_6(%arg0: i32) -> (i32, i32) {
    %c0_i32 = arith.constant 0 : i32
    %c0_i32_0 = arith.constant 0 : i32
    %c0_i32_1 = arith.constant 0 : i32
    return %c0_i32, %c0_i32_0 : i32, i32
  }
  func.func @transform_7(%arg0: i32) -> (i32, i32) {
    %c0_i32 = arith.constant 0 : i32
    %c0_i32_0 = arith.constant 0 : i32
    %c0_i32_1 = arith.constant 0 : i32
    return %c0_i32, %c0_i32_0 : i32, i32
  }
  func.func @transform_8(%arg0: i32) -> (i32, i32) {
    %c0_i32 = arith.constant 0 : i32
    %c0_i32_0 = arith.constant 0 : i32
    return %arg0, %c0_i32 : i32, i32
  }
}

</mosaic_0001>

<sc_bundles>
// kernel: kernel.5.cloned.1.call-start
scs
__scs_entry_jumppad:
0x0: {  	(pc) =	sbr.rel $0x88, $3  }
0x1: {  	(tag) =	ssettag $0x0;
	lr =	simm.s32 $0x1  }
0x2: {  	[smem:$0x3F99] =	sst lr;
	_ =	strace $0xD0000000  }
0x3: {  	_ = 	snop  }
0x4: {  	_ = 	snop  }
0x5: {  	_ = 	snop  }
0x6: {  	_ = 	snop  }
0x7: {  	_ = 	snop  }
__scs_overlays_trampoline_lowered:
0x8: {  	[smem:$0x3FA8] =	sst s0  }
0x9: {  	[smem:$0x3FA9] =	sst s1  }
0xa: {  	[smem:$0x3FAA] =	sst s2  }
0xb: {  	[smem:$0x3FAB] =	sst s3  }
0xc: {  	[smem:$0x3FAC] =	sst s4  }
0xd: {  	[smem:$0x3FAD] =	sst s5  }
0xe: {  	[smem:$0x3FAE] =	sst s6  }
0xf: {  	[smem:$0x3FAF] =	sst s7  }
0x10: {  	[smem:$0x3FB0] =	sst s8  }
0x11: {  	[smem:$0x3FB1] =	sst s9;
	s0 =	simm.s32 @!p0 $0x0  }
0x12: {  	s1 =	sld [smem:$0x3F97];
	s0 =	simm.s32 @p0 $0x1  }
0x13: {  	[smem:$0x3FB2] =	sst s0;
	s0 =	simm.s32 @!p1 $0x0  }
0x14: {  	s2 =	sld [smem:$0x3F96];
	s0 =	simm.s32 @p1 $0x1  }
0x15: {  	[smem:$0x3FB3] =	sst s0;
	s0 =	simm.s32 @!p2 $0x0  }
0x16: {  	s3 =	sld [smem:$0x3FDB];
	s0 =	simm.s32 @p2 $0x1  }
0x17: {  	s4 =	simm.s32 $0x1BF5;
	[smem:$0x3FB5] =	sst s0  }
0x18: {  	s0 =	sld [smem:$0x3F98];
	_ =	swait.ge [sflag:s4], $0x0  }
0x19: {  	s7 =	sld [smem:$0x3F99]  }
0x1a: {  	s8 =	sadd.s32 $0xFFFFE003, lr  }
0x1b: {  	s9 =	sadd.s32 $0xFFFFFEF7, lr;
	s5 =	simm.s32 $0xFFFFFFFF;
	p2 =	slt.u32 s8, $0xFFFFF086  }
0x1c: {  	p1 =	slt.u32 s9, $0xF7A;
	s5 =	simm.s32 @!p2 $0x0  }
0x1d: {  	s5 =	simm.s32 @p1 $0x1;
	p0 =	seq.s32 s7, s2  }
0x1e: {  	s7 =	smul.u32 @!p0 $0xF7A, s2;
	p2 =	seq.s32 @!p0 s5, $0x0  }
0x1f: {  	s9 =	smul.u32 $0xF7A, s1;
	s8 =	simm.s32 @!p0 $0x1BF5;
	p2 =	por !p2, p0  }
0x20: {  	[sflag:s8] =	ssyncset.s32 @!p0 $0xFFFFF086;
	s6 =	sadd.s32 @!p0 s3, s7;
	s7 =	simm.s32 @!p0 $0x108  }
0x21: {  	s3 =	sadd.s32 s3, s9;
	s6 =	sadd.s32 @!p0 $0x88, s6;
	s7 =	simm.s32 @p2 $0x1082  }
0x22: {  	[simem:s7], [sflag:s8] =	dma.local @!p0 [hbm:s6], $0xF7A  }
0x23: {  	s9 =	sor.u32 $0xD0000000, s2;
	s6 =	simm.s32 $0x108;
	_ =	swait.ge @!p0 [sflag:s8], $0x0  }
0x24: {  	s3 =	sadd.s32 $0x88, s3;
	s6 =	simm.s32 @!p1 $0x1082;
	[sflag:s4] =	ssyncset.s32 $0xFFFFF086  }
0x25: {  	[simem:s6], [sflag:s4] =	dma.local [hbm:s3], $0xF7A  }
0x26: {  	[smem:$0x3F99] =	sst s1;
	(tag) =	ssettag s2;
	_ =	strace s9  }
0x27: {  	s1 =	sld [smem:$0x3FA9]  }
0x28: {  	s2 =	sld [smem:$0x3FAA]  }
0x29: {  	s4 =	sld [smem:$0x3FAC]  }
0x2a: {  	p0 =	seq.s32 s5, $0x0;
	s5 =	sld [smem:$0x3FAD]  }
0x2b: {  	s6 =	sld [smem:$0x3FAE]  }
0x2c: {  	s7 =	sld [smem:$0x3FAF]  }
0x2d: {  	s3 =	simm.s32 $0x108;
	s8 =	sld [smem:$0x3FB0]  }
0x2e: {  	s3 =	simm.s32 @!p0 $0x1082;
	s9 =	sld [smem:$0x3FB1]  }
0x2f: {  	lr =	sadd.s32 s0, s3;
	s0 =	sld [smem:$0x3FA8]  }
0x30: {  	s3 =	sld [smem:$0x3FAB]  }
0x31: {  	[smem:$0x3FB4] =	sst s10  }
0x32: {  	s10 =	sld [smem:$0x3FB2];
	_ =	sdelay $0x3  }
0x33: {  	p0 =	seq.s32 s10, $0x1;
	s10 =	sld [smem:$0x3FB4];
	_ =	sdelay $0x3  }
0x34: {  	[smem:$0x3FB4] =	sst s10  }
0x35: {  	s10 =	sld [smem:$0x3FB3];
	_ =	sdelay $0x3  }
0x36: {  	p1 =	seq.s32 s10, $0x1;
	s10 =	sld [smem:$0x3FB4];
	_ =	sdelay $0x3  }
0x37: {  	[smem:$0x3FB4] =	sst s10  }
0x38: {  	s10 =	sld [smem:$0x3FB5]  }
0x39: {  	_ = 	snop;
	(pc) =	sbr.ind lr, $3  }
0x3a: {  	_ = 	snop  }
0x3b: {  	_ = 	snop  }
0x3c: {  	p2 =	seq.s32 s10, $0x1;
	s10 =	sld [smem:$0x3FB4]  }
0x3d: {  	_ =	shalt  }
0x3e: {  	_ =	shalt  }
0x3f: {  	_ =	shalt  }
0x40: {  	_ =	shalt  }
0x41: {  	_ =	shalt  }
0x42: {  	_ =	shalt  }
0x43: {  	_ =	shalt  }
0x44: {  	_ =	shalt  }
0x45: {  	_ =	shalt  }
0x46: {  	_ =	shalt  }
0x47: {  	_ =	shalt  }
0x48: {  	_ =	shalt  }
0x49: {  	_ =	shalt  }
0x4a: {  	_ =	shalt  }
0x4b: {  	_ =	shalt  }
0x4c: {  	_ =	shalt  }
0x4d: {  	_ =	shalt  }
0x4e: {  	_ =	shalt  }
0x4f: {  	_ =	shalt  }
0x50: {  	_ =	shalt  }
0x51: {  	_ =	shalt  }
0x52: {  	_ =	shalt  }
0x53: {  	_ =	shalt  }
0x54: {  	_ =	shalt  }
0x55: {  	_ =	shalt  }
0x56: {  	_ =	shalt  }
0x57: {  	_ =	shalt  }
0x58: {  	_ =	shalt  }
0x59: {  	_ =	shalt  }
0x5a: {  	_ =	shalt  }
0x5b: {  	_ =	shalt  }
0x5c: {  	_ =	shalt  }
0x5d: {  	_ =	shalt  }
0x5e: {  	_ =	shalt  }
0x5f: {  	_ =	shalt  }
0x60: {  	_ =	shalt  }
0x61: {  	_ =	shalt  }
0x62: {  	_ =	shalt  }
0x63: {  	_ =	shalt  }
0x64: {  	_ =	shalt  }
0x65: {  	_ =	shalt  }
0x66: {  	_ =	shalt  }
0x67: {  	_ =	shalt  }
0x68: {  	_ =	shalt  }
0x69: {  	_ =	shalt  }
0x6a: {  	_ =	shalt  }
0x6b: {  	_ =	shalt  }
0x6c: {  	_ =	shalt  }
0x6d: {  	_ =	shalt  }
0x6e: {  	_ =	shalt  }
0x6f: {  	_ =	shalt  }
0x70: {  	_ =	shalt  }
0x71: {  	_ =	shalt  }
0x72: {  	_ =	shalt  }
0x73: {  	_ =	shalt  }
0x74: {  	_ =	shalt  }
0x75: {  	_ =	shalt  }
0x76: {  	_ =	shalt  }
0x77: {  	_ =	shalt  }
0x78: {  	_ =	shalt  }
0x79: {  	_ =	shalt  }
0x7a: {  	_ =	shalt  }
0x7b: {  	_ =	shalt  }
0x7c: {  	_ =	shalt  }
0x7d: {  	_ =	shalt  }
0x7e: {  	_ =	shalt  }
0x7f: {  	_ =	shalt  }
0x80: {  	_ =	shalt  }
0x81: {  	_ =	shalt  }
0x82: {  	_ =	shalt  }
0x83: {  	_ =	shalt  }
0x84: {  	_ =	shalt  }
0x85: {  	_ =	shalt  }
0x86: {  	_ =	shalt  }
0x87: {  	_ =	shalt  }
.Lfunc_end0:
.L_simem_size_0:
called_computation_lowered:
.L_overlay_start_0:
0x88: {  	s2 =	sld [smem:$0x3FD9]  }
0x89: {  	s3 =	sld [smem:$0x3FFE];
	_ =	sdelay $0x1  }
0x8a: {  	s1 =	srdreg.scid  }
0x8b: {  	s0 =	sand.u32 $0x1, s1  }
0x8c: {  	s17 =	sshll.u32 s0, $0xA;
	s2 =	sadd.s32 s3, s2  }
0x8d: {  	s2 =	sadd.s32 s2, s17  }
0x8e: {  	[smem:$0x3FC0] =	sst s2  }
0x8f: {  	_ = 	snop  }
0x90: {  	s2 =	sld [smem:$0x3FD0];
	(tm) =	ssettm $0x1  }
0x91: {  	s18 =	sld [smem:$0x3FFB];
	_ =	sdelay $0x3  }
0x92: {  	_ =	strace s18  }
0x93: {  	s3 =	sld [smem:$0x3FFC];
	_ =	sdelay $0x3  }
0x94: {  	_ =	strace s3  }
0x95: {  	s3 =	sld [smem:$0x3FFD];
	_ =	sdelay $0x3  }
0x96: {  	_ =	strace s3  }
0x97: {  	_ =	strace $0x8FFFFFFF  }
0x98: {  	s19 =	sld [smem:$0x3FDB];
	_ =	sdelay $0x1  }
0x99: {  	s4 =	simm.s32 $_scs_section_size  }
0x9a: {  	s5 =	simm.s32 $_size__tile_overlayer_lowered;
	s6 =	simm.s32 $_tile_overlayer_lowered  }
0x9b: {  	s22 =	simm.s32 $0x1BFF;
	s21 =	sshll.u32 s6, $0x1;
	s3 =	sadd.s32 s4, s19  }
0x9c: {  	s7 =	simm.s32 $0x0;
	s20 =	sshll.u32 s5, $0x1;
	s5 =	sadd.s32 s21, s3  }
0x9d: {  	[timem:s7], [sflag:s22] =	dma.local [hbm:s5], s20  }
0x9e: {  	_ =	swait.ge [sflag:s22], s20  }
0x9f: {  	s4 =	ssub.s32 $0x0, s20;
	[sflag:s22] =	ssyncset.done $0x0  }
0xa0: {  	[sflag:s22] =	ssyncadd.s32 s4;
	_ =	sdelay $0x1  }
0xa1: {  	s23 =	simm.s32 $0x1B8B  }
0xa2: {  	_ =	swait.ge [sflag:s23], $0x1  }
0xa3: {  	[sflag:s23] =	ssyncset.done $0x0  }
0xa4: {  	s25 =	simm.s32 $0x1B8E;
	s24 =	sld [smem:$0x3FFE];
	[sflag:s23] =	ssyncadd.s32 $0xFFFFFFFF  }
0xa5: {  	s26 =	simm.s32 $execute0_lowered;
	[smem:$0x3FD2] =	sst s25  }
0xa6: {  	s5 =	sshll.u32 s26, $0x1;
	_ =	strace $0x80000046;
	[dreg:$0x1] =	wrdreg $0xFFFFFFFF  }
0xa7: {  	s28 =	simm.s32 $_size_execute0_lowered;
	s3 =	sadd.s32 s3, s5;
	[dreg:$0x0] =	wrdreg $0x0  }
0xa8: {  	s5 =	sshll.u32 s28, $0x1;
	[dreg:$0x2] =	wrdreg s3  }
0xa9: {  	[dreg:$0x3] =	wrdreg s5  }
0xaa: {  	[dreg:$0x4] =	wrdreg $0xC0  }
0xab: {  	_ =	task [dreg:s7], $0x5FFFF  }
0xac: {  	[dreg:$0x1] =	wrdreg $0xFFFFFFFF  }
0xad: {  	[dreg:$0x0] =	wrdreg $0x60  }
0xae: {  	[dreg:$0x2] =	wrdreg s24  }
0xaf: {  	[dreg:$0x3] =	wrdreg s2  }
0xb0: {  	[dreg:$0x4] =	wrdreg $0x6F400  }
0xb1: {  	[dreg:$0x5] =	wrdreg $0x1AF400  }
0xb2: {  	[dreg:$0x6] =	wrdreg $0x9  }
0xb3: {  	_ =	task.clear_ibuf [dreg:s7], $0x7FFFF;
	_ =	strace $0x90000046  }
0xb4: {  	s29 =	simm.s32 $0x9;
	_ =	strace $0x80000048  }
0xb5: {  	_ =	swait.ge [sflag:s29], $0x1  }
0xb6: {  	[sflag:s29] =	ssyncadd.s32 $0xFFFFFFFF  }
0xb7: {  	_ =	strace $0x90000048  }
0xb8: {  	_ =	sfence  }
0xb9: {  	s30 =	sld [smem:$0x0];
	_ =	sdelay $0x2  }
0xba: {  	s31 =	sshll.u32 s1, $0xD;
	s1 =	sshrl.u32 s1, $0x2  }
0xbb: {  	s3 =	sand.u32 $0x4000, s31;
	s1 =	sadd.s32 s1, s30  }
0xbc: {  	s0 =	sor.u32 s3, s0;
	s1 =	sshll.u32 s1, $0x11  }
0xbd: {  	s0 =	sor.u32 s1, s0  }
0xbe: {  	s0 =	sadd.s32 $0x8F2B, s0  }
0xbf: {  	[sflag:s0] =	ssyncadd.remote.s32 $0x1  }
0xc0: {  	_ =	sfence.sel $0xFFFF  }
0xc1: {  	[dreg:$0x0] =	wrdreg $0xFFFFFFFF;
	(pc) =	sbr.abs _section_cstart, $3  }
0xc2: {  	[dreg:$0x1] =	wrdreg $0xFFFFFFFF  }
0xc3: {  	_ =	task.clear_ibuf [dreg:s7], $0x2FFFF;
	_ =	strace $0x9FFFFFFF  }
0xc4: {  	(tm) =	ssettm $0x7FFFFFFF  }
0xc5: {  	_ =	shalt  }
tec
execute0_lowered:
.L_overlay_start_1:
0x0: {  	(tag) =	ssettag $0x1  }
0x1: {  	s0 =	rddreg [dreg:$0x0]  }
0x2: {  	s1 =	rddreg [dreg:$0x1]  }
0x3: {  	s2 =	rddreg [dreg:$0x2]  }
0x4: {  	s3 =	rddreg [dreg:$0x3];
	s16 =	stileid.u32  }
0x5: {  	s5 =	srdreg.scid;
	s4 =	simm.s32 $0x0;
	s12 =	smul.u32 $0x14000, s16  }
0x6: {  	s11 =	sand.u32 $0x1, s5;
	[smem:$0x7FF] =	sst s4;
	s14 =	smul.u32 $0x280, s16  }
0x7: {  	s5 =	sadd.s32 $0x1800, s0;
	s6 =	sadd.s32 $0x28A00, s0;
	s15 =	smul.u32 $0x2800, s16  }
0x8: {  	s7 =	sadd.s32 $0x2DA00, s0;
	s8 =	sadd.s32 $0x3C800, s0;
	s9 =	smul.u32 $0x140000, s11  }
0x9: {  	_ =	strace $0x80000047;
	s13 =	ssub.s32 $0x2, s11;
	s30 =	sshll.u32 s11, $0x4  }
0xa: {  	s11 =	smul.u32 $0x28000, s11;
	s26 =	sshrl.u32 s13, $0x1;
	s28 =	sadd.s32 s12, s2  }
0xb: {  	s31 =	sor.u32 $0x50, s14;
	s29 =	sadd.s32 s15, s3;
	s17 =	sadd.s32 $0xA0, s14  }
0xc: {  	s21 =	sadd.s32 $0xF0, s14;
	s25 =	sadd.s32 $0x140, s14;
	s10 =	sadd.s32 s12, s9  }
0xd: {  	s9 =	sadd.s32 $0x32A00, s0;
	s13 =	ssub.s32 s13, s26;
	s18 =	sshll.u32 s31, $0x7  }
0xe: {  	s12 =	sshll.u32 s31, $0x4;
	s19 =	sshll.u32 s17, $0x7;
	s22 =	sshll.u32 s17, $0x4  }
0xf: {  	s23 =	sshll.u32 s21, $0x7;
	s11 =	sadd.s32 s15, s11;
	s26 =	sshll.u32 s25, $0x7  }
0x10: {  	s31 =	sshll.u32 s25, $0x4;
	s15 =	sadd.s32 $0x190, s14;
	[dreg:$0x5] =	wrdreg s28  }
0x11: {  	[dreg:$0x6] =	wrdreg s29;
	s10 =	sshrl.u32 s10, $0x3;
	s12 =	sadd.s32 s12, s3  }
0x12: {  	s20 =	sadd.s32 s19, s2;
	s24 =	sadd.s32 s23, s2;
	s11 =	sshrl.u32 s11, $0x3  }
0x13: {  	s17 =	sshll.u32 s15, $0x7;
	s0 =	sadd.s32 s10, s0;
	[dreg:$0x8] =	wrdreg s12  }
0x14: {  	s10 =	sor.u32 s16, s30;
	s16 =	sadd.s32 s18, s2;
	[dreg:$0x9] =	wrdreg s20  }
0x15: {  	[dreg:$0xb] =	wrdreg s24;
	s12 =	sshll.u32 s21, $0x4;
	s30 =	sadd.s32 s26, s2  }
0x16: {  	s1 =	sadd.s32 s1, s11;
	s18 =	sadd.s32 $0x1E0, s14;
	[dreg:$0x7] =	wrdreg s16  }
0x17: {  	s11 =	sadd.s32 s17, s2;
	s21 =	sadd.s32 $0x230, s14;
	[dreg:$0xd] =	wrdreg s30  }
0x18: {  	s14 =	simm.s32 $0x3;
	s17 =	simm.s32 $0xA0;
	[dreg:$0xe] =	wrdreg s1  }
0x19: {  	s16 =	sadd.s32 s22, s3;
	s12 =	sadd.s32 s12, s3;
	[dreg:$0x10] =	wrdreg s11  }
0x1a: {  	s1 =	sshll.u32 s15, $0x4;
	s19 =	sshll.u32 s18, $0x7;
	s22 =	sshll.u32 s18, $0x4  }
0x1b: {  	s23 =	sshll.u32 s21, $0x7;
	s24 =	smul.u32 $0xA, s10;
	[dreg:$0xa] =	wrdreg s16  }
0x1c: {  	s0 =	sadd.s32 $0x46600, s0;
	s15 =	simm.s32 $0xAA0;
	[dreg:$0xc] =	wrdreg s12  }
0x1d: {  	s18 =	simm.s32 $0x5A0;
	s16 =	sadd.s32 s31, s3;
	[dreg:$0x18] =	wrdreg s0  }
0x1e: {  	s1 =	sadd.s32 s1, s3;
	s20 =	sadd.s32 s19, s2;
	[dreg:$0xf] =	wrdreg s16  }
0x1f: {  	s11 =	sadd.s32 s22, s3;
	s25 =	sadd.s32 s23, s2;
	[dreg:$0x11] =	wrdreg s1  }
0x20: {  	s31 =	smax.u32 s13, $0x1;
	s13 =	simm.s32 $0xFA0;
	[dreg:$0x12] =	wrdreg s20  }
0x21: {  	s19 =	simm.s32 $0x37A0;
	s22 =	simm.s32 $0x3D40;
	[dreg:$0x13] =	wrdreg s11  }
0x22: {  	s23 =	simm.s32 $0x4740;
	[dreg:$0x14] =	wrdreg s25;
	s1 =	sshll.u32 s21, $0x4  }
0x23: {  	s26 =	sadd.s32 s8, s24;
	s30 =	sadd.s32 s9, s24;
	[dreg:$0x19] =	wrdreg s31  }
0x24: {  	s16 =	simm.s32 $0x50;
	s20 =	simm.s32 $0x37F0;
	s21 =	simm.s32 $0x3840  }
0x25: {  	s24 =	simm.s32 $0x1;
	s25 =	simm.s32 $0x2;
	[dreg:$0x16] =	wrdreg s26  }
0x26: {  	s11 =	simm.s32 $0x0;
	s1 =	sadd.s32 s1, s3;
	[dreg:$0x17] =	wrdreg s30  }
0x27: {  	v0 =	vimm.f32 $0.0e+00;
	s26 =	simm.s32 $0x4240;
	[dreg:$0x15] =	wrdreg s1;
	s1 =	sor.u32 $0x40, s10  }
.LBB2_1:
0x28: {  	s0 =	simm.s32 $0xFE0  }
0x29: {  	[tilespmem:s0+$0xFFFFFFD0] =	vst v0  }
0x2a: {  	[tilespmem:s0+$0xFFFFFFE0] =	vst v0  }
0x2b: {  	[tilespmem:s0+$0xFFFFFFF0] =	vst v0  }
0x2c: {  	[tilespmem:s0+$0x0] =	vst v0  }
0x2d: {  	[tilespmem:s0+$0x10] =	vst v0  }
0x2e: {  	[tilespmem:s0+$0x20] =	vst v0  }
0x2f: {  	[tilespmem:s0+$0x30] =	vst v0  }
0x30: {  	[dreg:$0x1a] =	wrdreg s11;
	s12 =	simm.s32 $0x0;
	s11 =	simm.s32 $0x40;
	[tilespmem:s0+$0xFFFFFFC0] =	vst v0  }
.LBB2_2:
0x31: {  	p0 =	sne.s32 s11, $0x13C0;
	[tilespmem:s12+$0xAA0] =	vst v0;
	s0 =	sadd.s32 $0x80, s0  }
0x32: {  	[tilespmem:s0+$0xFFFFFFD0] =	vst v0  }
0x33: {  	[tilespmem:s0+$0xFFFFFFE0] =	vst v0  }
0x34: {  	[tilespmem:s0+$0xFFFFFFF0] =	vst v0  }
.Ltmp0:
0x35: {  	[tilespmem:s0+$0x0] =	vst v0;
	(pc) =	sbr.rel @p0 .LBB2_2-.Ltmp0, $4  }
0x36: {  	[tilespmem:s0+$0x10] =	vst v0  }
0x37: {  	[tilespmem:s0+$0x20] =	vst v0  }
0x38: {  	[tilespmem:s0+$0x30] =	vst v0  }
0x39: {  	s12 =	sshra.s32 s11, $0x2;
	s11 =	sadd.s32 $0x40, s11;
	[tilespmem:s0+$0xFFFFFFC0] =	vst v0  }
0x3a: {  	[tilespmem:s12+$0xAA0] =	vst v0  }
0x3b: {  	[spmem:s28] =	stream.linear.scatter [tilespmem:s13], [sflag:$0x3], $0x2800, $0x38;
	[tilespmem:$0x1D740] =	vst v63  }
0x3c: {  	_ =	swait.ge [sflag:s14], $0x2800  }
0x3d: {  	[sflag:s14] =	ssyncset.done $0x0  }
0x3e: {  	[sflag:s14] =	ssyncadd.s32 $0xFFFFD800  }
0x3f: {  	[spmem:s29] =	stream.linear.scatter [tilespmem:s15], [sflag:$0x3], $0x500, $0x38;
	[tilespmem:$0x1D740] =	vst v63  }
0x40: {  	_ =	swait.ge [sflag:s14], $0x500  }
0x41: {  	[sflag:s14] =	ssyncset.done $0x0  }
0x42: {  	s0 =	rddreg [dreg:$0x7];
	[sflag:s14] =	ssyncadd.s32 $0xFFFFFB00  }
0x43: {  	[spmem:s0] =	stream.linear.scatter [tilespmem:s13], [sflag:$0x3], $0x2800, $0x38;
	[tilespmem:$0x1D740] =	vst v63  }
0x44: {  	_ =	swait.ge [sflag:s14], $0x2800  }
0x45: {  	[sflag:s14] =	ssyncset.done $0x0  }
0x46: {  	s11 =	rddreg [dreg:$0x8];
	[sflag:s14] =	ssyncadd.s32 $0xFFFFD800  }
0x47: {  	[spmem:s11] =	stream.linear.scatter [tilespmem:s15], [sflag:$0x3], $0x500, $0x38;
	[tilespmem:$0x1D740] =	vst v63  }
0x48: {  	_ =	swait.ge [sflag:s14], $0x500  }
0x49: {  	[sflag:s14] =	ssyncset.done $0x0  }
0x4a: {  	s12 =	rddreg [dreg:$0x9];
	[sflag:s14] =	ssyncadd.s32 $0xFFFFFB00  }
0x4b: {  	[spmem:s12] =	stream.linear.scatter [tilespmem:s13], [sflag:$0x3], $0x2800, $0x38;
	[tilespmem:$0x1D740] =	vst v63  }
0x4c: {  	_ =	swait.ge [sflag:s14], $0x2800  }
0x4d: {  	[sflag:s14] =	ssyncset.done $0x0  }
0x4e: {  	s28 =	rddreg [dreg:$0xa];
	[sflag:s14] =	ssyncadd.s32 $0xFFFFD800  }
0x4f: {  	[spmem:s28] =	stream.linear.scatter [tilespmem:s15], [sflag:$0x3], $0x500, $0x38;
	[tilespmem:$0x1D740] =	vst v63  }
0x50: {  	_ =	swait.ge [sflag:s14], $0x500  }
0x51: {  	[sflag:s14] =	ssyncset.done $0x0  }
0x52: {  	s30 =	rddreg [dreg:$0xb];
	[sflag:s14] =	ssyncadd.s32 $0xFFFFFB00  }
0x53: {  	[spmem:s30] =	stream.linear.scatter [tilespmem:s13], [sflag:$0x3], $0x2800, $0x38;
	[tilespmem:$0x1D740] =	vst v63  }
0x54: {  	_ =	swait.ge [sflag:s14], $0x2800  }
0x55: {  	[sflag:s14] =	ssyncset.done $0x0  }
0x56: {  	s31 =	rddreg [dreg:$0xc];
	[sflag:s14] =	ssyncadd.s32 $0xFFFFD800  }
0x57: {  	[spmem:s31] =	stream.linear.scatter [tilespmem:s15], [sflag:$0x3], $0x500, $0x38;
	[tilespmem:$0x1D740] =	vst v63  }
0x58: {  	_ =	swait.ge [sflag:s14], $0x500  }
0x59: {  	[sflag:s14] =	ssyncset.done $0x0  }
0x5a: {  	s11 =	rddreg [dreg:$0xd];
	[sflag:s14] =	ssyncadd.s32 $0xFFFFFB00  }
0x5b: {  	[spmem:s11] =	stream.linear.scatter [tilespmem:s13], [sflag:$0x3], $0x2800, $0x38;
	[tilespmem:$0x1D740] =	vst v63  }
0x5c: {  	_ =	swait.ge [sflag:s14], $0x2800  }
0x5d: {  	[sflag:s14] =	ssyncset.done $0x0  }
0x5e: {  	s12 =	rddreg [dreg:$0xf];
	[sflag:s14] =	ssyncadd.s32 $0xFFFFD800  }
0x5f: {  	[spmem:s12] =	stream.linear.scatter [tilespmem:s15], [sflag:$0x3], $0x500, $0x38;
	[tilespmem:$0x1D740] =	vst v63  }
0x60: {  	_ =	swait.ge [sflag:s14], $0x500  }
0x61: {  	[sflag:s14] =	ssyncset.done $0x0  }
0x62: {  	s28 =	rddreg [dreg:$0x10];
	[sflag:s14] =	ssyncadd.s32 $0xFFFFFB00  }
0x63: {  	[spmem:s28] =	stream.linear.scatter [tilespmem:s13], [sflag:$0x3], $0x2800, $0x38;
	[tilespmem:$0x1D740] =	vst v63  }
0x64: {  	_ =	swait.ge [sflag:s14], $0x2800  }
0x65: {  	[sflag:s14] =	ssyncset.done $0x0  }
0x66: {  	s30 =	rddreg [dreg:$0x11];
	[sflag:s14] =	ssyncadd.s32 $0xFFFFD800  }
0x67: {  	[spmem:s30] =	stream.linear.scatter [tilespmem:s15], [sflag:$0x3], $0x500, $0x38;
	[tilespmem:$0x1D740] =	vst v63  }
0x68: {  	_ =	swait.ge [sflag:s14], $0x500  }
0x69: {  	[sflag:s14] =	ssyncset.done $0x0  }
0x6a: {  	s31 =	rddreg [dreg:$0x12];
	[sflag:s14] =	ssyncadd.s32 $0xFFFFFB00  }
0x6b: {  	[spmem:s31] =	stream.linear.scatter [tilespmem:s13], [sflag:$0x3], $0x2800, $0x38;
	[tilespmem:$0x1D740] =	vst v63  }
0x6c: {  	_ =	swait.ge [sflag:s14], $0x2800  }
0x6d: {  	[sflag:s14] =	ssyncset.done $0x0  }
0x6e: {  	s11 =	rddreg [dreg:$0x13];
	[sflag:s14] =	ssyncadd.s32 $0xFFFFD800  }
0x6f: {  	[spmem:s11] =	stream.linear.scatter [tilespmem:s15], [sflag:$0x3], $0x500, $0x38;
	[tilespmem:$0x1D740] =	vst v63  }
0x70: {  	_ =	swait.ge [sflag:s14], $0x500  }
0x71: {  	[sflag:s14] =	ssyncset.done $0x0  }
0x72: {  	s12 =	rddreg [dreg:$0x14];
	[sflag:s14] =	ssyncadd.s32 $0xFFFFFB00  }
0x73: {  	[spmem:s12] =	stream.linear.scatter [tilespmem:s13], [sflag:$0x3], $0x2800, $0x38;
	[tilespmem:$0x1D740] =	vst v63  }
0x74: {  	_ =	swait.ge [sflag:s14], $0x2800  }
0x75: {  	[sflag:s14] =	ssyncset.done $0x0  }
0x76: {  	s28 =	rddreg [dreg:$0x15];
	[sflag:s14] =	ssyncadd.s32 $0xFFFFD800  }
0x77: {  	[spmem:s28] =	stream.linear.scatter [tilespmem:s15], [sflag:$0x3], $0x500, $0x38;
	[tilespmem:$0x1D740] =	vst v63  }
0x78: {  	_ =	swait.ge [sflag:s14], $0x500  }
0x79: {  	[sflag:s14] =	ssyncset.done $0x0  }
0x7a: {  	[sflag:s14] =	ssyncadd.s32 $0xFFFFFB00  }
0x7b: {  	[bflag:$0x0] =	sbarrier.arrive $0xFFFF  }
0x7c: {  	s29 =	simm.s32 $0x0;
	s30 =	rddreg [dreg:$0x16]  }
0x7d: {  	[tilespmem:s29], [sflag:$0x3] =	stream.linear.gather [hbm4b:s30+s29], $0x50, $0x38;
	[tilespmem:$0x1D740] =	vst v63  }
0x7e: {  	_ =	swait.ge [sflag:s14], $0x50  }
0x7f: {  	[sflag:s14] =	ssyncset.done $0x0  }
0x80: {  	s31 =	rddreg [dreg:$0x17];
	[sflag:s14] =	ssyncadd.s32 $0xFFFFFFB0  }
0x81: {  	[tilespmem:s16], [sflag:$0x3] =	stream.linear.gather [hbm4b:s31+s29], $0x50, $0x38;
	[tilespmem:$0x1D740] =	vst v63  }
0x82: {  	_ =	swait.ge [sflag:s14], $0x50  }
0x83: {  	[sflag:s14] =	ssyncset.done $0x0  }
0x84: {  	[sflag:s14] =	ssyncadd.s32 $0xFFFFFFB0  }
0x85: {  	[tilespmem:s17], [sflag:$0x1] =	stream.indirect.gather [hbm4b:s6+s16], $0x10, s29, s16, $0xb8;
	[tilespmem:$0x1D740] =	vst v63  }
0x86: {  	_ = 	snop  }
0x87: {  	[tilespmem:s18], [sflag:$0x1] =	stream.indirect.gather [hbm4b:s7+s16], $0x10, s16, s16, $0xb8;
	[tilespmem:$0x1D740] =	vst v63  }
0x88: {  	_ = 	snop  }
0x89: {  	[tilespmem:s13], [sflag:$0x1] =	stream.indirect.gather [hbm4b:s5+s16], $0x80, s29, s16, $0xb8;
	[tilespmem:$0x1D740] =	vst v63  }
.LBB2_4:
0x8a: {  	s30 =	sshll.u32 s29, $0x6  }
0x8b: {  	s0 =	sor.u32 s30, s10  }
0x8c: {  	s0 =	smul.u32 $0xA, s0;
	_ =	sdelay $0x1  }
0x8d: {  	s0 =	sadd.s32 $0x140, s0  }
0x8e: {  	s11 =	sadd.s32 s8, s0  }
0x8f: {  	[tilespmem:s19], [sflag:$0x3] =	stream.linear.gather [hbm4b:s11+s4], $0x50, $0x38;
	[tilespmem:$0x1D740] =	vst v63  }
0x90: {  	_ =	swait.ge [sflag:s14], $0x50  }
0x91: {  	[sflag:s14] =	ssyncset.done $0x0  }
0x92: {  	s0 =	sadd.s32 s9, s0;
	[sflag:s14] =	ssyncadd.s32 $0xFFFFFFB0  }
0x93: {  	[tilespmem:s20], [sflag:$0x3] =	stream.linear.gather [hbm4b:s0+s4], $0x50, $0x38;
	[tilespmem:$0x1D740] =	vst v63  }
0x94: {  	_ =	swait.ge [sflag:s14], $0x50  }
0x95: {  	[sflag:s14] =	ssyncset.done $0x0  }
0x96: {  	[sflag:s14] =	ssyncadd.s32 $0xFFFFFFB0  }
0x97: {  	[tilespmem:s21], [sflag:$0x2] =	stream.indirect.gather [hbm4b:s6+s16], $0x10, s19, s16, $0xb8;
	[tilespmem:$0x1D740] =	vst v63  }
0x98: {  	_ = 	snop  }
0x99: {  	[tilespmem:s22], [sflag:$0x2] =	stream.indirect.gather [hbm4b:s7+s16], $0x10, s20, s16, $0xb8;
	[tilespmem:$0x1D740] =	vst v63  }
0x9a: {  	_ = 	snop  }
0x9b: {  	[tilespmem:s23], [sflag:$0x2] =	stream.indirect.gather [hbm4b:s5+s16], $0x80, s19, s16, $0xb8;
	[tilespmem:$0x1D740] =	vst v63  }
0x9c: {  	_ =	swait.ge [sflag:s24], $0x500  }
0x9d: {  	[sflag:s24] =	ssyncset.done $0x0  }
0x9e: {  	[sflag:s24] =	ssyncadd.s32 $0xFFFFFB00  }
0x9f: {  	_ =	swait.ge [sflag:s24], $0x500  }
0xa0: {  	[sflag:s24] =	ssyncset.done $0x0  }
0xa1: {  	[sflag:s24] =	ssyncadd.s32 $0xFFFFFB00  }
0xa2: {  	_ =	swait.ge [sflag:s24], $0x2800  }
0xa3: {  	[sflag:s24] =	ssyncset.done $0x0  }
0xa4: {  	s12 =	simm.s32 $0xE0;
	[sflag:s24] =	ssyncadd.s32 $0xFFFFD800  }
0xa5: {  	s31 =	simm.s32 $0x5E0;
	v1 =	vld [tilespmem:s12+$0xFFFFFFC0]  }
0xa6: {  	v2 =	vld [tilespmem:s31+$0xFFFFFFC0];
	_ =	sdelay $0x4  }
0xa7: {  	v1 =	vadd.f32 v2, v1;
	_ =	sdelay $0x1  }
0xa8: {  	v2 =	vmul.f32 $2.000000030e-01, v1;
	_ =	sdelay $0x1  }
0xa9: {  	v1 =	vmax.f32 v1, v2  }
0xaa: {  	v1 =	vmul.f32 $1.442695020e+00, v1;
	_ =	sdelay $0x1  }
0xab: {  	(erf) = vpow2.f32 v1;
	_ =	sdelay $0x8  }
0xac: {  	s0 =	simm.s32 $0xAE0;
	v1 =	vpop (erf)  }
0xad: {  	[tilespmem:s0+$0xFFFFFFC0] =	vst v1  }
0xae: {  	v1 =	vld [tilespmem:s12+$0xFFFFFFD0]  }
0xaf: {  	v2 =	vld [tilespmem:s31+$0xFFFFFFD0];
	_ =	sdelay $0x4  }
0xb0: {  	v1 =	vadd.f32 v2, v1;
	_ =	sdelay $0x1  }
0xb1: {  	v2 =	vmul.f32 $2.000000030e-01, v1;
	_ =	sdelay $0x1  }
0xb2: {  	v1 =	vmax.f32 v1, v2  }
0xb3: {  	v1 =	vmul.f32 $1.442695020e+00, v1;
	_ =	sdelay $0x1  }
0xb4: {  	(erf) = vpow2.f32 v1;
	_ =	sdelay $0x8  }
0xb5: {  	v1 =	vpop (erf)  }
0xb6: {  	[tilespmem:s0+$0xFFFFFFD0] =	vst v1  }
0xb7: {  	v1 =	vld [tilespmem:s12+$0xFFFFFFE0]  }
0xb8: {  	v2 =	vld [tilespmem:s31+$0xFFFFFFE0];
	_ =	sdelay $0x4  }
0xb9: {  	v1 =	vadd.f32 v2, v1;
	_ =	sdelay $0x1  }
0xba: {  	v2 =	vmul.f32 $2.000000030e-01, v1;
	_ =	sdelay $0x1  }
0xbb: {  	v1 =	vmax.f32 v1, v2  }
0xbc: {  	v1 =	vmul.f32 $1.442695020e+00, v1;
	_ =	sdelay $0x1  }
0xbd: {  	(erf) = vpow2.f32 v1;
	_ =	sdelay $0x8  }
0xbe: {  	v1 =	vpop (erf)  }
0xbf: {  	[tilespmem:s0+$0xFFFFFFE0] =	vst v1  }
0xc0: {  	v1 =	vld [tilespmem:s12+$0xFFFFFFF0]  }
0xc1: {  	v2 =	vld [tilespmem:s31+$0xFFFFFFF0];
	_ =	sdelay $0x4  }
0xc2: {  	v1 =	vadd.f32 v2, v1;
	_ =	sdelay $0x1  }
0xc3: {  	v2 =	vmul.f32 $2.000000030e-01, v1;
	_ =	sdelay $0x1  }
0xc4: {  	v1 =	vmax.f32 v1, v2  }
0xc5: {  	v1 =	vmul.f32 $1.442695020e+00, v1;
	_ =	sdelay $0x1  }
0xc6: {  	(erf) = vpow2.f32 v1;
	_ =	sdelay $0x8  }
0xc7: {  	v1 =	vpop (erf)  }
0xc8: {  	[tilespmem:s0+$0xFFFFFFF0] =	vst v1  }
0xc9: {  	v1 =	vld [tilespmem:s12+$0x0]  }
0xca: {  	v2 =	vld [tilespmem:s31+$0x0];
	_ =	sdelay $0x4  }
0xcb: {  	v1 =	vadd.f32 v2, v1;
	_ =	sdelay $0x1  }
0xcc: {  	v2 =	vmul.f32 $2.000000030e-01, v1;
	_ =	sdelay $0x1  }
0xcd: {  	v1 =	vmax.f32 v1, v2  }
0xce: {  	v1 =	vmul.f32 $1.442695020e+00, v1;
	_ =	sdelay $0x1  }
0xcf: {  	(erf) = vpow2.f32 v1;
	_ =	sdelay $0x8  }
0xd0: {  	v1 =	vpop (erf)  }
0xd1: {  	[tilespmem:s0+$0x0] =	vst v1  }
0xd2: {  	v1 =	vld [tilespmem:s12+$0x10]  }
0xd3: {  	v2 =	vld [tilespmem:s31+$0x10];
	_ =	sdelay $0x4  }
0xd4: {  	v1 =	vadd.f32 v2, v1;
	_ =	sdelay $0x1  }
0xd5: {  	v2 =	vmul.f32 $2.000000030e-01, v1;
	_ =	sdelay $0x1  }
0xd6: {  	v1 =	vmax.f32 v1, v2  }
0xd7: {  	v1 =	vmul.f32 $1.442695020e+00, v1;
	_ =	sdelay $0x1  }
0xd8: {  	(erf) = vpow2.f32 v1;
	_ =	sdelay $0x8  }
0xd9: {  	v1 =	vpop (erf)  }
0xda: {  	[tilespmem:s0+$0x10] =	vst v1  }
0xdb: {  	v1 =	vld [tilespmem:s12+$0x20]  }
0xdc: {  	v2 =	vld [tilespmem:s31+$0x20];
	_ =	sdelay $0x4  }
0xdd: {  	v1 =	vadd.f32 v2, v1;
	_ =	sdelay $0x1  }
0xde: {  	v2 =	vmul.f32 $2.000000030e-01, v1;
	_ =	sdelay $0x1  }
0xdf: {  	v1 =	vmax.f32 v1, v2  }
0xe0: {  	v1 =	vmul.f32 $1.442695020e+00, v1;
	_ =	sdelay $0x1  }
0xe1: {  	(erf) = vpow2.f32 v1;
	_ =	sdelay $0x8  }
0xe2: {  	v1 =	vpop (erf)  }
0xe3: {  	[tilespmem:s0+$0x20] =	vst v1  }
0xe4: {  	v1 =	vld [tilespmem:s12+$0x30]  }
0xe5: {  	v2 =	vld [tilespmem:s31+$0x30];
	_ =	sdelay $0x4  }
0xe6: {  	v1 =	vadd.f32 v2, v1;
	_ =	sdelay $0x1  }
0xe7: {  	v2 =	vmul.f32 $2.000000030e-01, v1;
	_ =	sdelay $0x1  }
0xe8: {  	v1 =	vmax.f32 v1, v2  }
0xe9: {  	v1 =	vmul.f32 $1.442695020e+00, v1;
	_ =	sdelay $0x1  }
0xea: {  	(erf) = vpow2.f32 v1;
	_ =	sdelay $0x1  }
0xeb: {  	s28 =	simm.s32 $0x160;
	s11 =	simm.s32 $0x0;
	s12 =	simm.s32 $0xAE0  }
.LBB2_5:
0xec: {  	s11 =	sadd.s32 $0x8, s11;
	s0 =	sadd.s32 $0x80, s0;
	s31 =	sadd.s32 $0x80, s31  }
0xed: {  	p0 =	slt.u32 s11, $0x48;
	_ =	sdelay $0x4  }
0xee: {  	v1 =	vpop (erf)  }
0xef: {  	[tilespmem:s12+$0x30] =	vst v1;
	s12 =	smov.u32 s0  }
0xf0: {  	v1 =	vld [tilespmem:s28+$0xFFFFFFC0]  }
0xf1: {  	v2 =	vld [tilespmem:s31+$0xFFFFFFC0];
	_ =	sdelay $0x4  }
0xf2: {  	v1 =	vadd.f32 v2, v1;
	_ =	sdelay $0x1  }
0xf3: {  	v2 =	vmul.f32 $2.000000030e-01, v1;
	_ =	sdelay $0x1  }
0xf4: {  	v1 =	vmax.f32 v1, v2  }
0xf5: {  	v1 =	vmul.f32 $1.442695020e+00, v1;
	_ =	sdelay $0x1  }
0xf6: {  	(erf) = vpow2.f32 v1;
	_ =	sdelay $0x8  }
0xf7: {  	v1 =	vpop (erf)  }
0xf8: {  	[tilespmem:s0+$0xFFFFFFC0] =	vst v1  }
0xf9: {  	v1 =	vld [tilespmem:s28+$0xFFFFFFD0]  }
0xfa: {  	v2 =	vld [tilespmem:s31+$0xFFFFFFD0];
	_ =	sdelay $0x4  }
0xfb: {  	v1 =	vadd.f32 v2, v1;
	_ =	sdelay $0x1  }
0xfc: {  	v2 =	vmul.f32 $2.000000030e-01, v1;
	_ =	sdelay $0x1  }
0xfd: {  	v1 =	vmax.f32 v1, v2  }
0xfe: {  	v1 =	vmul.f32 $1.442695020e+00, v1;
	_ =	sdelay $0x1  }
0xff: {  	(erf) = vpow2.f32 v1;
	_ =	sdelay $0x8  }
0x100: {  	v1 =	vpop (erf)  }
0x101: {  	[tilespmem:s0+$0xFFFFFFD0] =	vst v1  }
0x102: {  	v1 =	vld [tilespmem:s28+$0xFFFFFFE0]  }
0x103: {  	v2 =	vld [tilespmem:s31+$0xFFFFFFE0];
	_ =	sdelay $0x4  }
0x104: {  	v1 =	vadd.f32 v2, v1;
	_ =	sdelay $0x1  }
0x105: {  	v2 =	vmul.f32 $2.000000030e-01, v1;
	_ =	sdelay $0x1  }
0x106: {  	v1 =	vmax.f32 v1, v2  }
0x107: {  	v1 =	vmul.f32 $1.442695020e+00, v1;
	_ =	sdelay $0x1  }
0x108: {  	(erf) = vpow2.f32 v1;
	_ =	sdelay $0x8  }
0x109: {  	v1 =	vpop (erf)  }
0x10a: {  	[tilespmem:s0+$0xFFFFFFE0] =	vst v1  }
0x10b: {  	v1 =	vld [tilespmem:s28+$0xFFFFFFF0]  }
0x10c: {  	v2 =	vld [tilespmem:s31+$0xFFFFFFF0];
	_ =	sdelay $0x4  }
0x10d: {  	v1 =	vadd.f32 v2, v1;
	_ =	sdelay $0x1  }
0x10e: {  	v2 =	vmul.f32 $2.000000030e-01, v1;
	_ =	sdelay $0x1  }
0x10f: {  	v1 =	vmax.f32 v1, v2  }
0x110: {  	v1 =	vmul.f32 $1.442695020e+00, v1;
	_ =	sdelay $0x1  }
0x111: {  	(erf) = vpow2.f32 v1;
	_ =	sdelay $0x8  }
0x112: {  	v1 =	vpop (erf)  }
0x113: {  	[tilespmem:s0+$0xFFFFFFF0] =	vst v1  }
0x114: {  	v1 =	vld [tilespmem:s28+$0x0]  }
0x115: {  	v2 =	vld [tilespmem:s31+$0x0];
	_ =	sdelay $0x4  }
0x116: {  	v1 =	vadd.f32 v2, v1;
	_ =	sdelay $0x1  }
0x117: {  	v2 =	vmul.f32 $2.000000030e-01, v1;
	_ =	sdelay $0x1  }
0x118: {  	v1 =	vmax.f32 v1, v2  }
0x119: {  	v1 =	vmul.f32 $1.442695020e+00, v1;
	_ =	sdelay $0x1  }
0x11a: {  	(erf) = vpow2.f32 v1;
	_ =	sdelay $0x8  }
0x11b: {  	v1 =	vpop (erf)  }
0x11c: {  	[tilespmem:s0+$0x0] =	vst v1  }
0x11d: {  	v1 =	vld [tilespmem:s28+$0x10]  }
0x11e: {  	v2 =	vld [tilespmem:s31+$0x10];
	_ =	sdelay $0x4  }
0x11f: {  	v1 =	vadd.f32 v2, v1;
	_ =	sdelay $0x1  }
0x120: {  	v2 =	vmul.f32 $2.000000030e-01, v1;
	_ =	sdelay $0x1  }
0x121: {  	v1 =	vmax.f32 v1, v2  }
0x122: {  	v1 =	vmul.f32 $1.442695020e+00, v1;
	_ =	sdelay $0x1  }
0x123: {  	(erf) = vpow2.f32 v1;
	_ =	sdelay $0x8  }
0x124: {  	v1 =	vpop (erf)  }
0x125: {  	[tilespmem:s0+$0x10] =	vst v1  }
0x126: {  	v1 =	vld [tilespmem:s28+$0x20]  }
0x127: {  	v2 =	vld [tilespmem:s31+$0x20];
	_ =	sdelay $0x4  }
0x128: {  	v1 =	vadd.f32 v2, v1;
	_ =	sdelay $0x1  }
0x129: {  	v2 =	vmul.f32 $2.000000030e-01, v1;
	_ =	sdelay $0x1  }
0x12a: {  	v1 =	vmax.f32 v1, v2  }
0x12b: {  	v1 =	vmul.f32 $1.442695020e+00, v1;
	_ =	sdelay $0x1  }
0x12c: {  	(erf) = vpow2.f32 v1;
	_ =	sdelay $0x8  }
0x12d: {  	v1 =	vpop (erf)  }
0x12e: {  	[tilespmem:s0+$0x20] =	vst v1  }
0x12f: {  	v1 =	vld [tilespmem:s28+$0x30]  }
0x130: {  	v2 =	vld [tilespmem:s31+$0x30];
	_ =	sdelay $0x4  }
0x131: {  	v1 =	vadd.f32 v2, v1;
	_ =	sdelay $0x1  }
0x132: {  	v2 =	vmul.f32 $2.000000030e-01, v1;
	_ =	sdelay $0x1  }
0x133: {  	v1 =	vmax.f32 v1, v2  }
.Ltmp1:
0x134: {  	v1 =	vmul.f32 $1.442695020e+00, v1;
	(pc) =	sbr.rel @p0 .LBB2_5-.Ltmp1, $3  }
0x135: {  	_ = 	snop  }
0x136: {  	(erf) = vpow2.f32 v1;
	_ =	sdelay $0x1  }
0x137: {  	s28 =	sadd.s32 $0x80, s28  }
0x138: {  	_ =	sdelay $0x5  }
0x139: {  	v1 =	vpop (erf)  }
0x13a: {  	[tilespmem:s12+$0x30] =	vst v1  }
0x13b: {  	[spmem:s3] =	stream.indirect.scatter.add.f32 [tilespmem:s15], [sflag:$0x3], $0x10, s16, s16, $0xb8;
	[tilespmem:$0x1D740] =	vst v63  }
0x13c: {  	_ =	swait.ge [sflag:s14], $0x500  }
0x13d: {  	[sflag:s14] =	ssyncset.done $0x0  }
0x13e: {  	s11 =	simm.s32 $0xAB0;
	[sflag:s14] =	ssyncadd.s32 $0xFFFFFB00  }
0x13f: {  	v2 =	vld [tilespmem:s11+$0xFFFFFFF0]  }
0x140: {  	s0 =	simm.s32 $0x1020  }
0x141: {  	v4 =	vld [tilespmem:s0+$0xFFFFFFC0]  }
0x142: {  	v5 =	vld [tilespmem:s0+$0xFFFFFF90]  }
0x143: {  	v8 =	vld [tilespmem:s0+$0xFFFFFFB0]  }
0x144: {  	v1 =	vld [tilespmem:s0+$0xFFFFFFE0];
	v6 =	vbroadcast v2, $0x4  }
0x145: {  	v7 =	vld [tilespmem:s0+$0xFFFFFFA0];
	v3 =	vbroadcast v2, $0x0  }
0x146: {  	v10 =	vbroadcast v2, $0x1;
	v11 =	vmul.f32 v4, v6;
	v4 =	vld [tilespmem:s0+$0xFFFFFF80]  }
0x147: {  	v9 =	vbroadcast v2, $0x2;
	v13 =	vbroadcast v2, $0x3;
	v6 =	vld [tilespmem:s0+$0xFFFFFFF0]  }
0x148: {  	v12 =	vmul.f32 v5, v10;
	v5 =	vbroadcast v2, $0x5  }
0x149: {  	s28 =	simm.s32 $0x0;
	s31 =	simm.s32 $0x1020;
	s12 =	simm.s32 $0xAB0;
	v10 =	vmul.f32 v8, v13;
	v8 =	vld [tilespmem:s0+$0xFFFFFFD0];
	[tilespmem:s0+$0xFFFFFFC0] =	vst v11;
	v11 =	vbroadcast v2, $0x6  }
.LBB2_7:
0x14a: {  	s28 =	sadd.s32 $0x2, s28;
	[tilespmem:s0+$0xFFFFFF90] =	vst v12;
	v7 =	vmul.f32 v7, v9;
	v2 =	vbroadcast v2, $0x7;
	s11 =	sadd.s32 $0x20, s11;
	s31 =	sadd.s32 $0x100, s31  }
0x14b: {  	p0 =	slt.u32 s28, $0x4E;
	v3 =	vmul.f32 v3, v4;
	[tilespmem:s0+$0xFFFFFFB0] =	vst v10;
	v1 =	vmul.f32 v1, v11  }
0x14c: {  	[tilespmem:s0+$0xFFFFFFA0] =	vst v7;
	v2 =	vmul.f32 v6, v2  }
0x14d: {  	[tilespmem:s0+$0xFFFFFFE0] =	vst v1  }
0x14e: {  	v1 =	vmul.f32 v8, v5;
	[tilespmem:s0+$0xFFFFFFF0] =	vst v2  }
0x14f: {  	[tilespmem:s0+$0xFFFFFF80] =	vst v3  }
0x150: {  	[tilespmem:s0+$0xFFFFFFD0] =	vst v1;
	v1 =	vld [tilespmem:s0+$0x10]  }
0x151: {  	v2 =	vld [tilespmem:s12+$0x0];
	s12 =	smov.u32 s11  }
0x152: {  	v3 =	vld [tilespmem:s0+$0x70]  }
0x153: {  	v4 =	vld [tilespmem:s0+$0x0]  }
0x154: {  	v5 =	vld [tilespmem:s0+$0x20]  }
0x155: {  	v6 =	vld [tilespmem:s0+$0x40]  }
0x156: {  	v7 =	vbroadcast v2, $0x0;
	v8 =	vld [tilespmem:s0+$0x30];
	v9 =	vbroadcast v2, $0x7  }
0x157: {  	v10 =	vbroadcast v2, $0x2;
	v12 =	vbroadcast v2, $0x6;
	v11 =	vld [tilespmem:s0+$0x60]  }
0x158: {  	v4 =	vmul.f32 v7, v4;
	v7 =	vbroadcast v2, $0x4;
	v13 =	vld [tilespmem:s0+$0x50]  }
0x159: {  	v5 =	vmul.f32 v5, v10;
	v10 =	vbroadcast v2, $0x3  }
0x15a: {  	[tilespmem:s0+$0x0] =	vst v4;
	v4 =	vbroadcast v2, $0x1;
	v6 =	vmul.f32 v6, v7  }
0x15b: {  	v2 =	vbroadcast v2, $0x5;
	[tilespmem:s0+$0x20] =	vst v5;
	v5 =	vmul.f32 v8, v10  }
0x15c: {  	v3 =	vmul.f32 v3, v9;
	[tilespmem:s0+$0x40] =	vst v6;
	v6 =	vmul.f32 v11, v12  }
0x15d: {  	v1 =	vmul.f32 v1, v4;
	[tilespmem:s0+$0x30] =	vst v5;
	v2 =	vmul.f32 v13, v2  }
0x15e: {  	[tilespmem:s0+$0x70] =	vst v3  }
0x15f: {  	[tilespmem:s0+$0x10] =	vst v1  }
0x160: {  	[tilespmem:s0+$0x60] =	vst v6  }
0x161: {  	[tilespmem:s0+$0x50] =	vst v2;
	s0 =	smov.u32 s31  }
0x162: {  	v2 =	vld [tilespmem:s11+$0xFFFFFFF0]  }
0x163: {  	v1 =	vld [tilespmem:s31+$0xFFFFFFE0]  }
0x164: {  	v5 =	vld [tilespmem:s31+$0xFFFFFFC0]  }
0x165: {  	v8 =	vld [tilespmem:s31+$0xFFFFFF90]  }
0x166: {  	v10 =	vld [tilespmem:s31+$0xFFFFFFB0]  }
.Ltmp2:
0x167: {  	v3 =	vbroadcast v2, $0x0;
	v7 =	vld [tilespmem:s31+$0xFFFFFFA0];
	v6 =	vbroadcast v2, $0x4;
	(pc) =	sbr.rel @p0 .LBB2_7-.Ltmp2, $4  }
0x168: {  	v11 =	vbroadcast v2, $0x1;
	v9 =	vbroadcast v2, $0x2;
	v4 =	vld [tilespmem:s31+$0xFFFFFF80]  }
0x169: {  	v13 =	vbroadcast v2, $0x3;
	v14 =	vmul.f32 v5, v6;
	v6 =	vld [tilespmem:s31+$0xFFFFFFF0]  }
0x16a: {  	v5 =	vbroadcast v2, $0x5;
	v12 =	vmul.f32 v8, v11  }
0x16b: {  	v11 =	vbroadcast v2, $0x6;
	v10 =	vmul.f32 v10, v13;
	[tilespmem:s31+$0xFFFFFFC0] =	vst v14;
	v8 =	vld [tilespmem:s31+$0xFFFFFFD0]  }
0x16c: {  	[tilespmem:s0+$0xFFFFFF90] =	vst v12;
	v7 =	vmul.f32 v7, v9  }
0x16d: {  	v2 =	vbroadcast v2, $0x7;
	[tilespmem:s0+$0xFFFFFFB0] =	vst v10;
	v1 =	vmul.f32 v1, v11  }
0x16e: {  	v3 =	vmul.f32 v3, v4;
	[tilespmem:s0+$0xFFFFFFA0] =	vst v7  }
0x16f: {  	v2 =	vmul.f32 v6, v2;
	[tilespmem:s0+$0xFFFFFFE0] =	vst v1  }
0x170: {  	[tilespmem:s0+$0xFFFFFF80] =	vst v3;
	v1 =	vmul.f32 v8, v5  }
0x171: {  	[tilespmem:s0+$0xFFFFFFF0] =	vst v2  }
0x172: {  	[tilespmem:s0+$0xFFFFFFD0] =	vst v1  }
0x173: {  	v1 =	vld [tilespmem:s12+$0x0];
	_ =	sdelay $0x2  }
0x174: {  	v2 =	vld [tilespmem:s0+$0x0]  }
0x175: {  	v3 =	vld [tilespmem:s0+$0x20]  }
0x176: {  	v56 =	vld [tilespmem:s0+$0x10];
	v52 =	vbroadcast v1, $0x0;
	v55 =	vbroadcast v1, $0x2  }
0x177: {  	v61 =	vld [tilespmem:s0+$0x50];
	v57 =	vbroadcast v1, $0x4;
	v59 =	vbroadcast v1, $0x3  }
0x178: {  	v51 =	vld [tilespmem:s0+$0x40];
	v60 =	vbroadcast v1, $0x7;
	v62 =	vbroadcast v1, $0x1  }
0x179: {  	v53 =	vld [tilespmem:s0+$0x30];
	v63 =	vbroadcast v1, $0x6;
	v2 =	vmul.f32 v52, v2  }
0x17a: {  	v54 =	vld [tilespmem:s0+$0x70];
	v1 =	vbroadcast v1, $0x5;
	v3 =	vmul.f32 v3, v55  }
0x17b: {  	v58 =	vld [tilespmem:s0+$0x60];
	v4 =	vmul.f32 v56, v62;
	[tilespmem:s0+$0x0] =	vst v2  }
0x17c: {  	v1 =	vmul.f32 v61, v1;
	[tilespmem:s0+$0x20] =	vst v3  }
0x17d: {  	v2 =	vmul.f32 v51, v57;
	[tilespmem:s0+$0x10] =	vst v4  }
0x17e: {  	v3 =	vmul.f32 v53, v59;
	[tilespmem:s0+$0x50] =	vst v1  }
0x17f: {  	[tilespmem:s0+$0x40] =	vst v2;
	v2 =	vmul.f32 v54, v60  }
0x180: {  	[tilespmem:s0+$0x30] =	vst v3;
	v3 =	vmul.f32 v58, v63  }
0x181: {  	[tilespmem:s0+$0x70] =	vst v2  }
0x182: {  	s12 =	sadd.s32 s1, s30;
	[tilespmem:s0+$0x60] =	vst v3  }
0x183: {  	[spmem:s2] =	stream.indirect.scatter.add.f32 [tilespmem:s13], [sflag:$0x3], $0x80, s16, s16, $0xb8;
	[tilespmem:$0x1D740] =	vst v63  }
0x184: {  	s0 =	smul.u32 $0xA, s12;
	_ =	swait.ge [sflag:s14], $0x2800  }
0x185: {  	[sflag:s14] =	ssyncset.done $0x0  }
0x186: {  	s11 =	sadd.s32 s8, s0;
	[sflag:s14] =	ssyncadd.s32 $0xFFFFD800  }
0x187: {  	[tilespmem:s4], [sflag:$0x3] =	stream.linear.gather [hbm4b:s11+s4], $0x50, $0x38;
	[tilespmem:$0x1D740] =	vst v63  }
0x188: {  	_ =	swait.ge [sflag:s14], $0x50  }
0x189: {  	[sflag:s14] =	ssyncset.done $0x0  }
0x18a: {  	s0 =	sadd.s32 s9, s0;
	[sflag:s14] =	ssyncadd.s32 $0xFFFFFFB0  }
0x18b: {  	[tilespmem:s16], [sflag:$0x3] =	stream.linear.gather [hbm4b:s0+s4], $0x50, $0x38;
	[tilespmem:$0x1D740] =	vst v63  }
0x18c: {  	_ =	swait.ge [sflag:s14], $0x50  }
0x18d: {  	[sflag:s14] =	ssyncset.done $0x0  }
0x18e: {  	[sflag:s14] =	ssyncadd.s32 $0xFFFFFFB0  }
0x18f: {  	[tilespmem:s17], [sflag:$0x1] =	stream.indirect.gather [hbm4b:s6+s16], $0x10, s4, s16, $0xb8;
	[tilespmem:$0x1D740] =	vst v63  }
0x190: {  	_ = 	snop  }
0x191: {  	[tilespmem:s18], [sflag:$0x1] =	stream.indirect.gather [hbm4b:s7+s16], $0x10, s16, s16, $0xb8;
	[tilespmem:$0x1D740] =	vst v63  }
0x192: {  	_ = 	snop  }
0x193: {  	[tilespmem:s13], [sflag:$0x1] =	stream.indirect.gather [hbm4b:s5+s16], $0x80, s4, s16, $0xb8;
	[tilespmem:$0x1D740] =	vst v63  }
0x194: {  	_ =	swait.ge [sflag:s25], $0x500  }
0x195: {  	[sflag:s25] =	ssyncset.done $0x0  }
0x196: {  	[sflag:s25] =	ssyncadd.s32 $0xFFFFFB00  }
0x197: {  	_ =	swait.ge [sflag:s25], $0x500  }
0x198: {  	[sflag:s25] =	ssyncset.done $0x0  }
0x199: {  	[sflag:s25] =	ssyncadd.s32 $0xFFFFFB00  }
0x19a: {  	_ =	swait.ge [sflag:s25], $0x2800  }
0x19b: {  	[sflag:s25] =	ssyncset.done $0x0  }
0x19c: {  	s31 =	simm.s32 $0x3880;
	[sflag:s25] =	ssyncadd.s32 $0xFFFFD800  }
0x19d: {  	s30 =	simm.s32 $0x3D80;
	v1 =	vld [tilespmem:s31+$0xFFFFFFC0]  }
0x19e: {  	v2 =	vld [tilespmem:s30+$0xFFFFFFC0];
	_ =	sdelay $0x4  }
0x19f: {  	v1 =	vadd.f32 v2, v1;
	_ =	sdelay $0x1  }
0x1a0: {  	v2 =	vmul.f32 $2.000000030e-01, v1;
	_ =	sdelay $0x1  }
0x1a1: {  	v1 =	vmax.f32 v1, v2  }
0x1a2: {  	v1 =	vmul.f32 $1.442695020e+00, v1;
	_ =	sdelay $0x1  }
0x1a3: {  	(erf) = vpow2.f32 v1;
	_ =	sdelay $0x8  }
0x1a4: {  	s0 =	simm.s32 $0x4280;
	v1 =	vpop (erf)  }
0x1a5: {  	[tilespmem:s0+$0xFFFFFFC0] =	vst v1  }
0x1a6: {  	v1 =	vld [tilespmem:s31+$0xFFFFFFD0]  }
0x1a7: {  	v2 =	vld [tilespmem:s30+$0xFFFFFFD0];
	_ =	sdelay $0x4  }
0x1a8: {  	v1 =	vadd.f32 v2, v1;
	_ =	sdelay $0x1  }
0x1a9: {  	v2 =	vmul.f32 $2.000000030e-01, v1;
	_ =	sdelay $0x1  }
0x1aa: {  	v1 =	vmax.f32 v1, v2  }
0x1ab: {  	v1 =	vmul.f32 $1.442695020e+00, v1;
	_ =	sdelay $0x1  }
0x1ac: {  	(erf) = vpow2.f32 v1;
	_ =	sdelay $0x8  }
0x1ad: {  	v1 =	vpop (erf)  }
0x1ae: {  	[tilespmem:s0+$0xFFFFFFD0] =	vst v1  }
0x1af: {  	v1 =	vld [tilespmem:s31+$0xFFFFFFE0]  }
0x1b0: {  	v2 =	vld [tilespmem:s30+$0xFFFFFFE0];
	_ =	sdelay $0x4  }
0x1b1: {  	v1 =	vadd.f32 v2, v1;
	_ =	sdelay $0x1  }
0x1b2: {  	v2 =	vmul.f32 $2.000000030e-01, v1;
	_ =	sdelay $0x1  }
0x1b3: {  	v1 =	vmax.f32 v1, v2  }
0x1b4: {  	v1 =	vmul.f32 $1.442695020e+00, v1;
	_ =	sdelay $0x1  }
0x1b5: {  	(erf) = vpow2.f32 v1;
	_ =	sdelay $0x8  }
0x1b6: {  	v1 =	vpop (erf)  }
0x1b7: {  	[tilespmem:s0+$0xFFFFFFE0] =	vst v1  }
0x1b8: {  	v1 =	vld [tilespmem:s31+$0xFFFFFFF0]  }
0x1b9: {  	v2 =	vld [tilespmem:s30+$0xFFFFFFF0];
	_ =	sdelay $0x4  }
0x1ba: {  	v1 =	vadd.f32 v2, v1;
	_ =	sdelay $0x1  }
0x1bb: {  	v2 =	vmul.f32 $2.000000030e-01, v1;
	_ =	sdelay $0x1  }
0x1bc: {  	v1 =	vmax.f32 v1, v2  }
0x1bd: {  	v1 =	vmul.f32 $1.442695020e+00, v1;
	_ =	sdelay $0x1  }
0x1be: {  	(erf) = vpow2.f32 v1;
	_ =	sdelay $0x8  }
0x1bf: {  	v1 =	vpop (erf)  }
0x1c0: {  	[tilespmem:s0+$0xFFFFFFF0] =	vst v1  }
0x1c1: {  	v1 =	vld [tilespmem:s31+$0x0]  }
0x1c2: {  	v2 =	vld [tilespmem:s30+$0x0];
	_ =	sdelay $0x4  }
0x1c3: {  	v1 =	vadd.f32 v2, v1;
	_ =	sdelay $0x1  }
0x1c4: {  	v2 =	vmul.f32 $2.000000030e-01, v1;
	_ =	sdelay $0x1  }
0x1c5: {  	v1 =	vmax.f32 v1, v2  }
0x1c6: {  	v1 =	vmul.f32 $1.442695020e+00, v1;
	_ =	sdelay $0x1  }
0x1c7: {  	(erf) = vpow2.f32 v1;
	_ =	sdelay $0x8  }
0x1c8: {  	v1 =	vpop (erf)  }
0x1c9: {  	[tilespmem:s0+$0x0] =	vst v1  }
0x1ca: {  	v1 =	vld [tilespmem:s31+$0x10]  }
0x1cb: {  	v2 =	vld [tilespmem:s30+$0x10];
	_ =	sdelay $0x4  }
0x1cc: {  	v1 =	vadd.f32 v2, v1;
	_ =	sdelay $0x1  }
0x1cd: {  	v2 =	vmul.f32 $2.000000030e-01, v1;
	_ =	sdelay $0x1  }
0x1ce: {  	v1 =	vmax.f32 v1, v2  }
0x1cf: {  	v1 =	vmul.f32 $1.442695020e+00, v1;
	_ =	sdelay $0x1  }
0x1d0: {  	(erf) = vpow2.f32 v1;
	_ =	sdelay $0x8  }
0x1d1: {  	v1 =	vpop (erf)  }
0x1d2: {  	[tilespmem:s0+$0x10] =	vst v1  }
0x1d3: {  	v1 =	vld [tilespmem:s31+$0x20]  }
0x1d4: {  	v2 =	vld [tilespmem:s30+$0x20];
	_ =	sdelay $0x4  }
0x1d5: {  	v1 =	vadd.f32 v2, v1;
	_ =	sdelay $0x1  }
0x1d6: {  	v2 =	vmul.f32 $2.000000030e-01, v1;
	_ =	sdelay $0x1  }
0x1d7: {  	v1 =	vmax.f32 v1, v2  }
0x1d8: {  	v1 =	vmul.f32 $1.442695020e+00, v1;
	_ =	sdelay $0x1  }
0x1d9: {  	(erf) = vpow2.f32 v1;
	_ =	sdelay $0x8  }
0x1da: {  	v1 =	vpop (erf)  }
0x1db: {  	[tilespmem:s0+$0x20] =	vst v1  }
0x1dc: {  	v1 =	vld [tilespmem:s31+$0x30]  }
0x1dd: {  	v2 =	vld [tilespmem:s30+$0x30];
	_ =	sdelay $0x4  }
0x1de: {  	v1 =	vadd.f32 v2, v1;
	_ =	sdelay $0x1  }
0x1df: {  	v2 =	vmul.f32 $2.000000030e-01, v1;
	_ =	sdelay $0x1  }
0x1e0: {  	v1 =	vmax.f32 v1, v2  }
0x1e1: {  	v1 =	vmul.f32 $1.442695020e+00, v1;
	_ =	sdelay $0x1  }
0x1e2: {  	(erf) = vpow2.f32 v1;
	_ =	sdelay $0x1  }
0x1e3: {  	s28 =	simm.s32 $0x3900;
	s12 =	simm.s32 $0x4280;
	s11 =	simm.s32 $0x0  }
.LBB2_9:
0x1e4: {  	s11 =	sadd.s32 $0x8, s11;
	s0 =	sadd.s32 $0x80, s0;
	s30 =	sadd.s32 $0x80, s30  }
0x1e5: {  	p0 =	slt.u32 s11, $0x48;
	_ =	sdelay $0x4  }
0x1e6: {  	v1 =	vpop (erf)  }
0x1e7: {  	[tilespmem:s12+$0x30] =	vst v1;
	s12 =	smov.u32 s0  }
0x1e8: {  	v1 =	vld [tilespmem:s28+$0xFFFFFFC0]  }
0x1e9: {  	v2 =	vld [tilespmem:s30+$0xFFFFFFC0];
	_ =	sdelay $0x4  }
0x1ea: {  	v1 =	vadd.f32 v2, v1;
	_ =	sdelay $0x1  }
0x1eb: {  	v2 =	vmul.f32 $2.000000030e-01, v1;
	_ =	sdelay $0x1  }
0x1ec: {  	v1 =	vmax.f32 v1, v2  }
0x1ed: {  	v1 =	vmul.f32 $1.442695020e+00, v1;
	_ =	sdelay $0x1  }
0x1ee: {  	(erf) = vpow2.f32 v1;
	_ =	sdelay $0x8  }
0x1ef: {  	v1 =	vpop (erf)  }
0x1f0: {  	[tilespmem:s0+$0xFFFFFFC0] =	vst v1  }
0x1f1: {  	v1 =	vld [tilespmem:s28+$0xFFFFFFD0]  }
0x1f2: {  	v2 =	vld [tilespmem:s30+$0xFFFFFFD0];
	_ =	sdelay $0x4  }
0x1f3: {  	v1 =	vadd.f32 v2, v1;
	_ =	sdelay $0x1  }
0x1f4: {  	v2 =	vmul.f32 $2.000000030e-01, v1;
	_ =	sdelay $0x1  }
0x1f5: {  	v1 =	vmax.f32 v1, v2  }
0x1f6: {  	v1 =	vmul.f32 $1.442695020e+00, v1;
	_ =	sdelay $0x1  }
0x1f7: {  	(erf) = vpow2.f32 v1;
	_ =	sdelay $0x8  }
0x1f8: {  	v1 =	vpop (erf)  }
0x1f9: {  	[tilespmem:s0+$0xFFFFFFD0] =	vst v1  }
0x1fa: {  	v1 =	vld [tilespmem:s28+$0xFFFFFFE0]  }
0x1fb: {  	v2 =	vld [tilespmem:s30+$0xFFFFFFE0];
	_ =	sdelay $0x4  }
0x1fc: {  	v1 =	vadd.f32 v2, v1;
	_ =	sdelay $0x1  }
0x1fd: {  	v2 =	vmul.f32 $2.000000030e-01, v1;
	_ =	sdelay $0x1  }
0x1fe: {  	v1 =	vmax.f32 v1, v2  }
0x1ff: {  	v1 =	vmul.f32 $1.442695020e+00, v1;
	_ =	sdelay $0x1  }
0x200: {  	(erf) = vpow2.f32 v1;
	_ =	sdelay $0x8  }
0x201: {  	v1 =	vpop (erf)  }
0x202: {  	[tilespmem:s0+$0xFFFFFFE0] =	vst v1  }
0x203: {  	v1 =	vld [tilespmem:s28+$0xFFFFFFF0]  }
0x204: {  	v2 =	vld [tilespmem:s30+$0xFFFFFFF0];
	_ =	sdelay $0x4  }
0x205: {  	v1 =	vadd.f32 v2, v1;
	_ =	sdelay $0x1  }
0x206: {  	v2 =	vmul.f32 $2.000000030e-01, v1;
	_ =	sdelay $0x1  }
0x207: {  	v1 =	vmax.f32 v1, v2  }
0x208: {  	v1 =	vmul.f32 $1.442695020e+00, v1;
	_ =	sdelay $0x1  }
0x209: {  	(erf) = vpow2.f32 v1;
	_ =	sdelay $0x8  }
0x20a: {  	v1 =	vpop (erf)  }
0x20b: {  	[tilespmem:s0+$0xFFFFFFF0] =	vst v1  }
0x20c: {  	v1 =	vld [tilespmem:s28+$0x0]  }
0x20d: {  	v2 =	vld [tilespmem:s30+$0x0];
	_ =	sdelay $0x4  }
0x20e: {  	v1 =	vadd.f32 v2, v1;
	_ =	sdelay $0x1  }
0x20f: {  	v2 =	vmul.f32 $2.000000030e-01, v1;
	_ =	sdelay $0x1  }
0x210: {  	v1 =	vmax.f32 v1, v2  }
0x211: {  	v1 =	vmul.f32 $1.442695020e+00, v1;
	_ =	sdelay $0x1  }
0x212: {  	(erf) = vpow2.f32 v1;
	_ =	sdelay $0x8  }
0x213: {  	v1 =	vpop (erf)  }
0x214: {  	[tilespmem:s0+$0x0] =	vst v1  }
0x215: {  	v1 =	vld [tilespmem:s28+$0x10]  }
0x216: {  	v2 =	vld [tilespmem:s30+$0x10];
	_ =	sdelay $0x4  }
0x217: {  	v1 =	vadd.f32 v2, v1;
	_ =	sdelay $0x1  }
0x218: {  	v2 =	vmul.f32 $2.000000030e-01, v1;
	_ =	sdelay $0x1  }
0x219: {  	v1 =	vmax.f32 v1, v2  }
0x21a: {  	v1 =	vmul.f32 $1.442695020e+00, v1;
	_ =	sdelay $0x1  }
0x21b: {  	(erf) = vpow2.f32 v1;
	_ =	sdelay $0x8  }
0x21c: {  	v1 =	vpop (erf)  }
0x21d: {  	[tilespmem:s0+$0x10] =	vst v1  }
0x21e: {  	v1 =	vld [tilespmem:s28+$0x20]  }
0x21f: {  	v2 =	vld [tilespmem:s30+$0x20];
	_ =	sdelay $0x4  }
0x220: {  	v1 =	vadd.f32 v2, v1;
	_ =	sdelay $0x1  }
0x221: {  	v2 =	vmul.f32 $2.000000030e-01, v1;
	_ =	sdelay $0x1  }
0x222: {  	v1 =	vmax.f32 v1, v2  }
0x223: {  	v1 =	vmul.f32 $1.442695020e+00, v1;
	_ =	sdelay $0x1  }
0x224: {  	(erf) = vpow2.f32 v1;
	_ =	sdelay $0x8  }
0x225: {  	v1 =	vpop (erf)  }
0x226: {  	[tilespmem:s0+$0x20] =	vst v1  }
0x227: {  	v1 =	vld [tilespmem:s28+$0x30]  }
0x228: {  	v2 =	vld [tilespmem:s30+$0x30];
	_ =	sdelay $0x4  }
0x229: {  	v1 =	vadd.f32 v2, v1;
	_ =	sdelay $0x1  }
0x22a: {  	v2 =	vmul.f32 $2.000000030e-01, v1;
	_ =	sdelay $0x1  }
0x22b: {  	v1 =	vmax.f32 v1, v2  }
.Ltmp3:
0x22c: {  	v1 =	vmul.f32 $1.442695020e+00, v1;
	(pc) =	sbr.rel @p0 .LBB2_9-.Ltmp3, $3  }
0x22d: {  	_ = 	snop  }
0x22e: {  	(erf) = vpow2.f32 v1;
	_ =	sdelay $0x1  }
0x22f: {  	s28 =	sadd.s32 $0x80, s28  }
0x230: {  	_ =	sdelay $0x5  }
0x231: {  	v1 =	vpop (erf)  }
0x232: {  	[tilespmem:s12+$0x30] =	vst v1  }
0x233: {  	[spmem:s3] =	stream.indirect.scatter.add.f32 [tilespmem:s26], [sflag:$0x3], $0x10, s20, s16, $0xb8;
	[tilespmem:$0x1D740] =	vst v63  }
0x234: {  	_ =	swait.ge [sflag:s14], $0x500  }
0x235: {  	[sflag:s14] =	ssyncset.done $0x0  }
0x236: {  	s11 =	simm.s32 $0x4250;
	[sflag:s14] =	ssyncadd.s32 $0xFFFFFB00  }
0x237: {  	v2 =	vld [tilespmem:s11+$0xFFFFFFF0]  }
0x238: {  	s0 =	simm.s32 $0x47C0  }
0x239: {  	v4 =	vld [tilespmem:s0+$0xFFFFFFC0]  }
0x23a: {  	v5 =	vld [tilespmem:s0+$0xFFFFFF90]  }
0x23b: {  	v8 =	vld [tilespmem:s0+$0xFFFFFFB0]  }
0x23c: {  	v1 =	vld [tilespmem:s0+$0xFFFFFFE0];
	v6 =	vbroadcast v2, $0x4  }
0x23d: {  	v7 =	vld [tilespmem:s0+$0xFFFFFFA0];
	v3 =	vbroadcast v2, $0x0  }
0x23e: {  	v10 =	vbroadcast v2, $0x1;
	v11 =	vmul.f32 v4, v6;
	v4 =	vld [tilespmem:s0+$0xFFFFFF80]  }
0x23f: {  	v9 =	vbroadcast v2, $0x2;
	v13 =	vbroadcast v2, $0x3;
	v6 =	vld [tilespmem:s0+$0xFFFFFFF0]  }
0x240: {  	v12 =	vmul.f32 v5, v10;
	v5 =	vbroadcast v2, $0x5  }
0x241: {  	s28 =	simm.s32 $0x0;
	s30 =	simm.s32 $0x47C0;
	s12 =	simm.s32 $0x4250;
	v10 =	vmul.f32 v8, v13;
	v8 =	vld [tilespmem:s0+$0xFFFFFFD0];
	[tilespmem:s0+$0xFFFFFFC0] =	vst v11;
	v11 =	vbroadcast v2, $0x6  }
.LBB2_11:
0x242: {  	s28 =	sadd.s32 $0x2, s28;
	[tilespmem:s0+$0xFFFFFF90] =	vst v12;
	v7 =	vmul.f32 v7, v9;
	v2 =	vbroadcast v2, $0x7;
	s11 =	sadd.s32 $0x20, s11;
	s30 =	sadd.s32 $0x100, s30  }
0x243: {  	p0 =	slt.u32 s28, $0x4E;
	v3 =	vmul.f32 v3, v4;
	[tilespmem:s0+$0xFFFFFFB0] =	vst v10;
	v1 =	vmul.f32 v1, v11  }
0x244: {  	[tilespmem:s0+$0xFFFFFFA0] =	vst v7;
	v2 =	vmul.f32 v6, v2  }
0x245: {  	[tilespmem:s0+$0xFFFFFFE0] =	vst v1  }
0x246: {  	v1 =	vmul.f32 v8, v5;
	[tilespmem:s0+$0xFFFFFFF0] =	vst v2  }
0x247: {  	[tilespmem:s0+$0xFFFFFF80] =	vst v3  }
0x248: {  	[tilespmem:s0+$0xFFFFFFD0] =	vst v1;
	v1 =	vld [tilespmem:s0+$0x10]  }
0x249: {  	v2 =	vld [tilespmem:s12+$0x0];
	s12 =	smov.u32 s11  }
0x24a: {  	v3 =	vld [tilespmem:s0+$0x70]  }
0x24b: {  	v4 =	vld [tilespmem:s0+$0x0]  }
0x24c: {  	v5 =	vld [tilespmem:s0+$0x20]  }
0x24d: {  	v6 =	vld [tilespmem:s0+$0x40]  }
0x24e: {  	v7 =	vbroadcast v2, $0x0;
	v8 =	vld [tilespmem:s0+$0x30];
	v9 =	vbroadcast v2, $0x7  }
0x24f: {  	v10 =	vbroadcast v2, $0x2;
	v12 =	vbroadcast v2, $0x6;
	v11 =	vld [tilespmem:s0+$0x60]  }
0x250: {  	v4 =	vmul.f32 v7, v4;
	v7 =	vbroadcast v2, $0x4;
	v13 =	vld [tilespmem:s0+$0x50]  }
0x251: {  	v5 =	vmul.f32 v5, v10;
	v10 =	vbroadcast v2, $0x3  }
0x252: {  	[tilespmem:s0+$0x0] =	vst v4;
	v4 =	vbroadcast v2, $0x1;
	v6 =	vmul.f32 v6, v7  }
0x253: {  	v2 =	vbroadcast v2, $0x5;
	[tilespmem:s0+$0x20] =	vst v5;
	v5 =	vmul.f32 v8, v10  }
0x254: {  	v3 =	vmul.f32 v3, v9;
	[tilespmem:s0+$0x40] =	vst v6;
	v6 =	vmul.f32 v11, v12  }
0x255: {  	v1 =	vmul.f32 v1, v4;
	[tilespmem:s0+$0x30] =	vst v5;
	v2 =	vmul.f32 v13, v2  }
0x256: {  	[tilespmem:s0+$0x70] =	vst v3  }
0x257: {  	[tilespmem:s0+$0x10] =	vst v1  }
0x258: {  	[tilespmem:s0+$0x60] =	vst v6  }
0x259: {  	[tilespmem:s0+$0x50] =	vst v2;
	s0 =	smov.u32 s30  }
0x25a: {  	v2 =	vld [tilespmem:s11+$0xFFFFFFF0]  }
0x25b: {  	v1 =	vld [tilespmem:s30+$0xFFFFFFE0]  }
0x25c: {  	v5 =	vld [tilespmem:s30+$0xFFFFFFC0]  }
0x25d: {  	v8 =	vld [tilespmem:s30+$0xFFFFFF90]  }
0x25e: {  	v10 =	vld [tilespmem:s30+$0xFFFFFFB0]  }
.Ltmp4:
0x25f: {  	v3 =	vbroadcast v2, $0x0;
	v7 =	vld [tilespmem:s30+$0xFFFFFFA0];
	v6 =	vbroadcast v2, $0x4;
	(pc) =	sbr.rel @p0 .LBB2_11-.Ltmp4, $4  }
0x260: {  	v11 =	vbroadcast v2, $0x1;
	v9 =	vbroadcast v2, $0x2;
	v4 =	vld [tilespmem:s30+$0xFFFFFF80]  }
0x261: {  	v13 =	vbroadcast v2, $0x3;
	v14 =	vmul.f32 v5, v6;
	v6 =	vld [tilespmem:s30+$0xFFFFFFF0]  }
0x262: {  	v5 =	vbroadcast v2, $0x5;
	v12 =	vmul.f32 v8, v11  }
0x263: {  	v11 =	vbroadcast v2, $0x6;
	v10 =	vmul.f32 v10, v13;
	[tilespmem:s30+$0xFFFFFFC0] =	vst v14;
	v8 =	vld [tilespmem:s30+$0xFFFFFFD0]  }
0x264: {  	[tilespmem:s0+$0xFFFFFF90] =	vst v12;
	v7 =	vmul.f32 v7, v9  }
0x265: {  	v2 =	vbroadcast v2, $0x7;
	[tilespmem:s0+$0xFFFFFFB0] =	vst v10;
	v1 =	vmul.f32 v1, v11  }
0x266: {  	v3 =	vmul.f32 v3, v4;
	[tilespmem:s0+$0xFFFFFFA0] =	vst v7  }
0x267: {  	v2 =	vmul.f32 v6, v2;
	[tilespmem:s0+$0xFFFFFFE0] =	vst v1  }
0x268: {  	[tilespmem:s0+$0xFFFFFF80] =	vst v3;
	v1 =	vmul.f32 v8, v5  }
0x269: {  	[tilespmem:s0+$0xFFFFFFF0] =	vst v2  }
0x26a: {  	[tilespmem:s0+$0xFFFFFFD0] =	vst v1  }
0x26b: {  	v1 =	vld [tilespmem:s12+$0x0];
	_ =	sdelay $0x2  }
0x26c: {  	v2 =	vld [tilespmem:s0+$0x0]  }
0x26d: {  	v3 =	vld [tilespmem:s0+$0x20]  }
0x26e: {  	v56 =	vld [tilespmem:s0+$0x10];
	v52 =	vbroadcast v1, $0x0;
	v55 =	vbroadcast v1, $0x2  }
0x26f: {  	v61 =	vld [tilespmem:s0+$0x50];
	v57 =	vbroadcast v1, $0x4;
	v59 =	vbroadcast v1, $0x3  }
0x270: {  	v51 =	vld [tilespmem:s0+$0x40];
	v60 =	vbroadcast v1, $0x7;
	v62 =	vbroadcast v1, $0x1  }
0x271: {  	v53 =	vld [tilespmem:s0+$0x30];
	v63 =	vbroadcast v1, $0x6;
	v2 =	vmul.f32 v52, v2  }
0x272: {  	v54 =	vld [tilespmem:s0+$0x70];
	v1 =	vbroadcast v1, $0x5;
	v3 =	vmul.f32 v3, v55  }
0x273: {  	v58 =	vld [tilespmem:s0+$0x60];
	v4 =	vmul.f32 v56, v62;
	[tilespmem:s0+$0x0] =	vst v2  }
0x274: {  	v1 =	vmul.f32 v61, v1;
	[tilespmem:s0+$0x20] =	vst v3  }
0x275: {  	v2 =	vmul.f32 v51, v57;
	[tilespmem:s0+$0x10] =	vst v4  }
0x276: {  	v3 =	vmul.f32 v53, v59;
	[tilespmem:s0+$0x50] =	vst v1  }
0x277: {  	[tilespmem:s0+$0x40] =	vst v2;
	v2 =	vmul.f32 v54, v60  }
0x278: {  	s29 =	sadd.s32 $0x1, s29;
	[tilespmem:s0+$0x30] =	vst v3;
	v3 =	vmul.f32 v58, v63  }
0x279: {  	p0 =	sne.s32 s29, $0x3E;
	[tilespmem:s0+$0x70] =	vst v2  }
.Ltmp5:
0x27a: {  	[tilespmem:s0+$0x60] =	vst v3;
	(pc) =	sbr.rel @p0 .LBB2_4-.Ltmp5, $4  }
0x27b: {  	[spmem:s2] =	stream.indirect.scatter.add.f32 [tilespmem:s23], [sflag:$0x3], $0x80, s20, s16, $0xb8;
	[tilespmem:$0x1D740] =	vst v63  }
0x27c: {  	_ =	swait.ge [sflag:s14], $0x2800  }
0x27d: {  	[sflag:s14] =	ssyncset.done $0x0  }
0x27e: {  	[sflag:s14] =	ssyncadd.s32 $0xFFFFD800  }
0x27f: {  	_ =	swait.ge [sflag:s24], $0x500  }
0x280: {  	[sflag:s24] =	ssyncset.done $0x0  }
0x281: {  	[sflag:s24] =	ssyncadd.s32 $0xFFFFFB00  }
0x282: {  	_ =	swait.ge [sflag:s24], $0x500  }
0x283: {  	[sflag:s24] =	ssyncset.done $0x0  }
0x284: {  	[sflag:s24] =	ssyncadd.s32 $0xFFFFFB00  }
0x285: {  	_ =	swait.ge [sflag:s24], $0x2800  }
0x286: {  	[sflag:s24] =	ssyncset.done $0x0  }
0x287: {  	s11 =	simm.s32 $0xE0;
	[sflag:s24] =	ssyncadd.s32 $0xFFFFD800  }
0x288: {  	s29 =	simm.s32 $0x5E0;
	v1 =	vld [tilespmem:s11+$0xFFFFFFC0]  }
0x289: {  	v2 =	vld [tilespmem:s29+$0xFFFFFFC0];
	_ =	sdelay $0x4  }
0x28a: {  	v1 =	vadd.f32 v2, v1;
	_ =	sdelay $0x1  }
0x28b: {  	v2 =	vmul.f32 $2.000000030e-01, v1;
	_ =	sdelay $0x1  }
0x28c: {  	v1 =	vmax.f32 v1, v2  }
0x28d: {  	v1 =	vmul.f32 $1.442695020e+00, v1;
	_ =	sdelay $0x1  }
0x28e: {  	(erf) = vpow2.f32 v1;
	_ =	sdelay $0x8  }
0x28f: {  	s0 =	simm.s32 $0xAE0;
	v1 =	vpop (erf)  }
0x290: {  	[tilespmem:s0+$0xFFFFFFC0] =	vst v1  }
0x291: {  	v1 =	vld [tilespmem:s11+$0xFFFFFFD0]  }
0x292: {  	v2 =	vld [tilespmem:s29+$0xFFFFFFD0];
	_ =	sdelay $0x4  }
0x293: {  	v1 =	vadd.f32 v2, v1;
	_ =	sdelay $0x1  }
0x294: {  	v2 =	vmul.f32 $2.000000030e-01, v1;
	_ =	sdelay $0x1  }
0x295: {  	v1 =	vmax.f32 v1, v2  }
0x296: {  	v1 =	vmul.f32 $1.442695020e+00, v1;
	_ =	sdelay $0x1  }
0x297: {  	(erf) = vpow2.f32 v1;
	_ =	sdelay $0x8  }
0x298: {  	v1 =	vpop (erf)  }
0x299: {  	[tilespmem:s0+$0xFFFFFFD0] =	vst v1  }
0x29a: {  	v1 =	vld [tilespmem:s11+$0xFFFFFFE0]  }
0x29b: {  	v2 =	vld [tilespmem:s29+$0xFFFFFFE0];
	_ =	sdelay $0x4  }
0x29c: {  	v1 =	vadd.f32 v2, v1;
	_ =	sdelay $0x1  }
0x29d: {  	v2 =	vmul.f32 $2.000000030e-01, v1;
	_ =	sdelay $0x1  }
0x29e: {  	v1 =	vmax.f32 v1, v2  }
0x29f: {  	v1 =	vmul.f32 $1.442695020e+00, v1;
	_ =	sdelay $0x1  }
0x2a0: {  	(erf) = vpow2.f32 v1;
	_ =	sdelay $0x8  }
0x2a1: {  	v1 =	vpop (erf)  }
0x2a2: {  	[tilespmem:s0+$0xFFFFFFE0] =	vst v1  }
0x2a3: {  	v1 =	vld [tilespmem:s11+$0xFFFFFFF0]  }
0x2a4: {  	v2 =	vld [tilespmem:s29+$0xFFFFFFF0];
	_ =	sdelay $0x4  }
0x2a5: {  	v1 =	vadd.f32 v2, v1;
	_ =	sdelay $0x1  }
0x2a6: {  	v2 =	vmul.f32 $2.000000030e-01, v1;
	_ =	sdelay $0x1  }
0x2a7: {  	v1 =	vmax.f32 v1, v2  }
0x2a8: {  	v1 =	vmul.f32 $1.442695020e+00, v1;
	_ =	sdelay $0x1  }
0x2a9: {  	(erf) = vpow2.f32 v1;
	_ =	sdelay $0x8  }
0x2aa: {  	v1 =	vpop (erf)  }
0x2ab: {  	[tilespmem:s0+$0xFFFFFFF0] =	vst v1  }
0x2ac: {  	v1 =	vld [tilespmem:s11+$0x0]  }
0x2ad: {  	v2 =	vld [tilespmem:s29+$0x0];
	_ =	sdelay $0x4  }
0x2ae: {  	v1 =	vadd.f32 v2, v1;
	_ =	sdelay $0x1  }
0x2af: {  	v2 =	vmul.f32 $2.000000030e-01, v1;
	_ =	sdelay $0x1  }
0x2b0: {  	v1 =	vmax.f32 v1, v2  }
0x2b1: {  	v1 =	vmul.f32 $1.442695020e+00, v1;
	_ =	sdelay $0x1  }
0x2b2: {  	(erf) = vpow2.f32 v1;
	_ =	sdelay $0x8  }
0x2b3: {  	v1 =	vpop (erf)  }
0x2b4: {  	[tilespmem:s0+$0x0] =	vst v1  }
0x2b5: {  	v1 =	vld [tilespmem:s11+$0x10]  }
0x2b6: {  	v2 =	vld [tilespmem:s29+$0x10];
	_ =	sdelay $0x4  }
0x2b7: {  	v1 =	vadd.f32 v2, v1;
	_ =	sdelay $0x1  }
0x2b8: {  	v2 =	vmul.f32 $2.000000030e-01, v1;
	_ =	sdelay $0x1  }
0x2b9: {  	v1 =	vmax.f32 v1, v2  }
0x2ba: {  	v1 =	vmul.f32 $1.442695020e+00, v1;
	_ =	sdelay $0x1  }
0x2bb: {  	(erf) = vpow2.f32 v1;
	_ =	sdelay $0x8  }
0x2bc: {  	v1 =	vpop (erf)  }
0x2bd: {  	[tilespmem:s0+$0x10] =	vst v1  }
0x2be: {  	v1 =	vld [tilespmem:s11+$0x20]  }
0x2bf: {  	v2 =	vld [tilespmem:s29+$0x20];
	_ =	sdelay $0x4  }
0x2c0: {  	v1 =	vadd.f32 v2, v1;
	_ =	sdelay $0x1  }
0x2c1: {  	v2 =	vmul.f32 $2.000000030e-01, v1;
	_ =	sdelay $0x1  }
0x2c2: {  	v1 =	vmax.f32 v1, v2  }
0x2c3: {  	v1 =	vmul.f32 $1.442695020e+00, v1;
	_ =	sdelay $0x1  }
0x2c4: {  	(erf) = vpow2.f32 v1;
	_ =	sdelay $0x8  }
0x2c5: {  	v1 =	vpop (erf)  }
0x2c6: {  	[tilespmem:s0+$0x20] =	vst v1  }
0x2c7: {  	v1 =	vld [tilespmem:s11+$0x30]  }
0x2c8: {  	v2 =	vld [tilespmem:s29+$0x30];
	_ =	sdelay $0x4  }
0x2c9: {  	v1 =	vadd.f32 v2, v1;
	_ =	sdelay $0x1  }
0x2ca: {  	v2 =	vmul.f32 $2.000000030e-01, v1;
	_ =	sdelay $0x1  }
0x2cb: {  	v1 =	vmax.f32 v1, v2  }
0x2cc: {  	v1 =	vmul.f32 $1.442695020e+00, v1;
	_ =	sdelay $0x1  }
0x2cd: {  	(erf) = vpow2.f32 v1;
	_ =	sdelay $0x1  }
0x2ce: {  	s28 =	simm.s32 $0x160;
	s12 =	simm.s32 $0xAE0;
	s11 =	simm.s32 $0x0  }
.LBB2_14:
0x2cf: {  	s11 =	sadd.s32 $0x8, s11;
	s0 =	sadd.s32 $0x80, s0;
	s29 =	sadd.s32 $0x80, s29  }
0x2d0: {  	p0 =	slt.u32 s11, $0x48;
	_ =	sdelay $0x4  }
0x2d1: {  	v1 =	vpop (erf)  }
0x2d2: {  	[tilespmem:s12+$0x30] =	vst v1;
	s12 =	smov.u32 s0  }
0x2d3: {  	v1 =	vld [tilespmem:s28+$0xFFFFFFC0]  }
0x2d4: {  	v2 =	vld [tilespmem:s29+$0xFFFFFFC0];
	_ =	sdelay $0x4  }
0x2d5: {  	v1 =	vadd.f32 v2, v1;
	_ =	sdelay $0x1  }
0x2d6: {  	v2 =	vmul.f32 $2.000000030e-01, v1;
	_ =	sdelay $0x1  }
0x2d7: {  	v1 =	vmax.f32 v1, v2  }
0x2d8: {  	v1 =	vmul.f32 $1.442695020e+00, v1;
	_ =	sdelay $0x1  }
0x2d9: {  	(erf) = vpow2.f32 v1;
	_ =	sdelay $0x8  }
0x2da: {  	v1 =	vpop (erf)  }
0x2db: {  	[tilespmem:s0+$0xFFFFFFC0] =	vst v1  }
0x2dc: {  	v1 =	vld [tilespmem:s28+$0xFFFFFFD0]  }
0x2dd: {  	v2 =	vld [tilespmem:s29+$0xFFFFFFD0];
	_ =	sdelay $0x4  }
0x2de: {  	v1 =	vadd.f32 v2, v1;
	_ =	sdelay $0x1  }
0x2df: {  	v2 =	vmul.f32 $2.000000030e-01, v1;
	_ =	sdelay $0x1  }
0x2e0: {  	v1 =	vmax.f32 v1, v2  }
0x2e1: {  	v1 =	vmul.f32 $1.442695020e+00, v1;
	_ =	sdelay $0x1  }
0x2e2: {  	(erf) = vpow2.f32 v1;
	_ =	sdelay $0x8  }
0x2e3: {  	v1 =	vpop (erf)  }
0x2e4: {  	[tilespmem:s0+$0xFFFFFFD0] =	vst v1  }
0x2e5: {  	v1 =	vld [tilespmem:s28+$0xFFFFFFE0]  }
0x2e6: {  	v2 =	vld [tilespmem:s29+$0xFFFFFFE0];
	_ =	sdelay $0x4  }
0x2e7: {  	v1 =	vadd.f32 v2, v1;
	_ =	sdelay $0x1  }
0x2e8: {  	v2 =	vmul.f32 $2.000000030e-01, v1;
	_ =	sdelay $0x1  }
0x2e9: {  	v1 =	vmax.f32 v1, v2  }
0x2ea: {  	v1 =	vmul.f32 $1.442695020e+00, v1;
	_ =	sdelay $0x1  }
0x2eb: {  	(erf) = vpow2.f32 v1;
	_ =	sdelay $0x8  }
0x2ec: {  	v1 =	vpop (erf)  }
0x2ed: {  	[tilespmem:s0+$0xFFFFFFE0] =	vst v1  }
0x2ee: {  	v1 =	vld [tilespmem:s28+$0xFFFFFFF0]  }
0x2ef: {  	v2 =	vld [tilespmem:s29+$0xFFFFFFF0];
	_ =	sdelay $0x4  }
0x2f0: {  	v1 =	vadd.f32 v2, v1;
	_ =	sdelay $0x1  }
0x2f1: {  	v2 =	vmul.f32 $2.000000030e-01, v1;
	_ =	sdelay $0x1  }
0x2f2: {  	v1 =	vmax.f32 v1, v2  }
0x2f3: {  	v1 =	vmul.f32 $1.442695020e+00, v1;
	_ =	sdelay $0x1  }
0x2f4: {  	(erf) = vpow2.f32 v1;
	_ =	sdelay $0x8  }
0x2f5: {  	v1 =	vpop (erf)  }
0x2f6: {  	[tilespmem:s0+$0xFFFFFFF0] =	vst v1  }
0x2f7: {  	v1 =	vld [tilespmem:s28+$0x0]  }
0x2f8: {  	v2 =	vld [tilespmem:s29+$0x0];
	_ =	sdelay $0x4  }
0x2f9: {  	v1 =	vadd.f32 v2, v1;
	_ =	sdelay $0x1  }
0x2fa: {  	v2 =	vmul.f32 $2.000000030e-01, v1;
	_ =	sdelay $0x1  }
0x2fb: {  	v1 =	vmax.f32 v1, v2  }
0x2fc: {  	v1 =	vmul.f32 $1.442695020e+00, v1;
	_ =	sdelay $0x1  }
0x2fd: {  	(erf) = vpow2.f32 v1;
	_ =	sdelay $0x8  }
0x2fe: {  	v1 =	vpop (erf)  }
0x2ff: {  	[tilespmem:s0+$0x0] =	vst v1  }
0x300: {  	v1 =	vld [tilespmem:s28+$0x10]  }
0x301: {  	v2 =	vld [tilespmem:s29+$0x10];
	_ =	sdelay $0x4  }
0x302: {  	v1 =	vadd.f32 v2, v1;
	_ =	sdelay $0x1  }
0x303: {  	v2 =	vmul.f32 $2.000000030e-01, v1;
	_ =	sdelay $0x1  }
0x304: {  	v1 =	vmax.f32 v1, v2  }
0x305: {  	v1 =	vmul.f32 $1.442695020e+00, v1;
	_ =	sdelay $0x1  }
0x306: {  	(erf) = vpow2.f32 v1;
	_ =	sdelay $0x8  }
0x307: {  	v1 =	vpop (erf)  }
0x308: {  	[tilespmem:s0+$0x10] =	vst v1  }
0x309: {  	v1 =	vld [tilespmem:s28+$0x20]  }
0x30a: {  	v2 =	vld [tilespmem:s29+$0x20];
	_ =	sdelay $0x4  }
0x30b: {  	v1 =	vadd.f32 v2, v1;
	_ =	sdelay $0x1  }
0x30c: {  	v2 =	vmul.f32 $2.000000030e-01, v1;
	_ =	sdelay $0x1  }
0x30d: {  	v1 =	vmax.f32 v1, v2  }
0x30e: {  	v1 =	vmul.f32 $1.442695020e+00, v1;
	_ =	sdelay $0x1  }
0x30f: {  	(erf) = vpow2.f32 v1;
	_ =	sdelay $0x8  }
0x310: {  	v1 =	vpop (erf)  }
0x311: {  	[tilespmem:s0+$0x20] =	vst v1  }
0x312: {  	v1 =	vld [tilespmem:s28+$0x30]  }
0x313: {  	v2 =	vld [tilespmem:s29+$0x30];
	_ =	sdelay $0x4  }
0x314: {  	v1 =	vadd.f32 v2, v1;
	_ =	sdelay $0x1  }
0x315: {  	v2 =	vmul.f32 $2.000000030e-01, v1;
	_ =	sdelay $0x1  }
0x316: {  	v1 =	vmax.f32 v1, v2  }
.Ltmp6:
0x317: {  	v1 =	vmul.f32 $1.442695020e+00, v1;
	(pc) =	sbr.rel @p0 .LBB2_14-.Ltmp6, $3  }
0x318: {  	_ = 	snop  }
0x319: {  	(erf) = vpow2.f32 v1;
	_ =	sdelay $0x1  }
0x31a: {  	s28 =	sadd.s32 $0x80, s28  }
0x31b: {  	_ =	sdelay $0x5  }
0x31c: {  	v1 =	vpop (erf)  }
0x31d: {  	[tilespmem:s12+$0x30] =	vst v1  }
0x31e: {  	[spmem:s3] =	stream.indirect.scatter.add.f32 [tilespmem:s15], [sflag:$0x3], $0x10, s16, s16, $0xb8;
	[tilespmem:$0x1D740] =	vst v63  }
0x31f: {  	_ =	swait.ge [sflag:s14], $0x500  }
0x320: {  	[sflag:s14] =	ssyncset.done $0x0  }
0x321: {  	s11 =	simm.s32 $0xAB0;
	[sflag:s14] =	ssyncadd.s32 $0xFFFFFB00  }
0x322: {  	v2 =	vld [tilespmem:s11+$0xFFFFFFF0]  }
0x323: {  	s0 =	simm.s32 $0x1020  }
0x324: {  	v4 =	vld [tilespmem:s0+$0xFFFFFFC0]  }
0x325: {  	v5 =	vld [tilespmem:s0+$0xFFFFFF90]  }
0x326: {  	v8 =	vld [tilespmem:s0+$0xFFFFFFB0]  }
0x327: {  	v1 =	vld [tilespmem:s0+$0xFFFFFFE0];
	v6 =	vbroadcast v2, $0x4  }
0x328: {  	v7 =	vld [tilespmem:s0+$0xFFFFFFA0];
	v3 =	vbroadcast v2, $0x0  }
0x329: {  	v10 =	vbroadcast v2, $0x1;
	v11 =	vmul.f32 v4, v6;
	v4 =	vld [tilespmem:s0+$0xFFFFFF80]  }
0x32a: {  	v9 =	vbroadcast v2, $0x2;
	v13 =	vbroadcast v2, $0x3;
	v6 =	vld [tilespmem:s0+$0xFFFFFFF0]  }
0x32b: {  	v12 =	vmul.f32 v5, v10;
	v5 =	vbroadcast v2, $0x5  }
0x32c: {  	s28 =	simm.s32 $0x0;
	s29 =	simm.s32 $0x1020;
	s12 =	simm.s32 $0xAB0;
	v10 =	vmul.f32 v8, v13;
	v8 =	vld [tilespmem:s0+$0xFFFFFFD0];
	[tilespmem:s0+$0xFFFFFFC0] =	vst v11;
	v11 =	vbroadcast v2, $0x6  }
.LBB2_16:
0x32d: {  	s28 =	sadd.s32 $0x2, s28;
	[tilespmem:s0+$0xFFFFFF90] =	vst v12;
	v7 =	vmul.f32 v7, v9;
	v2 =	vbroadcast v2, $0x7;
	s11 =	sadd.s32 $0x20, s11;
	s29 =	sadd.s32 $0x100, s29  }
0x32e: {  	p0 =	slt.u32 s28, $0x4E;
	v3 =	vmul.f32 v3, v4;
	[tilespmem:s0+$0xFFFFFFB0] =	vst v10;
	v1 =	vmul.f32 v1, v11  }
0x32f: {  	[tilespmem:s0+$0xFFFFFFA0] =	vst v7;
	v2 =	vmul.f32 v6, v2  }
0x330: {  	[tilespmem:s0+$0xFFFFFFE0] =	vst v1  }
0x331: {  	v1 =	vmul.f32 v8, v5;
	[tilespmem:s0+$0xFFFFFFF0] =	vst v2  }
0x332: {  	[tilespmem:s0+$0xFFFFFF80] =	vst v3  }
0x333: {  	[tilespmem:s0+$0xFFFFFFD0] =	vst v1;
	v1 =	vld [tilespmem:s0+$0x10]  }
0x334: {  	v2 =	vld [tilespmem:s12+$0x0];
	s12 =	smov.u32 s11  }
0x335: {  	v3 =	vld [tilespmem:s0+$0x70]  }
0x336: {  	v4 =	vld [tilespmem:s0+$0x0]  }
0x337: {  	v5 =	vld [tilespmem:s0+$0x20]  }
0x338: {  	v6 =	vld [tilespmem:s0+$0x40]  }
0x339: {  	v7 =	vbroadcast v2, $0x0;
	v8 =	vld [tilespmem:s0+$0x30];
	v9 =	vbroadcast v2, $0x7  }
0x33a: {  	v10 =	vbroadcast v2, $0x2;
	v12 =	vbroadcast v2, $0x6;
	v11 =	vld [tilespmem:s0+$0x60]  }
0x33b: {  	v4 =	vmul.f32 v7, v4;
	v7 =	vbroadcast v2, $0x4;
	v13 =	vld [tilespmem:s0+$0x50]  }
0x33c: {  	v5 =	vmul.f32 v5, v10;
	v10 =	vbroadcast v2, $0x3  }
0x33d: {  	[tilespmem:s0+$0x0] =	vst v4;
	v4 =	vbroadcast v2, $0x1;
	v6 =	vmul.f32 v6, v7  }
0x33e: {  	v2 =	vbroadcast v2, $0x5;
	[tilespmem:s0+$0x20] =	vst v5;
	v5 =	vmul.f32 v8, v10  }
0x33f: {  	v3 =	vmul.f32 v3, v9;
	[tilespmem:s0+$0x40] =	vst v6;
	v6 =	vmul.f32 v11, v12  }
0x340: {  	v1 =	vmul.f32 v1, v4;
	[tilespmem:s0+$0x30] =	vst v5;
	v2 =	vmul.f32 v13, v2  }
0x341: {  	[tilespmem:s0+$0x70] =	vst v3  }
0x342: {  	[tilespmem:s0+$0x10] =	vst v1  }
0x343: {  	[tilespmem:s0+$0x60] =	vst v6  }
0x344: {  	[tilespmem:s0+$0x50] =	vst v2;
	s0 =	smov.u32 s29  }
0x345: {  	v2 =	vld [tilespmem:s11+$0xFFFFFFF0]  }
0x346: {  	v1 =	vld [tilespmem:s29+$0xFFFFFFE0]  }
0x347: {  	v5 =	vld [tilespmem:s29+$0xFFFFFFC0]  }
0x348: {  	v8 =	vld [tilespmem:s29+$0xFFFFFF90]  }
0x349: {  	v10 =	vld [tilespmem:s29+$0xFFFFFFB0]  }
.Ltmp7:
0x34a: {  	v3 =	vbroadcast v2, $0x0;
	v7 =	vld [tilespmem:s29+$0xFFFFFFA0];
	v6 =	vbroadcast v2, $0x4;
	(pc) =	sbr.rel @p0 .LBB2_16-.Ltmp7, $4  }
0x34b: {  	v11 =	vbroadcast v2, $0x1;
	v9 =	vbroadcast v2, $0x2;
	v4 =	vld [tilespmem:s29+$0xFFFFFF80]  }
0x34c: {  	v13 =	vbroadcast v2, $0x3;
	v14 =	vmul.f32 v5, v6;
	v6 =	vld [tilespmem:s29+$0xFFFFFFF0]  }
0x34d: {  	v5 =	vbroadcast v2, $0x5;
	v12 =	vmul.f32 v8, v11  }
0x34e: {  	v11 =	vbroadcast v2, $0x6;
	v10 =	vmul.f32 v10, v13;
	[tilespmem:s29+$0xFFFFFFC0] =	vst v14;
	v8 =	vld [tilespmem:s29+$0xFFFFFFD0]  }
0x34f: {  	[tilespmem:s0+$0xFFFFFF90] =	vst v12;
	v7 =	vmul.f32 v7, v9  }
0x350: {  	v2 =	vbroadcast v2, $0x7;
	[tilespmem:s0+$0xFFFFFFB0] =	vst v10;
	v1 =	vmul.f32 v1, v11  }
0x351: {  	v3 =	vmul.f32 v3, v4;
	[tilespmem:s0+$0xFFFFFFA0] =	vst v7  }
0x352: {  	v2 =	vmul.f32 v6, v2;
	[tilespmem:s0+$0xFFFFFFE0] =	vst v1  }
0x353: {  	[tilespmem:s0+$0xFFFFFF80] =	vst v3;
	v1 =	vmul.f32 v8, v5  }
0x354: {  	[tilespmem:s0+$0xFFFFFFF0] =	vst v2  }
0x355: {  	[tilespmem:s0+$0xFFFFFFD0] =	vst v1  }
0x356: {  	v1 =	vld [tilespmem:s12+$0x0];
	_ =	sdelay $0x2  }
0x357: {  	v2 =	vld [tilespmem:s0+$0x0]  }
0x358: {  	v3 =	vld [tilespmem:s0+$0x20]  }
0x359: {  	v56 =	vld [tilespmem:s0+$0x10];
	v52 =	vbroadcast v1, $0x0;
	v55 =	vbroadcast v1, $0x2  }
0x35a: {  	v61 =	vld [tilespmem:s0+$0x50];
	v57 =	vbroadcast v1, $0x4;
	v59 =	vbroadcast v1, $0x3  }
0x35b: {  	v51 =	vld [tilespmem:s0+$0x40];
	v60 =	vbroadcast v1, $0x7;
	v62 =	vbroadcast v1, $0x1  }
0x35c: {  	v53 =	vld [tilespmem:s0+$0x30];
	v63 =	vbroadcast v1, $0x6;
	v2 =	vmul.f32 v52, v2  }
0x35d: {  	v54 =	vld [tilespmem:s0+$0x70];
	v1 =	vbroadcast v1, $0x5;
	v3 =	vmul.f32 v3, v55  }
0x35e: {  	v58 =	vld [tilespmem:s0+$0x60];
	v4 =	vmul.f32 v56, v62;
	[tilespmem:s0+$0x0] =	vst v2  }
0x35f: {  	v1 =	vmul.f32 v61, v1;
	[tilespmem:s0+$0x20] =	vst v3  }
0x360: {  	v2 =	vmul.f32 v51, v57;
	[tilespmem:s0+$0x10] =	vst v4  }
0x361: {  	v3 =	vmul.f32 v53, v59;
	[tilespmem:s0+$0x50] =	vst v1  }
0x362: {  	[tilespmem:s0+$0x40] =	vst v2;
	v2 =	vmul.f32 v54, v60  }
0x363: {  	[tilespmem:s0+$0x30] =	vst v3;
	v3 =	vmul.f32 v58, v63  }
0x364: {  	[tilespmem:s0+$0x70] =	vst v2  }
0x365: {  	[tilespmem:s0+$0x60] =	vst v3  }
0x366: {  	[spmem:s2] =	stream.indirect.scatter.add.f32 [tilespmem:s13], [sflag:$0x3], $0x80, s16, s16, $0xb8;
	[tilespmem:$0x1D740] =	vst v63  }
0x367: {  	_ =	swait.ge [sflag:s14], $0x2800  }
0x368: {  	[sflag:s14] =	ssyncset.done $0x0  }
0x369: {  	[sflag:s14] =	ssyncadd.s32 $0xFFFFD800  }
0x36a: {  	s30 =	stileid.u32;
	[bflag:$0x0] =	sbarrier.arrive $0xFFFF  }
0x36b: {  	s0 =	sshll.u32 s30, $0x6;
	s28 =	rddreg [dreg:$0x5]  }
0x36c: {  	s0 =	sor.u32 $0x1C03, s0;
	s31 =	rddreg [dreg:$0x18];
	s11 =	sshrl.u32 s28, $0x3  }
0x36d: {  	[hbm:s31], [sflag:s0] =	dma.local [spmem:s11], $0x2800  }
0x36e: {  	_ =	swait.ge [sflag:s14], $0x2800  }
0x36f: {  	[sflag:s14] =	ssyncset.done $0x0;
	s29 =	rddreg [dreg:$0x6]  }
0x370: {  	s31 =	rddreg [dreg:$0xe];
	[sflag:s14] =	ssyncadd.s32 $0xFFFFD800;
	s30 =	sshrl.u32 s29, $0x3  }
0x371: {  	[hbm:s31], [sflag:s0] =	dma.local [spmem:s30], $0x500  }
0x372: {  	_ =	swait.ge [sflag:s14], $0x500  }
0x373: {  	s30 =	rddreg [dreg:$0x1a]  }
0x374: {  	s31 =	rddreg [dreg:$0x19];
	s11 =	sadd.s32 $0x1, s30  }
0x375: {  	p0 =	sne.s32 s11, s31  }
.Ltmp8:
0x376: {  	_ = 	snop;
	(pc) =	sbr.rel @p0 .LBB2_1-.Ltmp8, $3  }
0x377: {  	_ =	sdelay $0x1  }
0x378: {  	[sflag:s14] =	ssyncset.done $0x0  }
0x379: {  	[sflag:s14] =	ssyncadd.s32 $0xFFFFFB00  }
0x37a: {  	_ =	sfence.sel $0x180000  }
0x37b: {  	[bflag:$0x0] =	sbarrier.arrive $0xFFFF  }
0x37c: {  	_ =	strace $0x90000047  }
0x37d: {  	s0 =	stileid.u32;
	[bflag:$0x2] =	sbarrier.arrive $0xFFFF  }
0x37e: {  	p0 =	sne.s32 s0, $0x0;
	s0 =	rddreg [dreg:$0x4]  }
0x37f: {  	s0 =	sadd.s32 @!p0 $0x100000, s0  }
0x380: {  	[sflag:s0] =	ssyncadd.tile.s32 @!p0 $0x1;
	_ =	shalt  }
.Lfunc_end2:
_tile_overlayer_lowered:
.L_overlay_start_2:
0x381: {  	(tag) =	ssettag $0x2  }
0x382: {  	s0 =	rddreg [dreg:$0x0];
	s2 =	stileid.u32  }
0x383: {  	s1 =	rddreg [dreg:$0x1];
	p0 =	sne.s32 s2, $0x0  }
0x384: {  	s3 =	rddreg [dreg:$0x2];
	[bflag:$0x3] =	sbarrier.arrive $0xFFFF;
	s2 =	simm.s32 @!p0 $0x1C03  }
0x385: {  	[timem:s3], [sflag:s2] =	dma.local @!p0 [hbm:s0], s1  }
0x386: {  	s0 =	simm.s32 @!p0 $0x3  }
0x387: {  	_ =	swait.ge @!p0 [sflag:s0], s1  }
0x388: {  	s1 =	ssub.s32 @!p0 $0x0, s1;
	[sflag:s0] =	ssyncset.done @!p0 $0x0  }
0x389: {  	[sflag:s0] =	ssyncadd.s32 @!p0 s1  }
0x38a: {  	[bflag:$0x3] =	sbarrier.arrive $0xFFFF  }
0x38b: {  	_ =	shalt  }

</sc_bundles>
